<compile_context>
chip_gen: v7x
topology: tpu7x:2x2x1
jax: 0.10.2.dev20260603
libtpu: 0.0.44.dev20260713+nightly
codegen_flags: <defaults>
</compile_context>

<pallas_src>
import functools

import numpy as np
import jax
import jax.numpy as jnp
from jax import lax
from jax.experimental import pallas as pl
from jax.experimental.pallas import tpu as pltpu
from jax.experimental.pallas import tpu_sc as plsc

_B = 4096
_F = 26
_V = 100000
_D = 64
_NF = _F + 1
_NI = _NF * (_NF - 1) // 2
_H0, _H1 = 512, 256
_DENSE = 13

_NC = 2
_NS = 16
_NW = _NC * _NS
_CH = 128
_K = (_B * _F) // (_NW * _CH)

_BB = 256


def _sc_gather(table, idx3):
    mesh = plsc.VectorSubcoreMesh(core_axis_name="c", subcore_axis_name="s")
    nbuf = 4

    @functools.partial(
        pl.kernel,
        mesh=mesh,
        out_type=jax.ShapeDtypeStruct((_B * _F, _D), jnp.float32),
        scratch_types=(
            [pltpu.VMEM((_K, _CH), jnp.int32),
             pltpu.VMEM((nbuf, _CH, _D), jnp.float32)]
            + [pltpu.SemaphoreType.DMA] * (2 * nbuf)
        ),
        compiler_params=pltpu.CompilerParams(use_tc_tiling_on_sc=False),
    )
    def k(table_hbm, idx_hbm, out_hbm, idx_v, rows_v, *sems):
        gsems, ssems = sems[:nbuf], sems[nbuf:]
        wid = lax.axis_index("s") * _NC + lax.axis_index("c")
        pltpu.sync_copy(idx_hbm.at[wid], idx_v)
        base = wid * (_K * _CH)

        gd = [None] * _K
        sd = [None] * _K
        for j in range(_K + nbuf - 1):
            if j < _K:
                b = j % nbuf
                if j >= nbuf:
                    sd[j - nbuf].wait()
                gd[j] = pltpu.async_copy(
                    table_hbm.at[idx_v.at[j]], rows_v.at[b], gsems[b])
            i = j - (nbuf - 1)
            if i >= 0:
                gd[i].wait()
                sd[i] = pltpu.async_copy(
                    rows_v.at[i % nbuf],
                    out_hbm.at[pl.ds(base + i * _CH, _CH)],
                    ssems[i % nbuf])
        for i in range(_K - nbuf, _K):
            sd[i].wait()

    return k(table, idx3)


def _tc_body(xd, gv, bw0, bb0, bw1, bb1, bw2, bb2, w0z, w0d, tb0, tw1,
             tb1, tw2, tb2, out):
    f32 = jnp.float32
    h = jnp.maximum(jnp.dot(xd[...], bw0[...], preferred_element_type=f32) + bb0[...], 0.0)
    h = jnp.maximum(jnp.dot(h, bw1[...], preferred_element_type=f32) + bb1[...], 0.0)
    dense = jnp.dot(h, bw2[...], preferred_element_type=f32) + bb2[...]

    emb_rows = gv[...]
    c = jnp.concatenate([emb_rows, dense[:, None, :]], axis=1)
    zee = lax.dot_general(c, c, (((2,), (2,)), ((0,), (0,))),
                          preferred_element_type=f32)
    z = jnp.concatenate([zee[:, i, :] for i in range(_NF)], axis=1)

    t = (jnp.dot(z, w0z[...], preferred_element_type=f32)
         + jnp.dot(dense, w0d[...], preferred_element_type=f32) + tb0[...])
    t = jnp.maximum(t, 0.0)
    t = jnp.maximum(jnp.dot(t, tw1[...], preferred_element_type=f32) + tb1[...], 0.0)
    out[...] = jnp.dot(t, tw2[...], preferred_element_type=f32) + tb2[...]


def _tc_forward(x_dense, gv, bw0, bb0, bw1, bb1, bw2, bb2, w0z, w0d,
                tb0, tw1, tb1, tw2, tb2):
    nblk = _B // _BB

    def full(*shape):
        rank = len(shape)
        return pl.BlockSpec(shape, lambda i, _r=rank: (0,) * _r)

    grid_spec = pl.GridSpec(
        grid=(nblk,),
        in_specs=[
            pl.BlockSpec((_BB, _DENSE), lambda i: (i, 0)),
            pl.BlockSpec((_BB, _F, _D), lambda i: (i, 0, 0)),
            full(_DENSE, _H0), full(1, _H0),
            full(_H0, _H1), full(1, _H1),
            full(_H1, _D), full(1, _D),
            full(_NF * _NF, _H0), full(_D, _H0), full(1, _H0),
            full(_H0, _H1), full(1, _H1),
            full(_H1, 1), full(1, 1),
        ],
        out_specs=pl.BlockSpec((_BB, 1), lambda i: (i, 0)),
    )
    return pl.pallas_call(
        _tc_body,
        grid_spec=grid_spec,
        out_shape=jax.ShapeDtypeStruct((_B, 1), jnp.float32),
    )(x_dense, gv, bw0, bb0, bw1, bb1, bw2, bb2, w0z, w0d, tb0, tw1,
      tb1, tw2, tb2)


def kernel(x_sparse, x_dense, emb, bw0, bb0, bw1, bb1, bw2, bb2, tw0, tb0,
           tw1, tb1, tw2, tb2):
    table = emb.reshape(_F * _V, _D)
    flat_idx = (x_sparse.astype(jnp.int32)
                + (jnp.arange(_F, dtype=jnp.int32) * _V)[None, :])
    idx3 = flat_idx.reshape(_NW, _K, _CH)

    gv = _sc_gather(table, idx3).reshape(_B, _F, _D)

    iu, ju = np.triu_indices(_NF, k=1)
    w0z = jnp.zeros((_NF * _NF, _H0), jnp.float32).at[
        jnp.asarray(iu * _NF + ju)].set(tw0[:_NI])
    w0d = tw0[_NI:]

    return _tc_forward(
        x_dense, gv, bw0, bb0.reshape(1, -1), bw1, bb1.reshape(1, -1),
        bw2, bb2.reshape(1, -1), w0z, w0d, tb0.reshape(1, -1), tw1,
        tb1.reshape(1, -1), tw2, tb2.reshape(1, -1))

# --- scband reference (transcript-rebuilt; emitter-appended) ---
"""Pipeline reference for scband-dlrmmodel-15745350107453 (READ-ONLY COPY).

The authoritative reference and input builder live on the scoring server;
editing this copy changes nothing except your own understanding.
"""

import jax, jax.numpy as jnp
import numpy as np

B = 4096
F = 26
V = 100000
D = 64
DENSE = 13
BOTTOM = [DENSE, 512, 256, D]
NUM_INTER = (F + 1) * F // 2
TOP = [NUM_INTER + D, 512, 256, 1]


def _mk_linear(k, din, dout):
    w = jax.random.normal(k, (din, dout), dtype=jnp.float32) * (1.0 / np.sqrt(din))
    b = jnp.zeros((dout,), dtype=jnp.float32)
    return w, b


def setup_inputs(seed: int = 0) -> dict:
    key = jax.random.key(seed)
    ks = jax.random.split(key, 16)
    inp = {}
    inp["x_sparse"] = jax.random.randint(ks[0], (B, F), 0, V, dtype=jnp.int32)
    inp["x_dense"] = jax.random.normal(ks[1], (B, DENSE), dtype=jnp.float32)
    inp["emb"] = jax.random.normal(ks[2], (F, V, D), dtype=jnp.float32) * 0.01
    for i in range(3):
        w, b = _mk_linear(ks[3 + i], BOTTOM[i], BOTTOM[i + 1])
        inp[f"bw{i}"] = w
        inp[f"bb{i}"] = b
    for i in range(3):
        w, b = _mk_linear(ks[6 + i], TOP[i], TOP[i + 1])
        inp[f"tw{i}"] = w
        inp[f"tb{i}"] = b
    return inp


def reference(x_sparse, x_dense, emb, bw0, bb0, bw1, bb1, bw2, bb2, tw0, tb0, tw1, tb1, tw2, tb2):
    # FeatureEmbedding: per-field table lookup -> (B, F, D)
    sparse_embeds = emb[jnp.arange(F)[None, :], x_sparse]
    # Bottom MLP (dropout=0, batchnorm=False): Linear->ReLU, Linear->ReLU, Linear
    h = jax.nn.relu(x_dense @ bw0 + bb0)
    h = jax.nn.relu(h @ bw1 + bb1)
    dense_out = h @ bw2 + bb2  # (B, D)
    # DotInteraction over sparse embeds + dense projection: (B, F+1, D)
    combined = jnp.concatenate([sparse_embeds, dense_out[:, None, :]], axis=1)
    z = jnp.einsum('bnd,bmd->bnm', combined, combined)
    iu, ju = np.triu_indices(F + 1, k=1)  # same (i, j<i+1..) ordering as torch loop
    interactions = z[:, iu, ju]  # (B, NUM_INTER)
    # Top MLP
    t = jnp.concatenate([interactions, dense_out], axis=1)
    h = jax.nn.relu(t @ tw0 + tb0)
    h = jax.nn.relu(h @ tw1 + tb1)
    out = h @ tw2 + tb2  # (B, 1)
    return out

if __name__ == "__main__":
    import jax
    _d = setup_inputs()
    print(jax.jit(kernel)(*tuple(_d.values())))

</pallas_src>

<mosaic_0001>
#map = affine_map<(d0, d1) -> (0, 0)>
#map1 = affine_map<(d0, d1) -> (0, 0, 0)>
module attributes {stable_mosaic.version = 14 : i64} {
  func.func @k(%arg0: i32, %arg1: i32, %arg2: memref<2600000x64xf32, #tpu.memory_space<hbm>>, %arg3: memref<32x26x128xi32, #tpu.memory_space<hbm>>, %arg4: memref<106496x64xf32, #tpu.memory_space<hbm>>, %arg5: memref<26x128xi32, #tpu.memory_space<vmem>>, %arg6: memref<4x128x64xf32, #tpu.memory_space<vmem>>, %arg7: memref<!tpu.dma_semaphore, #tpu.memory_space<semaphore_mem>>, %arg8: memref<!tpu.dma_semaphore, #tpu.memory_space<semaphore_mem>>, %arg9: memref<!tpu.dma_semaphore, #tpu.memory_space<semaphore_mem>>, %arg10: memref<!tpu.dma_semaphore, #tpu.memory_space<semaphore_mem>>, %arg11: memref<!tpu.dma_semaphore, #tpu.memory_space<semaphore_mem>>, %arg12: memref<!tpu.dma_semaphore, #tpu.memory_space<semaphore_mem>>, %arg13: memref<!tpu.dma_semaphore, #tpu.memory_space<semaphore_mem>>, %arg14: memref<!tpu.dma_semaphore, #tpu.memory_space<semaphore_mem>>) attributes {dimension_semantics = [#tpu.dimension_semantics<core_parallel>, #tpu.dimension_semantics<subcore_parallel>], iteration_bounds = array<i64: 2, 16>, scalar_prefetch = 0 : i64, scratch_operands = 10 : i64, tpu.core_type = #tpu.core_type<sc_vector_subcore>, window_params = [{transform_indices = #map}, {transform_indices = #map1}, {transform_indices = #map}]} {
    %mul3A = arith.constant 2 : i32
    %mul3A_0 = arith.muli %arg1, %mul3A : i32
    %add3A = arith.addi %mul3A_0, %arg0 : i32
    "tpu.region"() ({
      %run_scoped3A = tpu.sem_alloc : memref<!tpu.dma_semaphore, #tpu.memory_space<semaphore_mem>>
      %dma_start3A_1353 = arith.constant 0 : i32
      %dma_start3A_1354 = arith.constant 0 : i32
      %dma_start3A_1355 = tpu.memref_slice %arg3[%add3A, %dma_start3A_1353, %dma_start3A_1354] : memref<32x26x128xi32, #tpu.memory_space<hbm>> -> memref<1x26x128xi32, #tpu.memory_space<hbm>>
      %dma_start3A_1356 = tpu.memref_squeeze %dma_start3A_1355 : memref<1x26x128xi32, #tpu.memory_space<hbm>> -> memref<26x128xi32, #tpu.memory_space<hbm>>
      %dma_start3A_1357 = arith.constant 0 : i32
      %dma_start3A_1358 = arith.constant 0 : i32
      %dma_start3A_1359 = tpu.memref_slice %arg3[%add3A, %dma_start3A_1357, %dma_start3A_1358] : memref<32x26x128xi32, #tpu.memory_space<hbm>> -> memref<1x26x128xi32, #tpu.memory_space<hbm>>
      %dma_start3A_1360 = tpu.memref_squeeze %dma_start3A_1359 : memref<1x26x128xi32, #tpu.memory_space<hbm>> -> memref<26x128xi32, #tpu.memory_space<hbm>>
      tpu.enqueue_dma source(%dma_start3A_1360 : memref<26x128xi32, #tpu.memory_space<hbm>>) target(%arg5 : memref<26x128xi32, #tpu.memory_space<vmem>>) target_semaphore(%run_scoped3A : memref<!tpu.dma_semaphore, #tpu.memory_space<semaphore_mem>>)
      %dma_wait3A_1361 = arith.constant 0 : i32
      %dma_wait3A_1362 = arith.constant 0 : i32
      %dma_wait3A_1363 = tpu.memref_slice %arg3[%add3A, %dma_wait3A_1361, %dma_wait3A_1362] : memref<32x26x128xi32, #tpu.memory_space<hbm>> -> memref<1x26x128xi32, #tpu.memory_space<hbm>>
      %dma_wait3A_1364 = tpu.memref_squeeze %dma_wait3A_1363 : memref<1x26x128xi32, #tpu.memory_space<hbm>> -> memref<26x128xi32, #tpu.memory_space<hbm>>
      %dma_wait3A_1365 = arith.constant 0 : i32
      %dma_wait3A_1366 = arith.constant 0 : i32
      %dma_wait3A_1367 = tpu.memref_slice %arg3[%add3A, %dma_wait3A_1365, %dma_wait3A_1366] : memref<32x26x128xi32, #tpu.memory_space<hbm>> -> memref<1x26x128xi32, #tpu.memory_space<hbm>>
      %dma_wait3A_1368 = tpu.memref_squeeze %dma_wait3A_1367 : memref<1x26x128xi32, #tpu.memory_space<hbm>> -> memref<26x128xi32, #tpu.memory_space<hbm>>
      tpu.wait_dma2 semaphore(%run_scoped3A : memref<!tpu.dma_semaphore, #tpu.memory_space<semaphore_mem>>) src(%dma_wait3A_1368 : memref<26x128xi32, #tpu.memory_space<hbm>>) dst(%arg5 : memref<26x128xi32, #tpu.memory_space<vmem>>)
      tpu.yield
    }) : () -> ()
    %mul3A_1 = arith.constant 3328 : i32
    %mul3A_2 = arith.muli %add3A, %mul3A_1 : i32
    %dma_start3A = arith.constant 0 : i32
    %dma_start3A_3 = arith.constant 0 : i32
    %dma_start3A_4 = arith.constant 0 : i32
    %dma_start3A_5 = arith.constant 0 : i32
    %dma_start3A_6 = tpu.memref_slice %arg6[%dma_start3A_3, %dma_start3A_4, %dma_start3A_5] : memref<4x128x64xf32, #tpu.memory_space<vmem>> -> memref<1x128x64xf32, #tpu.memory_space<vmem>>
    %dma_start3A_7 = tpu.memref_squeeze %dma_start3A_6 : memref<1x128x64xf32, #tpu.memory_space<vmem>> -> memref<128x64xf32, #tpu.memory_space<vmem>>
    %dma_start3A_8 = arith.constant 0 : i32
    %dma_start3A_9 = tpu.memref_slice %arg5[%dma_start3A, %dma_start3A_8] : memref<26x128xi32, #tpu.memory_space<vmem>> -> memref<1x128xi32, #tpu.memory_space<vmem>>
    %dma_start3A_10 = tpu.memref_squeeze %dma_start3A_9 : memref<1x128xi32, #tpu.memory_space<vmem>> -> memref<128xi32, #tpu.memory_space<vmem>>
    %dma_start3A_11 = arith.constant 0 : i32
    %dma_start3A_12 = arith.constant 0 : i32
    %dma_start3A_13 = tpu.memref_slice %arg2[%dma_start3A_11, %dma_start3A_12] : memref<2600000x64xf32, #tpu.memory_space<hbm>> -> memref<2600000x64xf32, #tpu.memory_space<hbm>>
    tpu.enqueue_indirect_dma source(%dma_start3A_13 : memref<2600000x64xf32, #tpu.memory_space<hbm>>) target(%dma_start3A_7 : memref<128x64xf32, #tpu.memory_space<vmem>>) offsets(%dma_start3A_10 : memref<128xi32, #tpu.memory_space<vmem>>) semaphore(%arg7 : memref<!tpu.dma_semaphore, #tpu.memory_space<semaphore_mem>>)
    %dma_start3A_14 = arith.constant 1 : i32
    %dma_start3A_15 = arith.constant 1 : i32
    %dma_start3A_16 = arith.constant 0 : i32
    %dma_start3A_17 = arith.constant 0 : i32
    %dma_start3A_18 = tpu.memref_slice %arg6[%dma_start3A_15, %dma_start3A_16, %dma_start3A_17] : memref<4x128x64xf32, #tpu.memory_space<vmem>> -> memref<1x128x64xf32, #tpu.memory_space<vmem>>
    %dma_start3A_19 = tpu.memref_squeeze %dma_start3A_18 : memref<1x128x64xf32, #tpu.memory_space<vmem>> -> memref<128x64xf32, #tpu.memory_space<vmem>>
    %dma_start3A_20 = arith.constant 0 : i32
    %dma_start3A_21 = tpu.memref_slice %arg5[%dma_start3A_14, %dma_start3A_20] : memref<26x128xi32, #tpu.memory_space<vmem>> -> memref<1x128xi32, #tpu.memory_space<vmem>>
    %dma_start3A_22 = tpu.memref_squeeze %dma_start3A_21 : memref<1x128xi32, #tpu.memory_space<vmem>> -> memref<128xi32, #tpu.memory_space<vmem>>
    %dma_start3A_23 = arith.constant 0 : i32
    %dma_start3A_24 = arith.constant 0 : i32
    %dma_start3A_25 = tpu.memref_slice %arg2[%dma_start3A_23, %dma_start3A_24] : memref<2600000x64xf32, #tpu.memory_space<hbm>> -> memref<2600000x64xf32, #tpu.memory_space<hbm>>
    tpu.enqueue_indirect_dma source(%dma_start3A_25 : memref<2600000x64xf32, #tpu.memory_space<hbm>>) target(%dma_start3A_19 : memref<128x64xf32, #tpu.memory_space<vmem>>) offsets(%dma_start3A_22 : memref<128xi32, #tpu.memory_space<vmem>>) semaphore(%arg8 : memref<!tpu.dma_semaphore, #tpu.memory_space<semaphore_mem>>)
    %dma_start3A_26 = arith.constant 2 : i32
    %dma_start3A_27 = arith.constant 2 : i32
    %dma_start3A_28 = arith.constant 0 : i32
    %dma_start3A_29 = arith.constant 0 : i32
    %dma_start3A_30 = tpu.memref_slice %arg6[%dma_start3A_27, %dma_start3A_28, %dma_start3A_29] : memref<4x128x64xf32, #tpu.memory_space<vmem>> -> memref<1x128x64xf32, #tpu.memory_space<vmem>>
    %dma_start3A_31 = tpu.memref_squeeze %dma_start3A_30 : memref<1x128x64xf32, #tpu.memory_space<vmem>> -> memref<128x64xf32, #tpu.memory_space<vmem>>
    %dma_start3A_32 = arith.constant 0 : i32
    %dma_start3A_33 = tpu.memref_slice %arg5[%dma_start3A_26, %dma_start3A_32] : memref<26x128xi32, #tpu.memory_space<vmem>> -> memref<1x128xi32, #tpu.memory_space<vmem>>
    %dma_start3A_34 = tpu.memref_squeeze %dma_start3A_33 : memref<1x128xi32, #tpu.memory_space<vmem>> -> memref<128xi32, #tpu.memory_space<vmem>>
    %dma_start3A_35 = arith.constant 0 : i32
    %dma_start3A_36 = arith.constant 0 : i32
    %dma_start3A_37 = tpu.memref_slice %arg2[%dma_start3A_35, %dma_start3A_36] : memref<2600000x64xf32, #tpu.memory_space<hbm>> -> memref<2600000x64xf32, #tpu.memory_space<hbm>>
    tpu.enqueue_indirect_dma source(%dma_start3A_37 : memref<2600000x64xf32, #tpu.memory_space<hbm>>) target(%dma_start3A_31 : memref<128x64xf32, #tpu.memory_space<vmem>>) offsets(%dma_start3A_34 : memref<128xi32, #tpu.memory_space<vmem>>) semaphore(%arg9 : memref<!tpu.dma_semaphore, #tpu.memory_space<semaphore_mem>>)
    %dma_start3A_38 = arith.constant 3 : i32
    %dma_start3A_39 = arith.constant 3 : i32
    %dma_start3A_40 = arith.constant 0 : i32
    %dma_start3A_41 = arith.constant 0 : i32
    %dma_start3A_42 = tpu.memref_slice %arg6[%dma_start3A_39, %dma_start3A_40, %dma_start3A_41] : memref<4x128x64xf32, #tpu.memory_space<vmem>> -> memref<1x128x64xf32, #tpu.memory_space<vmem>>
    %dma_start3A_43 = tpu.memref_squeeze %dma_start3A_42 : memref<1x128x64xf32, #tpu.memory_space<vmem>> -> memref<128x64xf32, #tpu.memory_space<vmem>>
    %dma_start3A_44 = arith.constant 0 : i32
    %dma_start3A_45 = tpu.memref_slice %arg5[%dma_start3A_38, %dma_start3A_44] : memref<26x128xi32, #tpu.memory_space<vmem>> -> memref<1x128xi32, #tpu.memory_space<vmem>>
    %dma_start3A_46 = tpu.memref_squeeze %dma_start3A_45 : memref<1x128xi32, #tpu.memory_space<vmem>> -> memref<128xi32, #tpu.memory_space<vmem>>
    %dma_start3A_47 = arith.constant 0 : i32
    %dma_start3A_48 = arith.constant 0 : i32
    %dma_start3A_49 = tpu.memref_slice %arg2[%dma_start3A_47, %dma_start3A_48] : memref<2600000x64xf32, #tpu.memory_space<hbm>> -> memref<2600000x64xf32, #tpu.memory_space<hbm>>
    tpu.enqueue_indirect_dma source(%dma_start3A_49 : memref<2600000x64xf32, #tpu.memory_space<hbm>>) target(%dma_start3A_43 : memref<128x64xf32, #tpu.memory_space<vmem>>) offsets(%dma_start3A_46 : memref<128xi32, #tpu.memory_space<vmem>>) semaphore(%arg10 : memref<!tpu.dma_semaphore, #tpu.memory_space<semaphore_mem>>)
    %dma_wait3A = arith.constant 0 : i32
    %dma_wait3A_50 = arith.constant 0 : i32
    %dma_wait3A_51 = arith.constant 0 : i32
    %dma_wait3A_52 = arith.constant 0 : i32
    %dma_wait3A_53 = tpu.memref_slice %arg6[%dma_wait3A_50, %dma_wait3A_51, %dma_wait3A_52] : memref<4x128x64xf32, #tpu.memory_space<vmem>> -> memref<1x128x64xf32, #tpu.memory_space<vmem>>
    %dma_wait3A_54 = tpu.memref_squeeze %dma_wait3A_53 : memref<1x128x64xf32, #tpu.memory_space<vmem>> -> memref<128x64xf32, #tpu.memory_space<vmem>>
    %dma_wait3A_55 = arith.constant 0 : i32
    %dma_wait3A_56 = tpu.memref_slice %arg5[%dma_wait3A, %dma_wait3A_55] : memref<26x128xi32, #tpu.memory_space<vmem>> -> memref<1x128xi32, #tpu.memory_space<vmem>>
    %dma_wait3A_57 = tpu.memref_squeeze %dma_wait3A_56 : memref<1x128xi32, #tpu.memory_space<vmem>> -> memref<128xi32, #tpu.memory_space<vmem>>
    %dma_wait3A_58 = arith.constant 0 : i32
    %dma_wait3A_59 = arith.constant 0 : i32
    %dma_wait3A_60 = tpu.memref_slice %arg2[%dma_wait3A_58, %dma_wait3A_59] : memref<2600000x64xf32, #tpu.memory_space<hbm>> -> memref<2600000x64xf32, #tpu.memory_space<hbm>>
    tpu.wait_indirect_dma semaphore(%arg7 : memref<!tpu.dma_semaphore, #tpu.memory_space<semaphore_mem>>) src(%dma_wait3A_60 : memref<2600000x64xf32, #tpu.memory_space<hbm>>) dst(%dma_wait3A_54 : memref<128x64xf32, #tpu.memory_space<vmem>>)
    %add3A_61 = arith.constant 0 : i32
    %add3A_62 = arith.addi %mul3A_2, %add3A_61 : i32
    %dma_start3A_63 = arith.constant 0 : i32
    %dma_start3A_64 = arith.constant 0 : i32
    %dma_start3A_65 = arith.constant 0 : i32
    %dma_start3A_66 = tpu.memref_slice %arg6[%dma_start3A_63, %dma_start3A_64, %dma_start3A_65] : memref<4x128x64xf32, #tpu.memory_space<vmem>> -> memref<1x128x64xf32, #tpu.memory_space<vmem>>
    %dma_start3A_67 = tpu.memref_squeeze %dma_start3A_66 : memref<1x128x64xf32, #tpu.memory_space<vmem>> -> memref<128x64xf32, #tpu.memory_space<vmem>>
    %dma_start3A_68 = arith.constant 0 : i32
    %dma_start3A_69 = tpu.memref_slice %arg4[%add3A_62, %dma_start3A_68] : memref<106496x64xf32, #tpu.memory_space<hbm>> -> memref<128x64xf32, #tpu.memory_space<hbm>>
    %dma_start3A_70 = arith.constant 0 : i32
    %dma_start3A_71 = tpu.memref_slice %arg4[%add3A_62, %dma_start3A_70] : memref<106496x64xf32, #tpu.memory_space<hbm>> -> memref<128x64xf32, #tpu.memory_space<hbm>>
    %dma_start3A_72 = arith.constant 0 : i32
    %dma_start3A_73 = arith.constant 0 : i32
    %dma_start3A_74 = tpu.memref_slice %arg6[%dma_start3A_63, %dma_start3A_72, %dma_start3A_73] : memref<4x128x64xf32, #tpu.memory_space<vmem>> -> memref<1x128x64xf32, #tpu.memory_space<vmem>>
    %dma_start3A_75 = tpu.memref_squeeze %dma_start3A_74 : memref<1x128x64xf32, #tpu.memory_space<vmem>> -> memref<128x64xf32, #tpu.memory_space<vmem>>
    tpu.enqueue_dma source(%dma_start3A_75 : memref<128x64xf32, #tpu.memory_space<vmem>>) target(%dma_start3A_71 : memref<128x64xf32, #tpu.memory_space<hbm>>) target_semaphore(%arg11 : memref<!tpu.dma_semaphore, #tpu.memory_space<semaphore_mem>>)
    %dma_wait3A_76 = arith.constant 0 : i32
    %dma_wait3A_77 = arith.constant 0 : i32
    %dma_wait3A_78 = arith.constant 0 : i32
    %dma_wait3A_79 = tpu.memref_slice %arg6[%dma_wait3A_76, %dma_wait3A_77, %dma_wait3A_78] : memref<4x128x64xf32, #tpu.memory_space<vmem>> -> memref<1x128x64xf32, #tpu.memory_space<vmem>>
    %dma_wait3A_80 = tpu.memref_squeeze %dma_wait3A_79 : memref<1x128x64xf32, #tpu.memory_space<vmem>> -> memref<128x64xf32, #tpu.memory_space<vmem>>
    %dma_wait3A_81 = arith.constant 0 : i32
    %dma_wait3A_82 = tpu.memref_slice %arg4[%add3A_62, %dma_wait3A_81] : memref<106496x64xf32, #tpu.memory_space<hbm>> -> memref<128x64xf32, #tpu.memory_space<hbm>>
    %dma_wait3A_83 = arith.constant 0 : i32
    %dma_wait3A_84 = tpu.memref_slice %arg4[%add3A_62, %dma_wait3A_83] : memref<106496x64xf32, #tpu.memory_space<hbm>> -> memref<128x64xf32, #tpu.memory_space<hbm>>
    %dma_wait3A_85 = arith.constant 0 : i32
    %dma_wait3A_86 = arith.constant 0 : i32
    %dma_wait3A_87 = tpu.memref_slice %arg6[%dma_wait3A_76, %dma_wait3A_85, %dma_wait3A_86] : memref<4x128x64xf32, #tpu.memory_space<vmem>> -> memref<1x128x64xf32, #tpu.memory_space<vmem>>
    %dma_wait3A_88 = tpu.memref_squeeze %dma_wait3A_87 : memref<1x128x64xf32, #tpu.memory_space<vmem>> -> memref<128x64xf32, #tpu.memory_space<vmem>>
    tpu.wait_dma2 semaphore(%arg11 : memref<!tpu.dma_semaphore, #tpu.memory_space<semaphore_mem>>) src(%dma_wait3A_88 : memref<128x64xf32, #tpu.memory_space<vmem>>) dst(%dma_wait3A_84 : memref<128x64xf32, #tpu.memory_space<hbm>>)
    %dma_start3A_89 = arith.constant 4 : i32
    %dma_start3A_90 = arith.constant 0 : i32
    %dma_start3A_91 = arith.constant 0 : i32
    %dma_start3A_92 = arith.constant 0 : i32
    %dma_start3A_93 = tpu.memref_slice %arg6[%dma_start3A_90, %dma_start3A_91, %dma_start3A_92] : memref<4x128x64xf32, #tpu.memory_space<vmem>> -> memref<1x128x64xf32, #tpu.memory_space<vmem>>
    %dma_start3A_94 = tpu.memref_squeeze %dma_start3A_93 : memref<1x128x64xf32, #tpu.memory_space<vmem>> -> memref<128x64xf32, #tpu.memory_space<vmem>>
    %dma_start3A_95 = arith.constant 0 : i32
    %dma_start3A_96 = tpu.memref_slice %arg5[%dma_start3A_89, %dma_start3A_95] : memref<26x128xi32, #tpu.memory_space<vmem>> -> memref<1x128xi32, #tpu.memory_space<vmem>>
    %dma_start3A_97 = tpu.memref_squeeze %dma_start3A_96 : memref<1x128xi32, #tpu.memory_space<vmem>> -> memref<128xi32, #tpu.memory_space<vmem>>
    %dma_start3A_98 = arith.constant 0 : i32
    %dma_start3A_99 = arith.constant 0 : i32
    %dma_start3A_100 = tpu.memref_slice %arg2[%dma_start3A_98, %dma_start3A_99] : memref<2600000x64xf32, #tpu.memory_space<hbm>> -> memref<2600000x64xf32, #tpu.memory_space<hbm>>
    tpu.enqueue_indirect_dma source(%dma_start3A_100 : memref<2600000x64xf32, #tpu.memory_space<hbm>>) target(%dma_start3A_94 : memref<128x64xf32, #tpu.memory_space<vmem>>) offsets(%dma_start3A_97 : memref<128xi32, #tpu.memory_space<vmem>>) semaphore(%arg7 : memref<!tpu.dma_semaphore, #tpu.memory_space<semaphore_mem>>)
    %dma_wait3A_101 = arith.constant 1 : i32
    %dma_wait3A_102 = arith.constant 1 : i32
    %dma_wait3A_103 = arith.constant 0 : i32
    %dma_wait3A_104 = arith.constant 0 : i32
    %dma_wait3A_105 = tpu.memref_slice %arg6[%dma_wait3A_102, %dma_wait3A_103, %dma_wait3A_104] : memref<4x128x64xf32, #tpu.memory_space<vmem>> -> memref<1x128x64xf32, #tpu.memory_space<vmem>>
    %dma_wait3A_106 = tpu.memref_squeeze %dma_wait3A_105 : memref<1x128x64xf32, #tpu.memory_space<vmem>> -> memref<128x64xf32, #tpu.memory_space<vmem>>
    %dma_wait3A_107 = arith.constant 0 : i32
    %dma_wait3A_108 = tpu.memref_slice %arg5[%dma_wait3A_101, %dma_wait3A_107] : memref<26x128xi32, #tpu.memory_space<vmem>> -> memref<1x128xi32, #tpu.memory_space<vmem>>
    %dma_wait3A_109 = tpu.memref_squeeze %dma_wait3A_108 : memref<1x128xi32, #tpu.memory_space<vmem>> -> memref<128xi32, #tpu.memory_space<vmem>>
    %dma_wait3A_110 = arith.constant 0 : i32
    %dma_wait3A_111 = arith.constant 0 : i32
    %dma_wait3A_112 = tpu.memref_slice %arg2[%dma_wait3A_110, %dma_wait3A_111] : memref<2600000x64xf32, #tpu.memory_space<hbm>> -> memref<2600000x64xf32, #tpu.memory_space<hbm>>
    tpu.wait_indirect_dma semaphore(%arg8 : memref<!tpu.dma_semaphore, #tpu.memory_space<semaphore_mem>>) src(%dma_wait3A_112 : memref<2600000x64xf32, #tpu.memory_space<hbm>>) dst(%dma_wait3A_106 : memref<128x64xf32, #tpu.memory_space<vmem>>)
    %add3A_113 = arith.constant 128 : i32
    %add3A_114 = arith.addi %mul3A_2, %add3A_113 : i32
    %dma_start3A_115 = arith.constant 1 : i32
    %dma_start3A_116 = arith.constant 0 : i32
    %dma_start3A_117 = arith.constant 0 : i32
    %dma_start3A_118 = tpu.memref_slice %arg6[%dma_start3A_115, %dma_start3A_116, %dma_start3A_117] : memref<4x128x64xf32, #tpu.memory_space<vmem>> -> memref<1x128x64xf32, #tpu.memory_space<vmem>>
    %dma_start3A_119 = tpu.memref_squeeze %dma_start3A_118 : memref<1x128x64xf32, #tpu.memory_space<vmem>> -> memref<128x64xf32, #tpu.memory_space<vmem>>
    %dma_start3A_120 = arith.constant 0 : i32
    %dma_start3A_121 = tpu.memref_slice %arg4[%add3A_114, %dma_start3A_120] : memref<106496x64xf32, #tpu.memory_space<hbm>> -> memref<128x64xf32, #tpu.memory_space<hbm>>
    %dma_start3A_122 = arith.constant 0 : i32
    %dma_start3A_123 = tpu.memref_slice %arg4[%add3A_114, %dma_start3A_122] : memref<106496x64xf32, #tpu.memory_space<hbm>> -> memref<128x64xf32, #tpu.memory_space<hbm>>
    %dma_start3A_124 = arith.constant 0 : i32
    %dma_start3A_125 = arith.constant 0 : i32
    %dma_start3A_126 = tpu.memref_slice %arg6[%dma_start3A_115, %dma_start3A_124, %dma_start3A_125] : memref<4x128x64xf32, #tpu.memory_space<vmem>> -> memref<1x128x64xf32, #tpu.memory_space<vmem>>
    %dma_start3A_127 = tpu.memref_squeeze %dma_start3A_126 : memref<1x128x64xf32, #tpu.memory_space<vmem>> -> memref<128x64xf32, #tpu.memory_space<vmem>>
    tpu.enqueue_dma source(%dma_start3A_127 : memref<128x64xf32, #tpu.memory_space<vmem>>) target(%dma_start3A_123 : memref<128x64xf32, #tpu.memory_space<hbm>>) target_semaphore(%arg12 : memref<!tpu.dma_semaphore, #tpu.memory_space<semaphore_mem>>)
    %dma_wait3A_128 = arith.constant 1 : i32
    %dma_wait3A_129 = arith.constant 0 : i32
    %dma_wait3A_130 = arith.constant 0 : i32
    %dma_wait3A_131 = tpu.memref_slice %arg6[%dma_wait3A_128, %dma_wait3A_129, %dma_wait3A_130] : memref<4x128x64xf32, #tpu.memory_space<vmem>> -> memref<1x128x64xf32, #tpu.memory_space<vmem>>
    %dma_wait3A_132 = tpu.memref_squeeze %dma_wait3A_131 : memref<1x128x64xf32, #tpu.memory_space<vmem>> -> memref<128x64xf32, #tpu.memory_space<vmem>>
    %dma_wait3A_133 = arith.constant 0 : i32
    %dma_wait3A_134 = tpu.memref_slice %arg4[%add3A_114, %dma_wait3A_133] : memref<106496x64xf32, #tpu.memory_space<hbm>> -> memref<128x64xf32, #tpu.memory_space<hbm>>
    %dma_wait3A_135 = arith.constant 0 : i32
    %dma_wait3A_136 = tpu.memref_slice %arg4[%add3A_114, %dma_wait3A_135] : memref<106496x64xf32, #tpu.memory_space<hbm>> -> memref<128x64xf32, #tpu.memory_space<hbm>>
    %dma_wait3A_137 = arith.constant 0 : i32
    %dma_wait3A_138 = arith.constant 0 : i32
    %dma_wait3A_139 = tpu.memref_slice %arg6[%dma_wait3A_128, %dma_wait3A_137, %dma_wait3A_138] : memref<4x128x64xf32, #tpu.memory_space<vmem>> -> memref<1x128x64xf32, #tpu.memory_space<vmem>>
    %dma_wait3A_140 = tpu.memref_squeeze %dma_wait3A_139 : memref<1x128x64xf32, #tpu.memory_space<vmem>> -> memref<128x64xf32, #tpu.memory_space<vmem>>
    tpu.wait_dma2 semaphore(%arg12 : memref<!tpu.dma_semaphore, #tpu.memory_space<semaphore_mem>>) src(%dma_wait3A_140 : memref<128x64xf32, #tpu.memory_space<vmem>>) dst(%dma_wait3A_136 : memref<128x64xf32, #tpu.memory_space<hbm>>)
    %dma_start3A_141 = arith.constant 5 : i32
    %dma_start3A_142 = arith.constant 1 : i32
    %dma_start3A_143 = arith.constant 0 : i32
    %dma_start3A_144 = arith.constant 0 : i32
    %dma_start3A_145 = tpu.memref_slice %arg6[%dma_start3A_142, %dma_start3A_143, %dma_start3A_144] : memref<4x128x64xf32, #tpu.memory_space<vmem>> -> memref<1x128x64xf32, #tpu.memory_space<vmem>>
    %dma_start3A_146 = tpu.memref_squeeze %dma_start3A_145 : memref<1x128x64xf32, #tpu.memory_space<vmem>> -> memref<128x64xf32, #tpu.memory_space<vmem>>
    %dma_start3A_147 = arith.constant 0 : i32
    %dma_start3A_148 = tpu.memref_slice %arg5[%dma_start3A_141, %dma_start3A_147] : memref<26x128xi32, #tpu.memory_space<vmem>> -> memref<1x128xi32, #tpu.memory_space<vmem>>
    %dma_start3A_149 = tpu.memref_squeeze %dma_start3A_148 : memref<1x128xi32, #tpu.memory_space<vmem>> -> memref<128xi32, #tpu.memory_space<vmem>>
    %dma_start3A_150 = arith.constant 0 : i32
    %dma_start3A_151 = arith.constant 0 : i32
    %dma_start3A_152 = tpu.memref_slice %arg2[%dma_start3A_150, %dma_start3A_151] : memref<2600000x64xf32, #tpu.memory_space<hbm>> -> memref<2600000x64xf32, #tpu.memory_space<hbm>>
    tpu.enqueue_indirect_dma source(%dma_start3A_152 : memref<2600000x64xf32, #tpu.memory_space<hbm>>) target(%dma_start3A_146 : memref<128x64xf32, #tpu.memory_space<vmem>>) offsets(%dma_start3A_149 : memref<128xi32, #tpu.memory_space<vmem>>) semaphore(%arg8 : memref<!tpu.dma_semaphore, #tpu.memory_space<semaphore_mem>>)
    %dma_wait3A_153 = arith.constant 2 : i32
    %dma_wait3A_154 = arith.constant 2 : i32
    %dma_wait3A_155 = arith.constant 0 : i32
    %dma_wait3A_156 = arith.constant 0 : i32
    %dma_wait3A_157 = tpu.memref_slice %arg6[%dma_wait3A_154, %dma_wait3A_155, %dma_wait3A_156] : memref<4x128x64xf32, #tpu.memory_space<vmem>> -> memref<1x128x64xf32, #tpu.memory_space<vmem>>
    %dma_wait3A_158 = tpu.memref_squeeze %dma_wait3A_157 : memref<1x128x64xf32, #tpu.memory_space<vmem>> -> memref<128x64xf32, #tpu.memory_space<vmem>>
    %dma_wait3A_159 = arith.constant 0 : i32
    %dma_wait3A_160 = tpu.memref_slice %arg5[%dma_wait3A_153, %dma_wait3A_159] : memref<26x128xi32, #tpu.memory_space<vmem>> -> memref<1x128xi32, #tpu.memory_space<vmem>>
    %dma_wait3A_161 = tpu.memref_squeeze %dma_wait3A_160 : memref<1x128xi32, #tpu.memory_space<vmem>> -> memref<128xi32, #tpu.memory_space<vmem>>
    %dma_wait3A_162 = arith.constant 0 : i32
    %dma_wait3A_163 = arith.constant 0 : i32
    %dma_wait3A_164 = tpu.memref_slice %arg2[%dma_wait3A_162, %dma_wait3A_163] : memref<2600000x64xf32, #tpu.memory_space<hbm>> -> memref<2600000x64xf32, #tpu.memory_space<hbm>>
    tpu.wait_indirect_dma semaphore(%arg9 : memref<!tpu.dma_semaphore, #tpu.memory_space<semaphore_mem>>) src(%dma_wait3A_164 : memref<2600000x64xf32, #tpu.memory_space<hbm>>) dst(%dma_wait3A_158 : memref<128x64xf32, #tpu.memory_space<vmem>>)
    %add3A_165 = arith.constant 256 : i32
    %add3A_166 = arith.addi %mul3A_2, %add3A_165 : i32
    %dma_start3A_167 = arith.constant 2 : i32
    %dma_start3A_168 = arith.constant 0 : i32
    %dma_start3A_169 = arith.constant 0 : i32
    %dma_start3A_170 = tpu.memref_slice %arg6[%dma_start3A_167, %dma_start3A_168, %dma_start3A_169] : memref<4x128x64xf32, #tpu.memory_space<vmem>> -> memref<1x128x64xf32, #tpu.memory_space<vmem>>
    %dma_start3A_171 = tpu.memref_squeeze %dma_start3A_170 : memref<1x128x64xf32, #tpu.memory_space<vmem>> -> memref<128x64xf32, #tpu.memory_space<vmem>>
    %dma_start3A_172 = arith.constant 0 : i32
    %dma_start3A_173 = tpu.memref_slice %arg4[%add3A_166, %dma_start3A_172] : memref<106496x64xf32, #tpu.memory_space<hbm>> -> memref<128x64xf32, #tpu.memory_space<hbm>>
    %dma_start3A_174 = arith.constant 0 : i32
    %dma_start3A_175 = tpu.memref_slice %arg4[%add3A_166, %dma_start3A_174] : memref<106496x64xf32, #tpu.memory_space<hbm>> -> memref<128x64xf32, #tpu.memory_space<hbm>>
    %dma_start3A_176 = arith.constant 0 : i32
    %dma_start3A_177 = arith.constant 0 : i32
    %dma_start3A_178 = tpu.memref_slice %arg6[%dma_start3A_167, %dma_start3A_176, %dma_start3A_177] : memref<4x128x64xf32, #tpu.memory_space<vmem>> -> memref<1x128x64xf32, #tpu.memory_space<vmem>>
    %dma_start3A_179 = tpu.memref_squeeze %dma_start3A_178 : memref<1x128x64xf32, #tpu.memory_space<vmem>> -> memref<128x64xf32, #tpu.memory_space<vmem>>
    tpu.enqueue_dma source(%dma_start3A_179 : memref<128x64xf32, #tpu.memory_space<vmem>>) target(%dma_start3A_175 : memref<128x64xf32, #tpu.memory_space<hbm>>) target_semaphore(%arg13 : memref<!tpu.dma_semaphore, #tpu.memory_space<semaphore_mem>>)
    %dma_wait3A_180 = arith.constant 2 : i32
    %dma_wait3A_181 = arith.constant 0 : i32
    %dma_wait3A_182 = arith.constant 0 : i32
    %dma_wait3A_183 = tpu.memref_slice %arg6[%dma_wait3A_180, %dma_wait3A_181, %dma_wait3A_182] : memref<4x128x64xf32, #tpu.memory_space<vmem>> -> memref<1x128x64xf32, #tpu.memory_space<vmem>>
    %dma_wait3A_184 = tpu.memref_squeeze %dma_wait3A_183 : memref<1x128x64xf32, #tpu.memory_space<vmem>> -> memref<128x64xf32, #tpu.memory_space<vmem>>
    %dma_wait3A_185 = arith.constant 0 : i32
    %dma_wait3A_186 = tpu.memref_slice %arg4[%add3A_166, %dma_wait3A_185] : memref<106496x64xf32, #tpu.memory_space<hbm>> -> memref<128x64xf32, #tpu.memory_space<hbm>>
    %dma_wait3A_187 = arith.constant 0 : i32
    %dma_wait3A_188 = tpu.memref_slice %arg4[%add3A_166, %dma_wait3A_187] : memref<106496x64xf32, #tpu.memory_space<hbm>> -> memref<128x64xf32, #tpu.memory_space<hbm>>
    %dma_wait3A_189 = arith.constant 0 : i32
    %dma_wait3A_190 = arith.constant 0 : i32
    %dma_wait3A_191 = tpu.memref_slice %arg6[%dma_wait3A_180, %dma_wait3A_189, %dma_wait3A_190] : memref<4x128x64xf32, #tpu.memory_space<vmem>> -> memref<1x128x64xf32, #tpu.memory_space<vmem>>
    %dma_wait3A_192 = tpu.memref_squeeze %dma_wait3A_191 : memref<1x128x64xf32, #tpu.memory_space<vmem>> -> memref<128x64xf32, #tpu.memory_space<vmem>>
    tpu.wait_dma2 semaphore(%arg13 : memref<!tpu.dma_semaphore, #tpu.memory_space<semaphore_mem>>) src(%dma_wait3A_192 : memref<128x64xf32, #tpu.memory_space<vmem>>) dst(%dma_wait3A_188 : memref<128x64xf32, #tpu.memory_space<hbm>>)
    %dma_start3A_193 = arith.constant 6 : i32
    %dma_start3A_194 = arith.constant 2 : i32
    %dma_start3A_195 = arith.constant 0 : i32
    %dma_start3A_196 = arith.constant 0 : i32
    %dma_start3A_197 = tpu.memref_slice %arg6[%dma_start3A_194, %dma_start3A_195, %dma_start3A_196] : memref<4x128x64xf32, #tpu.memory_space<vmem>> -> memref<1x128x64xf32, #tpu.memory_space<vmem>>
    %dma_start3A_198 = tpu.memref_squeeze %dma_start3A_197 : memref<1x128x64xf32, #tpu.memory_space<vmem>> -> memref<128x64xf32, #tpu.memory_space<vmem>>
    %dma_start3A_199 = arith.constant 0 : i32
    %dma_start3A_200 = tpu.memref_slice %arg5[%dma_start3A_193, %dma_start3A_199] : memref<26x128xi32, #tpu.memory_space<vmem>> -> memref<1x128xi32, #tpu.memory_space<vmem>>
    %dma_start3A_201 = tpu.memref_squeeze %dma_start3A_200 : memref<1x128xi32, #tpu.memory_space<vmem>> -> memref<128xi32, #tpu.memory_space<vmem>>
    %dma_start3A_202 = arith.constant 0 : i32
    %dma_start3A_203 = arith.constant 0 : i32
    %dma_start3A_204 = tpu.memref_slice %arg2[%dma_start3A_202, %dma_start3A_203] : memref<2600000x64xf32, #tpu.memory_space<hbm>> -> memref<2600000x64xf32, #tpu.memory_space<hbm>>
    tpu.enqueue_indirect_dma source(%dma_start3A_204 : memref<2600000x64xf32, #tpu.memory_space<hbm>>) target(%dma_start3A_198 : memref<128x64xf32, #tpu.memory_space<vmem>>) offsets(%dma_start3A_201 : memref<128xi32, #tpu.memory_space<vmem>>) semaphore(%arg9 : memref<!tpu.dma_semaphore, #tpu.memory_space<semaphore_mem>>)
    %dma_wait3A_205 = arith.constant 3 : i32
    %dma_wait3A_206 = arith.constant 3 : i32
    %dma_wait3A_207 = arith.constant 0 : i32
    %dma_wait3A_208 = arith.constant 0 : i32
    %dma_wait3A_209 = tpu.memref_slice %arg6[%dma_wait3A_206, %dma_wait3A_207, %dma_wait3A_208] : memref<4x128x64xf32, #tpu.memory_space<vmem>> -> memref<1x128x64xf32, #tpu.memory_space<vmem>>
    %dma_wait3A_210 = tpu.memref_squeeze %dma_wait3A_209 : memref<1x128x64xf32, #tpu.memory_space<vmem>> -> memref<128x64xf32, #tpu.memory_space<vmem>>
    %dma_wait3A_211 = arith.constant 0 : i32
    %dma_wait3A_212 = tpu.memref_slice %arg5[%dma_wait3A_205, %dma_wait3A_211] : memref<26x128xi32, #tpu.memory_space<vmem>> -> memref<1x128xi32, #tpu.memory_space<vmem>>
    %dma_wait3A_213 = tpu.memref_squeeze %dma_wait3A_212 : memref<1x128xi32, #tpu.memory_space<vmem>> -> memref<128xi32, #tpu.memory_space<vmem>>
    %dma_wait3A_214 = arith.constant 0 : i32
    %dma_wait3A_215 = arith.constant 0 : i32
    %dma_wait3A_216 = tpu.memref_slice %arg2[%dma_wait3A_214, %dma_wait3A_215] : memref<2600000x64xf32, #tpu.memory_space<hbm>> -> memref<2600000x64xf32, #tpu.memory_space<hbm>>
    tpu.wait_indirect_dma semaphore(%arg10 : memref<!tpu.dma_semaphore, #tpu.memory_space<semaphore_mem>>) src(%dma_wait3A_216 : memref<2600000x64xf32, #tpu.memory_space<hbm>>) dst(%dma_wait3A_210 : memref<128x64xf32, #tpu.memory_space<vmem>>)
    %add3A_217 = arith.constant 384 : i32
    %add3A_218 = arith.addi %mul3A_2, %add3A_217 : i32
    %dma_start3A_219 = arith.constant 3 : i32
    %dma_start3A_220 = arith.constant 0 : i32
    %dma_start3A_221 = arith.constant 0 : i32
    %dma_start3A_222 = tpu.memref_slice %arg6[%dma_start3A_219, %dma_start3A_220, %dma_start3A_221] : memref<4x128x64xf32, #tpu.memory_space<vmem>> -> memref<1x128x64xf32, #tpu.memory_space<vmem>>
    %dma_start3A_223 = tpu.memref_squeeze %dma_start3A_222 : memref<1x128x64xf32, #tpu.memory_space<vmem>> -> memref<128x64xf32, #tpu.memory_space<vmem>>
    %dma_start3A_224 = arith.constant 0 : i32
    %dma_start3A_225 = tpu.memref_slice %arg4[%add3A_218, %dma_start3A_224] : memref<106496x64xf32, #tpu.memory_space<hbm>> -> memref<128x64xf32, #tpu.memory_space<hbm>>
    %dma_start3A_226 = arith.constant 0 : i32
    %dma_start3A_227 = tpu.memref_slice %arg4[%add3A_218, %dma_start3A_226] : memref<106496x64xf32, #tpu.memory_space<hbm>> -> memref<128x64xf32, #tpu.memory_space<hbm>>
    %dma_start3A_228 = arith.constant 0 : i32
    %dma_start3A_229 = arith.constant 0 : i32
    %dma_start3A_230 = tpu.memref_slice %arg6[%dma_start3A_219, %dma_start3A_228, %dma_start3A_229] : memref<4x128x64xf32, #tpu.memory_space<vmem>> -> memref<1x128x64xf32, #tpu.memory_space<vmem>>
    %dma_start3A_231 = tpu.memref_squeeze %dma_start3A_230 : memref<1x128x64xf32, #tpu.memory_space<vmem>> -> memref<128x64xf32, #tpu.memory_space<vmem>>
    tpu.enqueue_dma source(%dma_start3A_231 : memref<128x64xf32, #tpu.memory_space<vmem>>) target(%dma_start3A_227 : memref<128x64xf32, #tpu.memory_space<hbm>>) target_semaphore(%arg14 : memref<!tpu.dma_semaphore, #tpu.memory_space<semaphore_mem>>)
    %dma_wait3A_232 = arith.constant 3 : i32
    %dma_wait3A_233 = arith.constant 0 : i32
    %dma_wait3A_234 = arith.constant 0 : i32
    %dma_wait3A_235 = tpu.memref_slice %arg6[%dma_wait3A_232, %dma_wait3A_233, %dma_wait3A_234] : memref<4x128x64xf32, #tpu.memory_space<vmem>> -> memref<1x128x64xf32, #tpu.memory_space<vmem>>
    %dma_wait3A_236 = tpu.memref_squeeze %dma_wait3A_235 : memref<1x128x64xf32, #tpu.memory_space<vmem>> -> memref<128x64xf32, #tpu.memory_space<vmem>>
    %dma_wait3A_237 = arith.constant 0 : i32
    %dma_wait3A_238 = tpu.memref_slice %arg4[%add3A_218, %dma_wait3A_237] : memref<106496x64xf32, #tpu.memory_space<hbm>> -> memref<128x64xf32, #tpu.memory_space<hbm>>
    %dma_wait3A_239 = arith.constant 0 : i32
    %dma_wait3A_240 = tpu.memref_slice %arg4[%add3A_218, %dma_wait3A_239] : memref<106496x64xf32, #tpu.memory_space<hbm>> -> memref<128x64xf32, #tpu.memory_space<hbm>>
    %dma_wait3A_241 = arith.constant 0 : i32
    %dma_wait3A_242 = arith.constant 0 : i32
    %dma_wait3A_243 = tpu.memref_slice %arg6[%dma_wait3A_232, %dma_wait3A_241, %dma_wait3A_242] : memref<4x128x64xf32, #tpu.memory_space<vmem>> -> memref<1x128x64xf32, #tpu.memory_space<vmem>>
    %dma_wait3A_244 = tpu.memref_squeeze %dma_wait3A_243 : memref<1x128x64xf32, #tpu.memory_space<vmem>> -> memref<128x64xf32, #tpu.memory_space<vmem>>
    tpu.wait_dma2 semaphore(%arg14 : memref<!tpu.dma_semaphore, #tpu.memory_space<semaphore_mem>>) src(%dma_wait3A_244 : memref<128x64xf32, #tpu.memory_space<vmem>>) dst(%dma_wait3A_240 : memref<128x64xf32, #tpu.memory_space<hbm>>)
    %dma_start3A_245 = arith.constant 7 : i32
    %dma_start3A_246 = arith.constant 3 : i32
    %dma_start3A_247 = arith.constant 0 : i32
    %dma_start3A_248 = arith.constant 0 : i32
    %dma_start3A_249 = tpu.memref_slice %arg6[%dma_start3A_246, %dma_start3A_247, %dma_start3A_248] : memref<4x128x64xf32, #tpu.memory_space<vmem>> -> memref<1x128x64xf32, #tpu.memory_space<vmem>>
    %dma_start3A_250 = tpu.memref_squeeze %dma_start3A_249 : memref<1x128x64xf32, #tpu.memory_space<vmem>> -> memref<128x64xf32, #tpu.memory_space<vmem>>
    %dma_start3A_251 = arith.constant 0 : i32
    %dma_start3A_252 = tpu.memref_slice %arg5[%dma_start3A_245, %dma_start3A_251] : memref<26x128xi32, #tpu.memory_space<vmem>> -> memref<1x128xi32, #tpu.memory_space<vmem>>
    %dma_start3A_253 = tpu.memref_squeeze %dma_start3A_252 : memref<1x128xi32, #tpu.memory_space<vmem>> -> memref<128xi32, #tpu.memory_space<vmem>>
    %dma_start3A_254 = arith.constant 0 : i32
    %dma_start3A_255 = arith.constant 0 : i32
    %dma_start3A_256 = tpu.memref_slice %arg2[%dma_start3A_254, %dma_start3A_255] : memref<2600000x64xf32, #tpu.memory_space<hbm>> -> memref<2600000x64xf32, #tpu.memory_space<hbm>>
    tpu.enqueue_indirect_dma source(%dma_start3A_256 : memref<2600000x64xf32, #tpu.memory_space<hbm>>) target(%dma_start3A_250 : memref<128x64xf32, #tpu.memory_space<vmem>>) offsets(%dma_start3A_253 : memref<128xi32, #tpu.memory_space<vmem>>) semaphore(%arg10 : memref<!tpu.dma_semaphore, #tpu.memory_space<semaphore_mem>>)
    %dma_wait3A_257 = arith.constant 4 : i32
    %dma_wait3A_258 = arith.constant 0 : i32
    %dma_wait3A_259 = arith.constant 0 : i32
    %dma_wait3A_260 = arith.constant 0 : i32
    %dma_wait3A_261 = tpu.memref_slice %arg6[%dma_wait3A_258, %dma_wait3A_259, %dma_wait3A_260] : memref<4x128x64xf32, #tpu.memory_space<vmem>> -> memref<1x128x64xf32, #tpu.memory_space<vmem>>
    %dma_wait3A_262 = tpu.memref_squeeze %dma_wait3A_261 : memref<1x128x64xf32, #tpu.memory_space<vmem>> -> memref<128x64xf32, #tpu.memory_space<vmem>>
    %dma_wait3A_263 = arith.constant 0 : i32
    %dma_wait3A_264 = tpu.memref_slice %arg5[%dma_wait3A_257, %dma_wait3A_263] : memref<26x128xi32, #tpu.memory_space<vmem>> -> memref<1x128xi32, #tpu.memory_space<vmem>>
    %dma_wait3A_265 = tpu.memref_squeeze %dma_wait3A_264 : memref<1x128xi32, #tpu.memory_space<vmem>> -> memref<128xi32, #tpu.memory_space<vmem>>
    %dma_wait3A_266 = arith.constant 0 : i32
    %dma_wait3A_267 = arith.constant 0 : i32
    %dma_wait3A_268 = tpu.memref_slice %arg2[%dma_wait3A_266, %dma_wait3A_267] : memref<2600000x64xf32, #tpu.memory_space<hbm>> -> memref<2600000x64xf32, #tpu.memory_space<hbm>>
    tpu.wait_indirect_dma semaphore(%arg7 : memref<!tpu.dma_semaphore, #tpu.memory_space<semaphore_mem>>) src(%dma_wait3A_268 : memref<2600000x64xf32, #tpu.memory_space<hbm>>) dst(%dma_wait3A_262 : memref<128x64xf32, #tpu.memory_space<vmem>>)
    %add3A_269 = arith.constant 512 : i32
    %add3A_270 = arith.addi %mul3A_2, %add3A_269 : i32
    %dma_start3A_271 = arith.constant 0 : i32
    %dma_start3A_272 = arith.constant 0 : i32
    %dma_start3A_273 = arith.constant 0 : i32
    %dma_start3A_274 = tpu.memref_slice %arg6[%dma_start3A_271, %dma_start3A_272, %dma_start3A_273] : memref<4x128x64xf32, #tpu.memory_space<vmem>> -> memref<1x128x64xf32, #tpu.memory_space<vmem>>
    %dma_start3A_275 = tpu.memref_squeeze %dma_start3A_274 : memref<1x128x64xf32, #tpu.memory_space<vmem>> -> memref<128x64xf32, #tpu.memory_space<vmem>>
    %dma_start3A_276 = arith.constant 0 : i32
    %dma_start3A_277 = tpu.memref_slice %arg4[%add3A_270, %dma_start3A_276] : memref<106496x64xf32, #tpu.memory_space<hbm>> -> memref<128x64xf32, #tpu.memory_space<hbm>>
    %dma_start3A_278 = arith.constant 0 : i32
    %dma_start3A_279 = tpu.memref_slice %arg4[%add3A_270, %dma_start3A_278] : memref<106496x64xf32, #tpu.memory_space<hbm>> -> memref<128x64xf32, #tpu.memory_space<hbm>>
    %dma_start3A_280 = arith.constant 0 : i32
    %dma_start3A_281 = arith.constant 0 : i32
    %dma_start3A_282 = tpu.memref_slice %arg6[%dma_start3A_271, %dma_start3A_280, %dma_start3A_281] : memref<4x128x64xf32, #tpu.memory_space<vmem>> -> memref<1x128x64xf32, #tpu.memory_space<vmem>>
    %dma_start3A_283 = tpu.memref_squeeze %dma_start3A_282 : memref<1x128x64xf32, #tpu.memory_space<vmem>> -> memref<128x64xf32, #tpu.memory_space<vmem>>
    tpu.enqueue_dma source(%dma_start3A_283 : memref<128x64xf32, #tpu.memory_space<vmem>>) target(%dma_start3A_279 : memref<128x64xf32, #tpu.memory_space<hbm>>) target_semaphore(%arg11 : memref<!tpu.dma_semaphore, #tpu.memory_space<semaphore_mem>>)
    %dma_wait3A_284 = arith.constant 0 : i32
    %dma_wait3A_285 = arith.constant 0 : i32
    %dma_wait3A_286 = arith.constant 0 : i32
    %dma_wait3A_287 = tpu.memref_slice %arg6[%dma_wait3A_284, %dma_wait3A_285, %dma_wait3A_286] : memref<4x128x64xf32, #tpu.memory_space<vmem>> -> memref<1x128x64xf32, #tpu.memory_space<vmem>>
    %dma_wait3A_288 = tpu.memref_squeeze %dma_wait3A_287 : memref<1x128x64xf32, #tpu.memory_space<vmem>> -> memref<128x64xf32, #tpu.memory_space<vmem>>
    %dma_wait3A_289 = arith.constant 0 : i32
    %dma_wait3A_290 = tpu.memref_slice %arg4[%add3A_270, %dma_wait3A_289] : memref<106496x64xf32, #tpu.memory_space<hbm>> -> memref<128x64xf32, #tpu.memory_space<hbm>>
    %dma_wait3A_291 = arith.constant 0 : i32
    %dma_wait3A_292 = tpu.memref_slice %arg4[%add3A_270, %dma_wait3A_291] : memref<106496x64xf32, #tpu.memory_space<hbm>> -> memref<128x64xf32, #tpu.memory_space<hbm>>
    %dma_wait3A_293 = arith.constant 0 : i32
    %dma_wait3A_294 = arith.constant 0 : i32
    %dma_wait3A_295 = tpu.memref_slice %arg6[%dma_wait3A_284, %dma_wait3A_293, %dma_wait3A_294] : memref<4x128x64xf32, #tpu.memory_space<vmem>> -> memref<1x128x64xf32, #tpu.memory_space<vmem>>
    %dma_wait3A_296 = tpu.memref_squeeze %dma_wait3A_295 : memref<1x128x64xf32, #tpu.memory_space<vmem>> -> memref<128x64xf32, #tpu.memory_space<vmem>>
    tpu.wait_dma2 semaphore(%arg11 : memref<!tpu.dma_semaphore, #tpu.memory_space<semaphore_mem>>) src(%dma_wait3A_296 : memref<128x64xf32, #tpu.memory_space<vmem>>) dst(%dma_wait3A_292 : memref<128x64xf32, #tpu.memory_space<hbm>>)
    %dma_start3A_297 = arith.constant 8 : i32
    %dma_start3A_298 = arith.constant 0 : i32
    %dma_start3A_299 = arith.constant 0 : i32
    %dma_start3A_300 = arith.constant 0 : i32
    %dma_start3A_301 = tpu.memref_slice %arg6[%dma_start3A_298, %dma_start3A_299, %dma_start3A_300] : memref<4x128x64xf32, #tpu.memory_space<vmem>> -> memref<1x128x64xf32, #tpu.memory_space<vmem>>
    %dma_start3A_302 = tpu.memref_squeeze %dma_start3A_301 : memref<1x128x64xf32, #tpu.memory_space<vmem>> -> memref<128x64xf32, #tpu.memory_space<vmem>>
    %dma_start3A_303 = arith.constant 0 : i32
    %dma_start3A_304 = tpu.memref_slice %arg5[%dma_start3A_297, %dma_start3A_303] : memref<26x128xi32, #tpu.memory_space<vmem>> -> memref<1x128xi32, #tpu.memory_space<vmem>>
    %dma_start3A_305 = tpu.memref_squeeze %dma_start3A_304 : memref<1x128xi32, #tpu.memory_space<vmem>> -> memref<128xi32, #tpu.memory_space<vmem>>
    %dma_start3A_306 = arith.constant 0 : i32
    %dma_start3A_307 = arith.constant 0 : i32
    %dma_start3A_308 = tpu.memref_slice %arg2[%dma_start3A_306, %dma_start3A_307] : memref<2600000x64xf32, #tpu.memory_space<hbm>> -> memref<2600000x64xf32, #tpu.memory_space<hbm>>
    tpu.enqueue_indirect_dma source(%dma_start3A_308 : memref<2600000x64xf32, #tpu.memory_space<hbm>>) target(%dma_start3A_302 : memref<128x64xf32, #tpu.memory_space<vmem>>) offsets(%dma_start3A_305 : memref<128xi32, #tpu.memory_space<vmem>>) semaphore(%arg7 : memref<!tpu.dma_semaphore, #tpu.memory_space<semaphore_mem>>)
    %dma_wait3A_309 = arith.constant 5 : i32
    %dma_wait3A_310 = arith.constant 1 : i32
    %dma_wait3A_311 = arith.constant 0 : i32
    %dma_wait3A_312 = arith.constant 0 : i32
    %dma_wait3A_313 = tpu.memref_slice %arg6[%dma_wait3A_310, %dma_wait3A_311, %dma_wait3A_312] : memref<4x128x64xf32, #tpu.memory_space<vmem>> -> memref<1x128x64xf32, #tpu.memory_space<vmem>>
    %dma_wait3A_314 = tpu.memref_squeeze %dma_wait3A_313 : memref<1x128x64xf32, #tpu.memory_space<vmem>> -> memref<128x64xf32, #tpu.memory_space<vmem>>
    %dma_wait3A_315 = arith.constant 0 : i32
    %dma_wait3A_316 = tpu.memref_slice %arg5[%dma_wait3A_309, %dma_wait3A_315] : memref<26x128xi32, #tpu.memory_space<vmem>> -> memref<1x128xi32, #tpu.memory_space<vmem>>
    %dma_wait3A_317 = tpu.memref_squeeze %dma_wait3A_316 : memref<1x128xi32, #tpu.memory_space<vmem>> -> memref<128xi32, #tpu.memory_space<vmem>>
    %dma_wait3A_318 = arith.constant 0 : i32
    %dma_wait3A_319 = arith.constant 0 : i32
    %dma_wait3A_320 = tpu.memref_slice %arg2[%dma_wait3A_318, %dma_wait3A_319] : memref<2600000x64xf32, #tpu.memory_space<hbm>> -> memref<2600000x64xf32, #tpu.memory_space<hbm>>
    tpu.wait_indirect_dma semaphore(%arg8 : memref<!tpu.dma_semaphore, #tpu.memory_space<semaphore_mem>>) src(%dma_wait3A_320 : memref<2600000x64xf32, #tpu.memory_space<hbm>>) dst(%dma_wait3A_314 : memref<128x64xf32, #tpu.memory_space<vmem>>)
    %add3A_321 = arith.constant 640 : i32
    %add3A_322 = arith.addi %mul3A_2, %add3A_321 : i32
    %dma_start3A_323 = arith.constant 1 : i32
    %dma_start3A_324 = arith.constant 0 : i32
    %dma_start3A_325 = arith.constant 0 : i32
    %dma_start3A_326 = tpu.memref_slice %arg6[%dma_start3A_323, %dma_start3A_324, %dma_start3A_325] : memref<4x128x64xf32, #tpu.memory_space<vmem>> -> memref<1x128x64xf32, #tpu.memory_space<vmem>>
    %dma_start3A_327 = tpu.memref_squeeze %dma_start3A_326 : memref<1x128x64xf32, #tpu.memory_space<vmem>> -> memref<128x64xf32, #tpu.memory_space<vmem>>
    %dma_start3A_328 = arith.constant 0 : i32
    %dma_start3A_329 = tpu.memref_slice %arg4[%add3A_322, %dma_start3A_328] : memref<106496x64xf32, #tpu.memory_space<hbm>> -> memref<128x64xf32, #tpu.memory_space<hbm>>
    %dma_start3A_330 = arith.constant 0 : i32
    %dma_start3A_331 = tpu.memref_slice %arg4[%add3A_322, %dma_start3A_330] : memref<106496x64xf32, #tpu.memory_space<hbm>> -> memref<128x64xf32, #tpu.memory_space<hbm>>
    %dma_start3A_332 = arith.constant 0 : i32
    %dma_start3A_333 = arith.constant 0 : i32
    %dma_start3A_334 = tpu.memref_slice %arg6[%dma_start3A_323, %dma_start3A_332, %dma_start3A_333] : memref<4x128x64xf32, #tpu.memory_space<vmem>> -> memref<1x128x64xf32, #tpu.memory_space<vmem>>
    %dma_start3A_335 = tpu.memref_squeeze %dma_start3A_334 : memref<1x128x64xf32, #tpu.memory_space<vmem>> -> memref<128x64xf32, #tpu.memory_space<vmem>>
    tpu.enqueue_dma source(%dma_start3A_335 : memref<128x64xf32, #tpu.memory_space<vmem>>) target(%dma_start3A_331 : memref<128x64xf32, #tpu.memory_space<hbm>>) target_semaphore(%arg12 : memref<!tpu.dma_semaphore, #tpu.memory_space<semaphore_mem>>)
    %dma_wait3A_336 = arith.constant 1 : i32
    %dma_wait3A_337 = arith.constant 0 : i32
    %dma_wait3A_338 = arith.constant 0 : i32
    %dma_wait3A_339 = tpu.memref_slice %arg6[%dma_wait3A_336, %dma_wait3A_337, %dma_wait3A_338] : memref<4x128x64xf32, #tpu.memory_space<vmem>> -> memref<1x128x64xf32, #tpu.memory_space<vmem>>
    %dma_wait3A_340 = tpu.memref_squeeze %dma_wait3A_339 : memref<1x128x64xf32, #tpu.memory_space<vmem>> -> memref<128x64xf32, #tpu.memory_space<vmem>>
    %dma_wait3A_341 = arith.constant 0 : i32
    %dma_wait3A_342 = tpu.memref_slice %arg4[%add3A_322, %dma_wait3A_341] : memref<106496x64xf32, #tpu.memory_space<hbm>> -> memref<128x64xf32, #tpu.memory_space<hbm>>
    %dma_wait3A_343 = arith.constant 0 : i32
    %dma_wait3A_344 = tpu.memref_slice %arg4[%add3A_322, %dma_wait3A_343] : memref<106496x64xf32, #tpu.memory_space<hbm>> -> memref<128x64xf32, #tpu.memory_space<hbm>>
    %dma_wait3A_345 = arith.constant 0 : i32
    %dma_wait3A_346 = arith.constant 0 : i32
    %dma_wait3A_347 = tpu.memref_slice %arg6[%dma_wait3A_336, %dma_wait3A_345, %dma_wait3A_346] : memref<4x128x64xf32, #tpu.memory_space<vmem>> -> memref<1x128x64xf32, #tpu.memory_space<vmem>>
    %dma_wait3A_348 = tpu.memref_squeeze %dma_wait3A_347 : memref<1x128x64xf32, #tpu.memory_space<vmem>> -> memref<128x64xf32, #tpu.memory_space<vmem>>
    tpu.wait_dma2 semaphore(%arg12 : memref<!tpu.dma_semaphore, #tpu.memory_space<semaphore_mem>>) src(%dma_wait3A_348 : memref<128x64xf32, #tpu.memory_space<vmem>>) dst(%dma_wait3A_344 : memref<128x64xf32, #tpu.memory_space<hbm>>)
    %dma_start3A_349 = arith.constant 9 : i32
    %dma_start3A_350 = arith.constant 1 : i32
    %dma_start3A_351 = arith.constant 0 : i32
    %dma_start3A_352 = arith.constant 0 : i32
    %dma_start3A_353 = tpu.memref_slice %arg6[%dma_start3A_350, %dma_start3A_351, %dma_start3A_352] : memref<4x128x64xf32, #tpu.memory_space<vmem>> -> memref<1x128x64xf32, #tpu.memory_space<vmem>>
    %dma_start3A_354 = tpu.memref_squeeze %dma_start3A_353 : memref<1x128x64xf32, #tpu.memory_space<vmem>> -> memref<128x64xf32, #tpu.memory_space<vmem>>
    %dma_start3A_355 = arith.constant 0 : i32
    %dma_start3A_356 = tpu.memref_slice %arg5[%dma_start3A_349, %dma_start3A_355] : memref<26x128xi32, #tpu.memory_space<vmem>> -> memref<1x128xi32, #tpu.memory_space<vmem>>
    %dma_start3A_357 = tpu.memref_squeeze %dma_start3A_356 : memref<1x128xi32, #tpu.memory_space<vmem>> -> memref<128xi32, #tpu.memory_space<vmem>>
    %dma_start3A_358 = arith.constant 0 : i32
    %dma_start3A_359 = arith.constant 0 : i32
    %dma_start3A_360 = tpu.memref_slice %arg2[%dma_start3A_358, %dma_start3A_359] : memref<2600000x64xf32, #tpu.memory_space<hbm>> -> memref<2600000x64xf32, #tpu.memory_space<hbm>>
    tpu.enqueue_indirect_dma source(%dma_start3A_360 : memref<2600000x64xf32, #tpu.memory_space<hbm>>) target(%dma_start3A_354 : memref<128x64xf32, #tpu.memory_space<vmem>>) offsets(%dma_start3A_357 : memref<128xi32, #tpu.memory_space<vmem>>) semaphore(%arg8 : memref<!tpu.dma_semaphore, #tpu.memory_space<semaphore_mem>>)
    %dma_wait3A_361 = arith.constant 6 : i32
    %dma_wait3A_362 = arith.constant 2 : i32
    %dma_wait3A_363 = arith.constant 0 : i32
    %dma_wait3A_364 = arith.constant 0 : i32
    %dma_wait3A_365 = tpu.memref_slice %arg6[%dma_wait3A_362, %dma_wait3A_363, %dma_wait3A_364] : memref<4x128x64xf32, #tpu.memory_space<vmem>> -> memref<1x128x64xf32, #tpu.memory_space<vmem>>
    %dma_wait3A_366 = tpu.memref_squeeze %dma_wait3A_365 : memref<1x128x64xf32, #tpu.memory_space<vmem>> -> memref<128x64xf32, #tpu.memory_space<vmem>>
    %dma_wait3A_367 = arith.constant 0 : i32
    %dma_wait3A_368 = tpu.memref_slice %arg5[%dma_wait3A_361, %dma_wait3A_367] : memref<26x128xi32, #tpu.memory_space<vmem>> -> memref<1x128xi32, #tpu.memory_space<vmem>>
    %dma_wait3A_369 = tpu.memref_squeeze %dma_wait3A_368 : memref<1x128xi32, #tpu.memory_space<vmem>> -> memref<128xi32, #tpu.memory_space<vmem>>
    %dma_wait3A_370 = arith.constant 0 : i32
    %dma_wait3A_371 = arith.constant 0 : i32
    %dma_wait3A_372 = tpu.memref_slice %arg2[%dma_wait3A_370, %dma_wait3A_371] : memref<2600000x64xf32, #tpu.memory_space<hbm>> -> memref<2600000x64xf32, #tpu.memory_space<hbm>>
    tpu.wait_indirect_dma semaphore(%arg9 : memref<!tpu.dma_semaphore, #tpu.memory_space<semaphore_mem>>) src(%dma_wait3A_372 : memref<2600000x64xf32, #tpu.memory_space<hbm>>) dst(%dma_wait3A_366 : memref<128x64xf32, #tpu.memory_space<vmem>>)
    %add3A_373 = arith.constant 768 : i32
    %add3A_374 = arith.addi %mul3A_2, %add3A_373 : i32
    %dma_start3A_375 = arith.constant 2 : i32
    %dma_start3A_376 = arith.constant 0 : i32
    %dma_start3A_377 = arith.constant 0 : i32
    %dma_start3A_378 = tpu.memref_slice %arg6[%dma_start3A_375, %dma_start3A_376, %dma_start3A_377] : memref<4x128x64xf32, #tpu.memory_space<vmem>> -> memref<1x128x64xf32, #tpu.memory_space<vmem>>
    %dma_start3A_379 = tpu.memref_squeeze %dma_start3A_378 : memref<1x128x64xf32, #tpu.memory_space<vmem>> -> memref<128x64xf32, #tpu.memory_space<vmem>>
    %dma_start3A_380 = arith.constant 0 : i32
    %dma_start3A_381 = tpu.memref_slice %arg4[%add3A_374, %dma_start3A_380] : memref<106496x64xf32, #tpu.memory_space<hbm>> -> memref<128x64xf32, #tpu.memory_space<hbm>>
    %dma_start3A_382 = arith.constant 0 : i32
    %dma_start3A_383 = tpu.memref_slice %arg4[%add3A_374, %dma_start3A_382] : memref<106496x64xf32, #tpu.memory_space<hbm>> -> memref<128x64xf32, #tpu.memory_space<hbm>>
    %dma_start3A_384 = arith.constant 0 : i32
    %dma_start3A_385 = arith.constant 0 : i32
    %dma_start3A_386 = tpu.memref_slice %arg6[%dma_start3A_375, %dma_start3A_384, %dma_start3A_385] : memref<4x128x64xf32, #tpu.memory_space<vmem>> -> memref<1x128x64xf32, #tpu.memory_space<vmem>>
    %dma_start3A_387 = tpu.memref_squeeze %dma_start3A_386 : memref<1x128x64xf32, #tpu.memory_space<vmem>> -> memref<128x64xf32, #tpu.memory_space<vmem>>
    tpu.enqueue_dma source(%dma_start3A_387 : memref<128x64xf32, #tpu.memory_space<vmem>>) target(%dma_start3A_383 : memref<128x64xf32, #tpu.memory_space<hbm>>) target_semaphore(%arg13 : memref<!tpu.dma_semaphore, #tpu.memory_space<semaphore_mem>>)
    %dma_wait3A_388 = arith.constant 2 : i32
    %dma_wait3A_389 = arith.constant 0 : i32
    %dma_wait3A_390 = arith.constant 0 : i32
    %dma_wait3A_391 = tpu.memref_slice %arg6[%dma_wait3A_388, %dma_wait3A_389, %dma_wait3A_390] : memref<4x128x64xf32, #tpu.memory_space<vmem>> -> memref<1x128x64xf32, #tpu.memory_space<vmem>>
    %dma_wait3A_392 = tpu.memref_squeeze %dma_wait3A_391 : memref<1x128x64xf32, #tpu.memory_space<vmem>> -> memref<128x64xf32, #tpu.memory_space<vmem>>
    %dma_wait3A_393 = arith.constant 0 : i32
    %dma_wait3A_394 = tpu.memref_slice %arg4[%add3A_374, %dma_wait3A_393] : memref<106496x64xf32, #tpu.memory_space<hbm>> -> memref<128x64xf32, #tpu.memory_space<hbm>>
    %dma_wait3A_395 = arith.constant 0 : i32
    %dma_wait3A_396 = tpu.memref_slice %arg4[%add3A_374, %dma_wait3A_395] : memref<106496x64xf32, #tpu.memory_space<hbm>> -> memref<128x64xf32, #tpu.memory_space<hbm>>
    %dma_wait3A_397 = arith.constant 0 : i32
    %dma_wait3A_398 = arith.constant 0 : i32
    %dma_wait3A_399 = tpu.memref_slice %arg6[%dma_wait3A_388, %dma_wait3A_397, %dma_wait3A_398] : memref<4x128x64xf32, #tpu.memory_space<vmem>> -> memref<1x128x64xf32, #tpu.memory_space<vmem>>
    %dma_wait3A_400 = tpu.memref_squeeze %dma_wait3A_399 : memref<1x128x64xf32, #tpu.memory_space<vmem>> -> memref<128x64xf32, #tpu.memory_space<vmem>>
    tpu.wait_dma2 semaphore(%arg13 : memref<!tpu.dma_semaphore, #tpu.memory_space<semaphore_mem>>) src(%dma_wait3A_400 : memref<128x64xf32, #tpu.memory_space<vmem>>) dst(%dma_wait3A_396 : memref<128x64xf32, #tpu.memory_space<hbm>>)
    %dma_start3A_401 = arith.constant 10 : i32
    %dma_start3A_402 = arith.constant 2 : i32
    %dma_start3A_403 = arith.constant 0 : i32
    %dma_start3A_404 = arith.constant 0 : i32
    %dma_start3A_405 = tpu.memref_slice %arg6[%dma_start3A_402, %dma_start3A_403, %dma_start3A_404] : memref<4x128x64xf32, #tpu.memory_space<vmem>> -> memref<1x128x64xf32, #tpu.memory_space<vmem>>
    %dma_start3A_406 = tpu.memref_squeeze %dma_start3A_405 : memref<1x128x64xf32, #tpu.memory_space<vmem>> -> memref<128x64xf32, #tpu.memory_space<vmem>>
    %dma_start3A_407 = arith.constant 0 : i32
    %dma_start3A_408 = tpu.memref_slice %arg5[%dma_start3A_401, %dma_start3A_407] : memref<26x128xi32, #tpu.memory_space<vmem>> -> memref<1x128xi32, #tpu.memory_space<vmem>>
    %dma_start3A_409 = tpu.memref_squeeze %dma_start3A_408 : memref<1x128xi32, #tpu.memory_space<vmem>> -> memref<128xi32, #tpu.memory_space<vmem>>
    %dma_start3A_410 = arith.constant 0 : i32
    %dma_start3A_411 = arith.constant 0 : i32
    %dma_start3A_412 = tpu.memref_slice %arg2[%dma_start3A_410, %dma_start3A_411] : memref<2600000x64xf32, #tpu.memory_space<hbm>> -> memref<2600000x64xf32, #tpu.memory_space<hbm>>
    tpu.enqueue_indirect_dma source(%dma_start3A_412 : memref<2600000x64xf32, #tpu.memory_space<hbm>>) target(%dma_start3A_406 : memref<128x64xf32, #tpu.memory_space<vmem>>) offsets(%dma_start3A_409 : memref<128xi32, #tpu.memory_space<vmem>>) semaphore(%arg9 : memref<!tpu.dma_semaphore, #tpu.memory_space<semaphore_mem>>)
    %dma_wait3A_413 = arith.constant 7 : i32
    %dma_wait3A_414 = arith.constant 3 : i32
    %dma_wait3A_415 = arith.constant 0 : i32
    %dma_wait3A_416 = arith.constant 0 : i32
    %dma_wait3A_417 = tpu.memref_slice %arg6[%dma_wait3A_414, %dma_wait3A_415, %dma_wait3A_416] : memref<4x128x64xf32, #tpu.memory_space<vmem>> -> memref<1x128x64xf32, #tpu.memory_space<vmem>>
    %dma_wait3A_418 = tpu.memref_squeeze %dma_wait3A_417 : memref<1x128x64xf32, #tpu.memory_space<vmem>> -> memref<128x64xf32, #tpu.memory_space<vmem>>
    %dma_wait3A_419 = arith.constant 0 : i32
    %dma_wait3A_420 = tpu.memref_slice %arg5[%dma_wait3A_413, %dma_wait3A_419] : memref<26x128xi32, #tpu.memory_space<vmem>> -> memref<1x128xi32, #tpu.memory_space<vmem>>
    %dma_wait3A_421 = tpu.memref_squeeze %dma_wait3A_420 : memref<1x128xi32, #tpu.memory_space<vmem>> -> memref<128xi32, #tpu.memory_space<vmem>>
    %dma_wait3A_422 = arith.constant 0 : i32
    %dma_wait3A_423 = arith.constant 0 : i32
    %dma_wait3A_424 = tpu.memref_slice %arg2[%dma_wait3A_422, %dma_wait3A_423] : memref<2600000x64xf32, #tpu.memory_space<hbm>> -> memref<2600000x64xf32, #tpu.memory_space<hbm>>
    tpu.wait_indirect_dma semaphore(%arg10 : memref<!tpu.dma_semaphore, #tpu.memory_space<semaphore_mem>>) src(%dma_wait3A_424 : memref<2600000x64xf32, #tpu.memory_space<hbm>>) dst(%dma_wait3A_418 : memref<128x64xf32, #tpu.memory_space<vmem>>)
    %add3A_425 = arith.constant 896 : i32
    %add3A_426 = arith.addi %mul3A_2, %add3A_425 : i32
    %dma_start3A_427 = arith.constant 3 : i32
    %dma_start3A_428 = arith.constant 0 : i32
    %dma_start3A_429 = arith.constant 0 : i32
    %dma_start3A_430 = tpu.memref_slice %arg6[%dma_start3A_427, %dma_start3A_428, %dma_start3A_429] : memref<4x128x64xf32, #tpu.memory_space<vmem>> -> memref<1x128x64xf32, #tpu.memory_space<vmem>>
    %dma_start3A_431 = tpu.memref_squeeze %dma_start3A_430 : memref<1x128x64xf32, #tpu.memory_space<vmem>> -> memref<128x64xf32, #tpu.memory_space<vmem>>
    %dma_start3A_432 = arith.constant 0 : i32
    %dma_start3A_433 = tpu.memref_slice %arg4[%add3A_426, %dma_start3A_432] : memref<106496x64xf32, #tpu.memory_space<hbm>> -> memref<128x64xf32, #tpu.memory_space<hbm>>
    %dma_start3A_434 = arith.constant 0 : i32
    %dma_start3A_435 = tpu.memref_slice %arg4[%add3A_426, %dma_start3A_434] : memref<106496x64xf32, #tpu.memory_space<hbm>> -> memref<128x64xf32, #tpu.memory_space<hbm>>
    %dma_start3A_436 = arith.constant 0 : i32
    %dma_start3A_437 = arith.constant 0 : i32
    %dma_start3A_438 = tpu.memref_slice %arg6[%dma_start3A_427, %dma_start3A_436, %dma_start3A_437] : memref<4x128x64xf32, #tpu.memory_space<vmem>> -> memref<1x128x64xf32, #tpu.memory_space<vmem>>
    %dma_start3A_439 = tpu.memref_squeeze %dma_start3A_438 : memref<1x128x64xf32, #tpu.memory_space<vmem>> -> memref<128x64xf32, #tpu.memory_space<vmem>>
    tpu.enqueue_dma source(%dma_start3A_439 : memref<128x64xf32, #tpu.memory_space<vmem>>) target(%dma_start3A_435 : memref<128x64xf32, #tpu.memory_space<hbm>>) target_semaphore(%arg14 : memref<!tpu.dma_semaphore, #tpu.memory_space<semaphore_mem>>)
    %dma_wait3A_440 = arith.constant 3 : i32
    %dma_wait3A_441 = arith.constant 0 : i32
    %dma_wait3A_442 = arith.constant 0 : i32
    %dma_wait3A_443 = tpu.memref_slice %arg6[%dma_wait3A_440, %dma_wait3A_441, %dma_wait3A_442] : memref<4x128x64xf32, #tpu.memory_space<vmem>> -> memref<1x128x64xf32, #tpu.memory_space<vmem>>
    %dma_wait3A_444 = tpu.memref_squeeze %dma_wait3A_443 : memref<1x128x64xf32, #tpu.memory_space<vmem>> -> memref<128x64xf32, #tpu.memory_space<vmem>>
    %dma_wait3A_445 = arith.constant 0 : i32
    %dma_wait3A_446 = tpu.memref_slice %arg4[%add3A_426, %dma_wait3A_445] : memref<106496x64xf32, #tpu.memory_space<hbm>> -> memref<128x64xf32, #tpu.memory_space<hbm>>
    %dma_wait3A_447 = arith.constant 0 : i32
    %dma_wait3A_448 = tpu.memref_slice %arg4[%add3A_426, %dma_wait3A_447] : memref<106496x64xf32, #tpu.memory_space<hbm>> -> memref<128x64xf32, #tpu.memory_space<hbm>>
    %dma_wait3A_449 = arith.constant 0 : i32
    %dma_wait3A_450 = arith.constant 0 : i32
    %dma_wait3A_451 = tpu.memref_slice %arg6[%dma_wait3A_440, %dma_wait3A_449, %dma_wait3A_450] : memref<4x128x64xf32, #tpu.memory_space<vmem>> -> memref<1x128x64xf32, #tpu.memory_space<vmem>>
    %dma_wait3A_452 = tpu.memref_squeeze %dma_wait3A_451 : memref<1x128x64xf32, #tpu.memory_space<vmem>> -> memref<128x64xf32, #tpu.memory_space<vmem>>
    tpu.wait_dma2 semaphore(%arg14 : memref<!tpu.dma_semaphore, #tpu.memory_space<semaphore_mem>>) src(%dma_wait3A_452 : memref<128x64xf32, #tpu.memory_space<vmem>>) dst(%dma_wait3A_448 : memref<128x64xf32, #tpu.memory_space<hbm>>)
    %dma_start3A_453 = arith.constant 11 : i32
    %dma_start3A_454 = arith.constant 3 : i32
    %dma_start3A_455 = arith.constant 0 : i32
    %dma_start3A_456 = arith.constant 0 : i32
    %dma_start3A_457 = tpu.memref_slice %arg6[%dma_start3A_454, %dma_start3A_455, %dma_start3A_456] : memref<4x128x64xf32, #tpu.memory_space<vmem>> -> memref<1x128x64xf32, #tpu.memory_space<vmem>>
    %dma_start3A_458 = tpu.memref_squeeze %dma_start3A_457 : memref<1x128x64xf32, #tpu.memory_space<vmem>> -> memref<128x64xf32, #tpu.memory_space<vmem>>
    %dma_start3A_459 = arith.constant 0 : i32
    %dma_start3A_460 = tpu.memref_slice %arg5[%dma_start3A_453, %dma_start3A_459] : memref<26x128xi32, #tpu.memory_space<vmem>> -> memref<1x128xi32, #tpu.memory_space<vmem>>
    %dma_start3A_461 = tpu.memref_squeeze %dma_start3A_460 : memref<1x128xi32, #tpu.memory_space<vmem>> -> memref<128xi32, #tpu.memory_space<vmem>>
    %dma_start3A_462 = arith.constant 0 : i32
    %dma_start3A_463 = arith.constant 0 : i32
    %dma_start3A_464 = tpu.memref_slice %arg2[%dma_start3A_462, %dma_start3A_463] : memref<2600000x64xf32, #tpu.memory_space<hbm>> -> memref<2600000x64xf32, #tpu.memory_space<hbm>>
    tpu.enqueue_indirect_dma source(%dma_start3A_464 : memref<2600000x64xf32, #tpu.memory_space<hbm>>) target(%dma_start3A_458 : memref<128x64xf32, #tpu.memory_space<vmem>>) offsets(%dma_start3A_461 : memref<128xi32, #tpu.memory_space<vmem>>) semaphore(%arg10 : memref<!tpu.dma_semaphore, #tpu.memory_space<semaphore_mem>>)
    %dma_wait3A_465 = arith.constant 8 : i32
    %dma_wait3A_466 = arith.constant 0 : i32
    %dma_wait3A_467 = arith.constant 0 : i32
    %dma_wait3A_468 = arith.constant 0 : i32
    %dma_wait3A_469 = tpu.memref_slice %arg6[%dma_wait3A_466, %dma_wait3A_467, %dma_wait3A_468] : memref<4x128x64xf32, #tpu.memory_space<vmem>> -> memref<1x128x64xf32, #tpu.memory_space<vmem>>
    %dma_wait3A_470 = tpu.memref_squeeze %dma_wait3A_469 : memref<1x128x64xf32, #tpu.memory_space<vmem>> -> memref<128x64xf32, #tpu.memory_space<vmem>>
    %dma_wait3A_471 = arith.constant 0 : i32
    %dma_wait3A_472 = tpu.memref_slice %arg5[%dma_wait3A_465, %dma_wait3A_471] : memref<26x128xi32, #tpu.memory_space<vmem>> -> memref<1x128xi32, #tpu.memory_space<vmem>>
    %dma_wait3A_473 = tpu.memref_squeeze %dma_wait3A_472 : memref<1x128xi32, #tpu.memory_space<vmem>> -> memref<128xi32, #tpu.memory_space<vmem>>
    %dma_wait3A_474 = arith.constant 0 : i32
    %dma_wait3A_475 = arith.constant 0 : i32
    %dma_wait3A_476 = tpu.memref_slice %arg2[%dma_wait3A_474, %dma_wait3A_475] : memref<2600000x64xf32, #tpu.memory_space<hbm>> -> memref<2600000x64xf32, #tpu.memory_space<hbm>>
    tpu.wait_indirect_dma semaphore(%arg7 : memref<!tpu.dma_semaphore, #tpu.memory_space<semaphore_mem>>) src(%dma_wait3A_476 : memref<2600000x64xf32, #tpu.memory_space<hbm>>) dst(%dma_wait3A_470 : memref<128x64xf32, #tpu.memory_space<vmem>>)
    %add3A_477 = arith.constant 1024 : i32
    %add3A_478 = arith.addi %mul3A_2, %add3A_477 : i32
    %dma_start3A_479 = arith.constant 0 : i32
    %dma_start3A_480 = arith.constant 0 : i32
    %dma_start3A_481 = arith.constant 0 : i32
    %dma_start3A_482 = tpu.memref_slice %arg6[%dma_start3A_479, %dma_start3A_480, %dma_start3A_481] : memref<4x128x64xf32, #tpu.memory_space<vmem>> -> memref<1x128x64xf32, #tpu.memory_space<vmem>>
    %dma_start3A_483 = tpu.memref_squeeze %dma_start3A_482 : memref<1x128x64xf32, #tpu.memory_space<vmem>> -> memref<128x64xf32, #tpu.memory_space<vmem>>
    %dma_start3A_484 = arith.constant 0 : i32
    %dma_start3A_485 = tpu.memref_slice %arg4[%add3A_478, %dma_start3A_484] : memref<106496x64xf32, #tpu.memory_space<hbm>> -> memref<128x64xf32, #tpu.memory_space<hbm>>
    %dma_start3A_486 = arith.constant 0 : i32
    %dma_start3A_487 = tpu.memref_slice %arg4[%add3A_478, %dma_start3A_486] : memref<106496x64xf32, #tpu.memory_space<hbm>> -> memref<128x64xf32, #tpu.memory_space<hbm>>
    %dma_start3A_488 = arith.constant 0 : i32
    %dma_start3A_489 = arith.constant 0 : i32
    %dma_start3A_490 = tpu.memref_slice %arg6[%dma_start3A_479, %dma_start3A_488, %dma_start3A_489] : memref<4x128x64xf32, #tpu.memory_space<vmem>> -> memref<1x128x64xf32, #tpu.memory_space<vmem>>
    %dma_start3A_491 = tpu.memref_squeeze %dma_start3A_490 : memref<1x128x64xf32, #tpu.memory_space<vmem>> -> memref<128x64xf32, #tpu.memory_space<vmem>>
    tpu.enqueue_dma source(%dma_start3A_491 : memref<128x64xf32, #tpu.memory_space<vmem>>) target(%dma_start3A_487 : memref<128x64xf32, #tpu.memory_space<hbm>>) target_semaphore(%arg11 : memref<!tpu.dma_semaphore, #tpu.memory_space<semaphore_mem>>)
    %dma_wait3A_492 = arith.constant 0 : i32
    %dma_wait3A_493 = arith.constant 0 : i32
    %dma_wait3A_494 = arith.constant 0 : i32
    %dma_wait3A_495 = tpu.memref_slice %arg6[%dma_wait3A_492, %dma_wait3A_493, %dma_wait3A_494] : memref<4x128x64xf32, #tpu.memory_space<vmem>> -> memref<1x128x64xf32, #tpu.memory_space<vmem>>
    %dma_wait3A_496 = tpu.memref_squeeze %dma_wait3A_495 : memref<1x128x64xf32, #tpu.memory_space<vmem>> -> memref<128x64xf32, #tpu.memory_space<vmem>>
    %dma_wait3A_497 = arith.constant 0 : i32
    %dma_wait3A_498 = tpu.memref_slice %arg4[%add3A_478, %dma_wait3A_497] : memref<106496x64xf32, #tpu.memory_space<hbm>> -> memref<128x64xf32, #tpu.memory_space<hbm>>
    %dma_wait3A_499 = arith.constant 0 : i32
    %dma_wait3A_500 = tpu.memref_slice %arg4[%add3A_478, %dma_wait3A_499] : memref<106496x64xf32, #tpu.memory_space<hbm>> -> memref<128x64xf32, #tpu.memory_space<hbm>>
    %dma_wait3A_501 = arith.constant 0 : i32
    %dma_wait3A_502 = arith.constant 0 : i32
    %dma_wait3A_503 = tpu.memref_slice %arg6[%dma_wait3A_492, %dma_wait3A_501, %dma_wait3A_502] : memref<4x128x64xf32, #tpu.memory_space<vmem>> -> memref<1x128x64xf32, #tpu.memory_space<vmem>>
    %dma_wait3A_504 = tpu.memref_squeeze %dma_wait3A_503 : memref<1x128x64xf32, #tpu.memory_space<vmem>> -> memref<128x64xf32, #tpu.memory_space<vmem>>
    tpu.wait_dma2 semaphore(%arg11 : memref<!tpu.dma_semaphore, #tpu.memory_space<semaphore_mem>>) src(%dma_wait3A_504 : memref<128x64xf32, #tpu.memory_space<vmem>>) dst(%dma_wait3A_500 : memref<128x64xf32, #tpu.memory_space<hbm>>)
    %dma_start3A_505 = arith.constant 12 : i32
    %dma_start3A_506 = arith.constant 0 : i32
    %dma_start3A_507 = arith.constant 0 : i32
    %dma_start3A_508 = arith.constant 0 : i32
    %dma_start3A_509 = tpu.memref_slice %arg6[%dma_start3A_506, %dma_start3A_507, %dma_start3A_508] : memref<4x128x64xf32, #tpu.memory_space<vmem>> -> memref<1x128x64xf32, #tpu.memory_space<vmem>>
    %dma_start3A_510 = tpu.memref_squeeze %dma_start3A_509 : memref<1x128x64xf32, #tpu.memory_space<vmem>> -> memref<128x64xf32, #tpu.memory_space<vmem>>
    %dma_start3A_511 = arith.constant 0 : i32
    %dma_start3A_512 = tpu.memref_slice %arg5[%dma_start3A_505, %dma_start3A_511] : memref<26x128xi32, #tpu.memory_space<vmem>> -> memref<1x128xi32, #tpu.memory_space<vmem>>
    %dma_start3A_513 = tpu.memref_squeeze %dma_start3A_512 : memref<1x128xi32, #tpu.memory_space<vmem>> -> memref<128xi32, #tpu.memory_space<vmem>>
    %dma_start3A_514 = arith.constant 0 : i32
    %dma_start3A_515 = arith.constant 0 : i32
    %dma_start3A_516 = tpu.memref_slice %arg2[%dma_start3A_514, %dma_start3A_515] : memref<2600000x64xf32, #tpu.memory_space<hbm>> -> memref<2600000x64xf32, #tpu.memory_space<hbm>>
    tpu.enqueue_indirect_dma source(%dma_start3A_516 : memref<2600000x64xf32, #tpu.memory_space<hbm>>) target(%dma_start3A_510 : memref<128x64xf32, #tpu.memory_space<vmem>>) offsets(%dma_start3A_513 : memref<128xi32, #tpu.memory_space<vmem>>) semaphore(%arg7 : memref<!tpu.dma_semaphore, #tpu.memory_space<semaphore_mem>>)
    %dma_wait3A_517 = arith.constant 9 : i32
    %dma_wait3A_518 = arith.constant 1 : i32
    %dma_wait3A_519 = arith.constant 0 : i32
    %dma_wait3A_520 = arith.constant 0 : i32
    %dma_wait3A_521 = tpu.memref_slice %arg6[%dma_wait3A_518, %dma_wait3A_519, %dma_wait3A_520] : memref<4x128x64xf32, #tpu.memory_space<vmem>> -> memref<1x128x64xf32, #tpu.memory_space<vmem>>
    %dma_wait3A_522 = tpu.memref_squeeze %dma_wait3A_521 : memref<1x128x64xf32, #tpu.memory_space<vmem>> -> memref<128x64xf32, #tpu.memory_space<vmem>>
    %dma_wait3A_523 = arith.constant 0 : i32
    %dma_wait3A_524 = tpu.memref_slice %arg5[%dma_wait3A_517, %dma_wait3A_523] : memref<26x128xi32, #tpu.memory_space<vmem>> -> memref<1x128xi32, #tpu.memory_space<vmem>>
    %dma_wait3A_525 = tpu.memref_squeeze %dma_wait3A_524 : memref<1x128xi32, #tpu.memory_space<vmem>> -> memref<128xi32, #tpu.memory_space<vmem>>
    %dma_wait3A_526 = arith.constant 0 : i32
    %dma_wait3A_527 = arith.constant 0 : i32
    %dma_wait3A_528 = tpu.memref_slice %arg2[%dma_wait3A_526, %dma_wait3A_527] : memref<2600000x64xf32, #tpu.memory_space<hbm>> -> memref<2600000x64xf32, #tpu.memory_space<hbm>>
    tpu.wait_indirect_dma semaphore(%arg8 : memref<!tpu.dma_semaphore, #tpu.memory_space<semaphore_mem>>) src(%dma_wait3A_528 : memref<2600000x64xf32, #tpu.memory_space<hbm>>) dst(%dma_wait3A_522 : memref<128x64xf32, #tpu.memory_space<vmem>>)
    %add3A_529 = arith.constant 1152 : i32
    %add3A_530 = arith.addi %mul3A_2, %add3A_529 : i32
    %dma_start3A_531 = arith.constant 1 : i32
    %dma_start3A_532 = arith.constant 0 : i32
    %dma_start3A_533 = arith.constant 0 : i32
    %dma_start3A_534 = tpu.memref_slice %arg6[%dma_start3A_531, %dma_start3A_532, %dma_start3A_533] : memref<4x128x64xf32, #tpu.memory_space<vmem>> -> memref<1x128x64xf32, #tpu.memory_space<vmem>>
    %dma_start3A_535 = tpu.memref_squeeze %dma_start3A_534 : memref<1x128x64xf32, #tpu.memory_space<vmem>> -> memref<128x64xf32, #tpu.memory_space<vmem>>
    %dma_start3A_536 = arith.constant 0 : i32
    %dma_start3A_537 = tpu.memref_slice %arg4[%add3A_530, %dma_start3A_536] : memref<106496x64xf32, #tpu.memory_space<hbm>> -> memref<128x64xf32, #tpu.memory_space<hbm>>
    %dma_start3A_538 = arith.constant 0 : i32
    %dma_start3A_539 = tpu.memref_slice %arg4[%add3A_530, %dma_start3A_538] : memref<106496x64xf32, #tpu.memory_space<hbm>> -> memref<128x64xf32, #tpu.memory_space<hbm>>
    %dma_start3A_540 = arith.constant 0 : i32
    %dma_start3A_541 = arith.constant 0 : i32
    %dma_start3A_542 = tpu.memref_slice %arg6[%dma_start3A_531, %dma_start3A_540, %dma_start3A_541] : memref<4x128x64xf32, #tpu.memory_space<vmem>> -> memref<1x128x64xf32, #tpu.memory_space<vmem>>
    %dma_start3A_543 = tpu.memref_squeeze %dma_start3A_542 : memref<1x128x64xf32, #tpu.memory_space<vmem>> -> memref<128x64xf32, #tpu.memory_space<vmem>>
    tpu.enqueue_dma source(%dma_start3A_543 : memref<128x64xf32, #tpu.memory_space<vmem>>) target(%dma_start3A_539 : memref<128x64xf32, #tpu.memory_space<hbm>>) target_semaphore(%arg12 : memref<!tpu.dma_semaphore, #tpu.memory_space<semaphore_mem>>)
    %dma_wait3A_544 = arith.constant 1 : i32
    %dma_wait3A_545 = arith.constant 0 : i32
    %dma_wait3A_546 = arith.constant 0 : i32
    %dma_wait3A_547 = tpu.memref_slice %arg6[%dma_wait3A_544, %dma_wait3A_545, %dma_wait3A_546] : memref<4x128x64xf32, #tpu.memory_space<vmem>> -> memref<1x128x64xf32, #tpu.memory_space<vmem>>
    %dma_wait3A_548 = tpu.memref_squeeze %dma_wait3A_547 : memref<1x128x64xf32, #tpu.memory_space<vmem>> -> memref<128x64xf32, #tpu.memory_space<vmem>>
    %dma_wait3A_549 = arith.constant 0 : i32
    %dma_wait3A_550 = tpu.memref_slice %arg4[%add3A_530, %dma_wait3A_549] : memref<106496x64xf32, #tpu.memory_space<hbm>> -> memref<128x64xf32, #tpu.memory_space<hbm>>
    %dma_wait3A_551 = arith.constant 0 : i32
    %dma_wait3A_552 = tpu.memref_slice %arg4[%add3A_530, %dma_wait3A_551] : memref<106496x64xf32, #tpu.memory_space<hbm>> -> memref<128x64xf32, #tpu.memory_space<hbm>>
    %dma_wait3A_553 = arith.constant 0 : i32
    %dma_wait3A_554 = arith.constant 0 : i32
    %dma_wait3A_555 = tpu.memref_slice %arg6[%dma_wait3A_544, %dma_wait3A_553, %dma_wait3A_554] : memref<4x128x64xf32, #tpu.memory_space<vmem>> -> memref<1x128x64xf32, #tpu.memory_space<vmem>>
    %dma_wait3A_556 = tpu.memref_squeeze %dma_wait3A_555 : memref<1x128x64xf32, #tpu.memory_space<vmem>> -> memref<128x64xf32, #tpu.memory_space<vmem>>
    tpu.wait_dma2 semaphore(%arg12 : memref<!tpu.dma_semaphore, #tpu.memory_space<semaphore_mem>>) src(%dma_wait3A_556 : memref<128x64xf32, #tpu.memory_space<vmem>>) dst(%dma_wait3A_552 : memref<128x64xf32, #tpu.memory_space<hbm>>)
    %dma_start3A_557 = arith.constant 13 : i32
    %dma_start3A_558 = arith.constant 1 : i32
    %dma_start3A_559 = arith.constant 0 : i32
    %dma_start3A_560 = arith.constant 0 : i32
    %dma_start3A_561 = tpu.memref_slice %arg6[%dma_start3A_558, %dma_start3A_559, %dma_start3A_560] : memref<4x128x64xf32, #tpu.memory_space<vmem>> -> memref<1x128x64xf32, #tpu.memory_space<vmem>>
    %dma_start3A_562 = tpu.memref_squeeze %dma_start3A_561 : memref<1x128x64xf32, #tpu.memory_space<vmem>> -> memref<128x64xf32, #tpu.memory_space<vmem>>
    %dma_start3A_563 = arith.constant 0 : i32
    %dma_start3A_564 = tpu.memref_slice %arg5[%dma_start3A_557, %dma_start3A_563] : memref<26x128xi32, #tpu.memory_space<vmem>> -> memref<1x128xi32, #tpu.memory_space<vmem>>
    %dma_start3A_565 = tpu.memref_squeeze %dma_start3A_564 : memref<1x128xi32, #tpu.memory_space<vmem>> -> memref<128xi32, #tpu.memory_space<vmem>>
    %dma_start3A_566 = arith.constant 0 : i32
    %dma_start3A_567 = arith.constant 0 : i32
    %dma_start3A_568 = tpu.memref_slice %arg2[%dma_start3A_566, %dma_start3A_567] : memref<2600000x64xf32, #tpu.memory_space<hbm>> -> memref<2600000x64xf32, #tpu.memory_space<hbm>>
    tpu.enqueue_indirect_dma source(%dma_start3A_568 : memref<2600000x64xf32, #tpu.memory_space<hbm>>) target(%dma_start3A_562 : memref<128x64xf32, #tpu.memory_space<vmem>>) offsets(%dma_start3A_565 : memref<128xi32, #tpu.memory_space<vmem>>) semaphore(%arg8 : memref<!tpu.dma_semaphore, #tpu.memory_space<semaphore_mem>>)
    %dma_wait3A_569 = arith.constant 10 : i32
    %dma_wait3A_570 = arith.constant 2 : i32
    %dma_wait3A_571 = arith.constant 0 : i32
    %dma_wait3A_572 = arith.constant 0 : i32
    %dma_wait3A_573 = tpu.memref_slice %arg6[%dma_wait3A_570, %dma_wait3A_571, %dma_wait3A_572] : memref<4x128x64xf32, #tpu.memory_space<vmem>> -> memref<1x128x64xf32, #tpu.memory_space<vmem>>
    %dma_wait3A_574 = tpu.memref_squeeze %dma_wait3A_573 : memref<1x128x64xf32, #tpu.memory_space<vmem>> -> memref<128x64xf32, #tpu.memory_space<vmem>>
    %dma_wait3A_575 = arith.constant 0 : i32
    %dma_wait3A_576 = tpu.memref_slice %arg5[%dma_wait3A_569, %dma_wait3A_575] : memref<26x128xi32, #tpu.memory_space<vmem>> -> memref<1x128xi32, #tpu.memory_space<vmem>>
    %dma_wait3A_577 = tpu.memref_squeeze %dma_wait3A_576 : memref<1x128xi32, #tpu.memory_space<vmem>> -> memref<128xi32, #tpu.memory_space<vmem>>
    %dma_wait3A_578 = arith.constant 0 : i32
    %dma_wait3A_579 = arith.constant 0 : i32
    %dma_wait3A_580 = tpu.memref_slice %arg2[%dma_wait3A_578, %dma_wait3A_579] : memref<2600000x64xf32, #tpu.memory_space<hbm>> -> memref<2600000x64xf32, #tpu.memory_space<hbm>>
    tpu.wait_indirect_dma semaphore(%arg9 : memref<!tpu.dma_semaphore, #tpu.memory_space<semaphore_mem>>) src(%dma_wait3A_580 : memref<2600000x64xf32, #tpu.memory_space<hbm>>) dst(%dma_wait3A_574 : memref<128x64xf32, #tpu.memory_space<vmem>>)
    %add3A_581 = arith.constant 1280 : i32
    %add3A_582 = arith.addi %mul3A_2, %add3A_581 : i32
    %dma_start3A_583 = arith.constant 2 : i32
    %dma_start3A_584 = arith.constant 0 : i32
    %dma_start3A_585 = arith.constant 0 : i32
    %dma_start3A_586 = tpu.memref_slice %arg6[%dma_start3A_583, %dma_start3A_584, %dma_start3A_585] : memref<4x128x64xf32, #tpu.memory_space<vmem>> -> memref<1x128x64xf32, #tpu.memory_space<vmem>>
    %dma_start3A_587 = tpu.memref_squeeze %dma_start3A_586 : memref<1x128x64xf32, #tpu.memory_space<vmem>> -> memref<128x64xf32, #tpu.memory_space<vmem>>
    %dma_start3A_588 = arith.constant 0 : i32
    %dma_start3A_589 = tpu.memref_slice %arg4[%add3A_582, %dma_start3A_588] : memref<106496x64xf32, #tpu.memory_space<hbm>> -> memref<128x64xf32, #tpu.memory_space<hbm>>
    %dma_start3A_590 = arith.constant 0 : i32
    %dma_start3A_591 = tpu.memref_slice %arg4[%add3A_582, %dma_start3A_590] : memref<106496x64xf32, #tpu.memory_space<hbm>> -> memref<128x64xf32, #tpu.memory_space<hbm>>
    %dma_start3A_592 = arith.constant 0 : i32
    %dma_start3A_593 = arith.constant 0 : i32
    %dma_start3A_594 = tpu.memref_slice %arg6[%dma_start3A_583, %dma_start3A_592, %dma_start3A_593] : memref<4x128x64xf32, #tpu.memory_space<vmem>> -> memref<1x128x64xf32, #tpu.memory_space<vmem>>
    %dma_start3A_595 = tpu.memref_squeeze %dma_start3A_594 : memref<1x128x64xf32, #tpu.memory_space<vmem>> -> memref<128x64xf32, #tpu.memory_space<vmem>>
    tpu.enqueue_dma source(%dma_start3A_595 : memref<128x64xf32, #tpu.memory_space<vmem>>) target(%dma_start3A_591 : memref<128x64xf32, #tpu.memory_space<hbm>>) target_semaphore(%arg13 : memref<!tpu.dma_semaphore, #tpu.memory_space<semaphore_mem>>)
    %dma_wait3A_596 = arith.constant 2 : i32
    %dma_wait3A_597 = arith.constant 0 : i32
    %dma_wait3A_598 = arith.constant 0 : i32
    %dma_wait3A_599 = tpu.memref_slice %arg6[%dma_wait3A_596, %dma_wait3A_597, %dma_wait3A_598] : memref<4x128x64xf32, #tpu.memory_space<vmem>> -> memref<1x128x64xf32, #tpu.memory_space<vmem>>
    %dma_wait3A_600 = tpu.memref_squeeze %dma_wait3A_599 : memref<1x128x64xf32, #tpu.memory_space<vmem>> -> memref<128x64xf32, #tpu.memory_space<vmem>>
    %dma_wait3A_601 = arith.constant 0 : i32
    %dma_wait3A_602 = tpu.memref_slice %arg4[%add3A_582, %dma_wait3A_601] : memref<106496x64xf32, #tpu.memory_space<hbm>> -> memref<128x64xf32, #tpu.memory_space<hbm>>
    %dma_wait3A_603 = arith.constant 0 : i32
    %dma_wait3A_604 = tpu.memref_slice %arg4[%add3A_582, %dma_wait3A_603] : memref<106496x64xf32, #tpu.memory_space<hbm>> -> memref<128x64xf32, #tpu.memory_space<hbm>>
    %dma_wait3A_605 = arith.constant 0 : i32
    %dma_wait3A_606 = arith.constant 0 : i32
    %dma_wait3A_607 = tpu.memref_slice %arg6[%dma_wait3A_596, %dma_wait3A_605, %dma_wait3A_606] : memref<4x128x64xf32, #tpu.memory_space<vmem>> -> memref<1x128x64xf32, #tpu.memory_space<vmem>>
    %dma_wait3A_608 = tpu.memref_squeeze %dma_wait3A_607 : memref<1x128x64xf32, #tpu.memory_space<vmem>> -> memref<128x64xf32, #tpu.memory_space<vmem>>
    tpu.wait_dma2 semaphore(%arg13 : memref<!tpu.dma_semaphore, #tpu.memory_space<semaphore_mem>>) src(%dma_wait3A_608 : memref<128x64xf32, #tpu.memory_space<vmem>>) dst(%dma_wait3A_604 : memref<128x64xf32, #tpu.memory_space<hbm>>)
    %dma_start3A_609 = arith.constant 14 : i32
    %dma_start3A_610 = arith.constant 2 : i32
    %dma_start3A_611 = arith.constant 0 : i32
    %dma_start3A_612 = arith.constant 0 : i32
    %dma_start3A_613 = tpu.memref_slice %arg6[%dma_start3A_610, %dma_start3A_611, %dma_start3A_612] : memref<4x128x64xf32, #tpu.memory_space<vmem>> -> memref<1x128x64xf32, #tpu.memory_space<vmem>>
    %dma_start3A_614 = tpu.memref_squeeze %dma_start3A_613 : memref<1x128x64xf32, #tpu.memory_space<vmem>> -> memref<128x64xf32, #tpu.memory_space<vmem>>
    %dma_start3A_615 = arith.constant 0 : i32
    %dma_start3A_616 = tpu.memref_slice %arg5[%dma_start3A_609, %dma_start3A_615] : memref<26x128xi32, #tpu.memory_space<vmem>> -> memref<1x128xi32, #tpu.memory_space<vmem>>
    %dma_start3A_617 = tpu.memref_squeeze %dma_start3A_616 : memref<1x128xi32, #tpu.memory_space<vmem>> -> memref<128xi32, #tpu.memory_space<vmem>>
    %dma_start3A_618 = arith.constant 0 : i32
    %dma_start3A_619 = arith.constant 0 : i32
    %dma_start3A_620 = tpu.memref_slice %arg2[%dma_start3A_618, %dma_start3A_619] : memref<2600000x64xf32, #tpu.memory_space<hbm>> -> memref<2600000x64xf32, #tpu.memory_space<hbm>>
    tpu.enqueue_indirect_dma source(%dma_start3A_620 : memref<2600000x64xf32, #tpu.memory_space<hbm>>) target(%dma_start3A_614 : memref<128x64xf32, #tpu.memory_space<vmem>>) offsets(%dma_start3A_617 : memref<128xi32, #tpu.memory_space<vmem>>) semaphore(%arg9 : memref<!tpu.dma_semaphore, #tpu.memory_space<semaphore_mem>>)
    %dma_wait3A_621 = arith.constant 11 : i32
    %dma_wait3A_622 = arith.constant 3 : i32
    %dma_wait3A_623 = arith.constant 0 : i32
    %dma_wait3A_624 = arith.constant 0 : i32
    %dma_wait3A_625 = tpu.memref_slice %arg6[%dma_wait3A_622, %dma_wait3A_623, %dma_wait3A_624] : memref<4x128x64xf32, #tpu.memory_space<vmem>> -> memref<1x128x64xf32, #tpu.memory_space<vmem>>
    %dma_wait3A_626 = tpu.memref_squeeze %dma_wait3A_625 : memref<1x128x64xf32, #tpu.memory_space<vmem>> -> memref<128x64xf32, #tpu.memory_space<vmem>>
    %dma_wait3A_627 = arith.constant 0 : i32
    %dma_wait3A_628 = tpu.memref_slice %arg5[%dma_wait3A_621, %dma_wait3A_627] : memref<26x128xi32, #tpu.memory_space<vmem>> -> memref<1x128xi32, #tpu.memory_space<vmem>>
    %dma_wait3A_629 = tpu.memref_squeeze %dma_wait3A_628 : memref<1x128xi32, #tpu.memory_space<vmem>> -> memref<128xi32, #tpu.memory_space<vmem>>
    %dma_wait3A_630 = arith.constant 0 : i32
    %dma_wait3A_631 = arith.constant 0 : i32
    %dma_wait3A_632 = tpu.memref_slice %arg2[%dma_wait3A_630, %dma_wait3A_631] : memref<2600000x64xf32, #tpu.memory_space<hbm>> -> memref<2600000x64xf32, #tpu.memory_space<hbm>>
    tpu.wait_indirect_dma semaphore(%arg10 : memref<!tpu.dma_semaphore, #tpu.memory_space<semaphore_mem>>) src(%dma_wait3A_632 : memref<2600000x64xf32, #tpu.memory_space<hbm>>) dst(%dma_wait3A_626 : memref<128x64xf32, #tpu.memory_space<vmem>>)
    %add3A_633 = arith.constant 1408 : i32
    %add3A_634 = arith.addi %mul3A_2, %add3A_633 : i32
    %dma_start3A_635 = arith.constant 3 : i32
    %dma_start3A_636 = arith.constant 0 : i32
    %dma_start3A_637 = arith.constant 0 : i32
    %dma_start3A_638 = tpu.memref_slice %arg6[%dma_start3A_635, %dma_start3A_636, %dma_start3A_637] : memref<4x128x64xf32, #tpu.memory_space<vmem>> -> memref<1x128x64xf32, #tpu.memory_space<vmem>>
    %dma_start3A_639 = tpu.memref_squeeze %dma_start3A_638 : memref<1x128x64xf32, #tpu.memory_space<vmem>> -> memref<128x64xf32, #tpu.memory_space<vmem>>
    %dma_start3A_640 = arith.constant 0 : i32
    %dma_start3A_641 = tpu.memref_slice %arg4[%add3A_634, %dma_start3A_640] : memref<106496x64xf32, #tpu.memory_space<hbm>> -> memref<128x64xf32, #tpu.memory_space<hbm>>
    %dma_start3A_642 = arith.constant 0 : i32
    %dma_start3A_643 = tpu.memref_slice %arg4[%add3A_634, %dma_start3A_642] : memref<106496x64xf32, #tpu.memory_space<hbm>> -> memref<128x64xf32, #tpu.memory_space<hbm>>
    %dma_start3A_644 = arith.constant 0 : i32
    %dma_start3A_645 = arith.constant 0 : i32
    %dma_start3A_646 = tpu.memref_slice %arg6[%dma_start3A_635, %dma_start3A_644, %dma_start3A_645] : memref<4x128x64xf32, #tpu.memory_space<vmem>> -> memref<1x128x64xf32, #tpu.memory_space<vmem>>
    %dma_start3A_647 = tpu.memref_squeeze %dma_start3A_646 : memref<1x128x64xf32, #tpu.memory_space<vmem>> -> memref<128x64xf32, #tpu.memory_space<vmem>>
    tpu.enqueue_dma source(%dma_start3A_647 : memref<128x64xf32, #tpu.memory_space<vmem>>) target(%dma_start3A_643 : memref<128x64xf32, #tpu.memory_space<hbm>>) target_semaphore(%arg14 : memref<!tpu.dma_semaphore, #tpu.memory_space<semaphore_mem>>)
    %dma_wait3A_648 = arith.constant 3 : i32
    %dma_wait3A_649 = arith.constant 0 : i32
    %dma_wait3A_650 = arith.constant 0 : i32
    %dma_wait3A_651 = tpu.memref_slice %arg6[%dma_wait3A_648, %dma_wait3A_649, %dma_wait3A_650] : memref<4x128x64xf32, #tpu.memory_space<vmem>> -> memref<1x128x64xf32, #tpu.memory_space<vmem>>
    %dma_wait3A_652 = tpu.memref_squeeze %dma_wait3A_651 : memref<1x128x64xf32, #tpu.memory_space<vmem>> -> memref<128x64xf32, #tpu.memory_space<vmem>>
    %dma_wait3A_653 = arith.constant 0 : i32
    %dma_wait3A_654 = tpu.memref_slice %arg4[%add3A_634, %dma_wait3A_653] : memref<106496x64xf32, #tpu.memory_space<hbm>> -> memref<128x64xf32, #tpu.memory_space<hbm>>
    %dma_wait3A_655 = arith.constant 0 : i32
    %dma_wait3A_656 = tpu.memref_slice %arg4[%add3A_634, %dma_wait3A_655] : memref<106496x64xf32, #tpu.memory_space<hbm>> -> memref<128x64xf32, #tpu.memory_space<hbm>>
    %dma_wait3A_657 = arith.constant 0 : i32
    %dma_wait3A_658 = arith.constant 0 : i32
    %dma_wait3A_659 = tpu.memref_slice %arg6[%dma_wait3A_648, %dma_wait3A_657, %dma_wait3A_658] : memref<4x128x64xf32, #tpu.memory_space<vmem>> -> memref<1x128x64xf32, #tpu.memory_space<vmem>>
    %dma_wait3A_660 = tpu.memref_squeeze %dma_wait3A_659 : memref<1x128x64xf32, #tpu.memory_space<vmem>> -> memref<128x64xf32, #tpu.memory_space<vmem>>
    tpu.wait_dma2 semaphore(%arg14 : memref<!tpu.dma_semaphore, #tpu.memory_space<semaphore_mem>>) src(%dma_wait3A_660 : memref<128x64xf32, #tpu.memory_space<vmem>>) dst(%dma_wait3A_656 : memref<128x64xf32, #tpu.memory_space<hbm>>)
    %dma_start3A_661 = arith.constant 15 : i32
    %dma_start3A_662 = arith.constant 3 : i32
    %dma_start3A_663 = arith.constant 0 : i32
    %dma_start3A_664 = arith.constant 0 : i32
    %dma_start3A_665 = tpu.memref_slice %arg6[%dma_start3A_662, %dma_start3A_663, %dma_start3A_664] : memref<4x128x64xf32, #tpu.memory_space<vmem>> -> memref<1x128x64xf32, #tpu.memory_space<vmem>>
    %dma_start3A_666 = tpu.memref_squeeze %dma_start3A_665 : memref<1x128x64xf32, #tpu.memory_space<vmem>> -> memref<128x64xf32, #tpu.memory_space<vmem>>
    %dma_start3A_667 = arith.constant 0 : i32
    %dma_start3A_668 = tpu.memref_slice %arg5[%dma_start3A_661, %dma_start3A_667] : memref<26x128xi32, #tpu.memory_space<vmem>> -> memref<1x128xi32, #tpu.memory_space<vmem>>
    %dma_start3A_669 = tpu.memref_squeeze %dma_start3A_668 : memref<1x128xi32, #tpu.memory_space<vmem>> -> memref<128xi32, #tpu.memory_space<vmem>>
    %dma_start3A_670 = arith.constant 0 : i32
    %dma_start3A_671 = arith.constant 0 : i32
    %dma_start3A_672 = tpu.memref_slice %arg2[%dma_start3A_670, %dma_start3A_671] : memref<2600000x64xf32, #tpu.memory_space<hbm>> -> memref<2600000x64xf32, #tpu.memory_space<hbm>>
    tpu.enqueue_indirect_dma source(%dma_start3A_672 : memref<2600000x64xf32, #tpu.memory_space<hbm>>) target(%dma_start3A_666 : memref<128x64xf32, #tpu.memory_space<vmem>>) offsets(%dma_start3A_669 : memref<128xi32, #tpu.memory_space<vmem>>) semaphore(%arg10 : memref<!tpu.dma_semaphore, #tpu.memory_space<semaphore_mem>>)
    %dma_wait3A_673 = arith.constant 12 : i32
    %dma_wait3A_674 = arith.constant 0 : i32
    %dma_wait3A_675 = arith.constant 0 : i32
    %dma_wait3A_676 = arith.constant 0 : i32
    %dma_wait3A_677 = tpu.memref_slice %arg6[%dma_wait3A_674, %dma_wait3A_675, %dma_wait3A_676] : memref<4x128x64xf32, #tpu.memory_space<vmem>> -> memref<1x128x64xf32, #tpu.memory_space<vmem>>
    %dma_wait3A_678 = tpu.memref_squeeze %dma_wait3A_677 : memref<1x128x64xf32, #tpu.memory_space<vmem>> -> memref<128x64xf32, #tpu.memory_space<vmem>>
    %dma_wait3A_679 = arith.constant 0 : i32
    %dma_wait3A_680 = tpu.memref_slice %arg5[%dma_wait3A_673, %dma_wait3A_679] : memref<26x128xi32, #tpu.memory_space<vmem>> -> memref<1x128xi32, #tpu.memory_space<vmem>>
    %dma_wait3A_681 = tpu.memref_squeeze %dma_wait3A_680 : memref<1x128xi32, #tpu.memory_space<vmem>> -> memref<128xi32, #tpu.memory_space<vmem>>
    %dma_wait3A_682 = arith.constant 0 : i32
    %dma_wait3A_683 = arith.constant 0 : i32
    %dma_wait3A_684 = tpu.memref_slice %arg2[%dma_wait3A_682, %dma_wait3A_683] : memref<2600000x64xf32, #tpu.memory_space<hbm>> -> memref<2600000x64xf32, #tpu.memory_space<hbm>>
    tpu.wait_indirect_dma semaphore(%arg7 : memref<!tpu.dma_semaphore, #tpu.memory_space<semaphore_mem>>) src(%dma_wait3A_684 : memref<2600000x64xf32, #tpu.memory_space<hbm>>) dst(%dma_wait3A_678 : memref<128x64xf32, #tpu.memory_space<vmem>>)
    %add3A_685 = arith.constant 1536 : i32
    %add3A_686 = arith.addi %mul3A_2, %add3A_685 : i32
    %dma_start3A_687 = arith.constant 0 : i32
    %dma_start3A_688 = arith.constant 0 : i32
    %dma_start3A_689 = arith.constant 0 : i32
    %dma_start3A_690 = tpu.memref_slice %arg6[%dma_start3A_687, %dma_start3A_688, %dma_start3A_689] : memref<4x128x64xf32, #tpu.memory_space<vmem>> -> memref<1x128x64xf32, #tpu.memory_space<vmem>>
    %dma_start3A_691 = tpu.memref_squeeze %dma_start3A_690 : memref<1x128x64xf32, #tpu.memory_space<vmem>> -> memref<128x64xf32, #tpu.memory_space<vmem>>
    %dma_start3A_692 = arith.constant 0 : i32
    %dma_start3A_693 = tpu.memref_slice %arg4[%add3A_686, %dma_start3A_692] : memref<106496x64xf32, #tpu.memory_space<hbm>> -> memref<128x64xf32, #tpu.memory_space<hbm>>
    %dma_start3A_694 = arith.constant 0 : i32
    %dma_start3A_695 = tpu.memref_slice %arg4[%add3A_686, %dma_start3A_694] : memref<106496x64xf32, #tpu.memory_space<hbm>> -> memref<128x64xf32, #tpu.memory_space<hbm>>
    %dma_start3A_696 = arith.constant 0 : i32
    %dma_start3A_697 = arith.constant 0 : i32
    %dma_start3A_698 = tpu.memref_slice %arg6[%dma_start3A_687, %dma_start3A_696, %dma_start3A_697] : memref<4x128x64xf32, #tpu.memory_space<vmem>> -> memref<1x128x64xf32, #tpu.memory_space<vmem>>
    %dma_start3A_699 = tpu.memref_squeeze %dma_start3A_698 : memref<1x128x64xf32, #tpu.memory_space<vmem>> -> memref<128x64xf32, #tpu.memory_space<vmem>>
    tpu.enqueue_dma source(%dma_start3A_699 : memref<128x64xf32, #tpu.memory_space<vmem>>) target(%dma_start3A_695 : memref<128x64xf32, #tpu.memory_space<hbm>>) target_semaphore(%arg11 : memref<!tpu.dma_semaphore, #tpu.memory_space<semaphore_mem>>)
    %dma_wait3A_700 = arith.constant 0 : i32
    %dma_wait3A_701 = arith.constant 0 : i32
    %dma_wait3A_702 = arith.constant 0 : i32
    %dma_wait3A_703 = tpu.memref_slice %arg6[%dma_wait3A_700, %dma_wait3A_701, %dma_wait3A_702] : memref<4x128x64xf32, #tpu.memory_space<vmem>> -> memref<1x128x64xf32, #tpu.memory_space<vmem>>
    %dma_wait3A_704 = tpu.memref_squeeze %dma_wait3A_703 : memref<1x128x64xf32, #tpu.memory_space<vmem>> -> memref<128x64xf32, #tpu.memory_space<vmem>>
    %dma_wait3A_705 = arith.constant 0 : i32
    %dma_wait3A_706 = tpu.memref_slice %arg4[%add3A_686, %dma_wait3A_705] : memref<106496x64xf32, #tpu.memory_space<hbm>> -> memref<128x64xf32, #tpu.memory_space<hbm>>
    %dma_wait3A_707 = arith.constant 0 : i32
    %dma_wait3A_708 = tpu.memref_slice %arg4[%add3A_686, %dma_wait3A_707] : memref<106496x64xf32, #tpu.memory_space<hbm>> -> memref<128x64xf32, #tpu.memory_space<hbm>>
    %dma_wait3A_709 = arith.constant 0 : i32
    %dma_wait3A_710 = arith.constant 0 : i32
    %dma_wait3A_711 = tpu.memref_slice %arg6[%dma_wait3A_700, %dma_wait3A_709, %dma_wait3A_710] : memref<4x128x64xf32, #tpu.memory_space<vmem>> -> memref<1x128x64xf32, #tpu.memory_space<vmem>>
    %dma_wait3A_712 = tpu.memref_squeeze %dma_wait3A_711 : memref<1x128x64xf32, #tpu.memory_space<vmem>> -> memref<128x64xf32, #tpu.memory_space<vmem>>
    tpu.wait_dma2 semaphore(%arg11 : memref<!tpu.dma_semaphore, #tpu.memory_space<semaphore_mem>>) src(%dma_wait3A_712 : memref<128x64xf32, #tpu.memory_space<vmem>>) dst(%dma_wait3A_708 : memref<128x64xf32, #tpu.memory_space<hbm>>)
    %dma_start3A_713 = arith.constant 16 : i32
    %dma_start3A_714 = arith.constant 0 : i32
    %dma_start3A_715 = arith.constant 0 : i32
    %dma_start3A_716 = arith.constant 0 : i32
    %dma_start3A_717 = tpu.memref_slice %arg6[%dma_start3A_714, %dma_start3A_715, %dma_start3A_716] : memref<4x128x64xf32, #tpu.memory_space<vmem>> -> memref<1x128x64xf32, #tpu.memory_space<vmem>>
    %dma_start3A_718 = tpu.memref_squeeze %dma_start3A_717 : memref<1x128x64xf32, #tpu.memory_space<vmem>> -> memref<128x64xf32, #tpu.memory_space<vmem>>
    %dma_start3A_719 = arith.constant 0 : i32
    %dma_start3A_720 = tpu.memref_slice %arg5[%dma_start3A_713, %dma_start3A_719] : memref<26x128xi32, #tpu.memory_space<vmem>> -> memref<1x128xi32, #tpu.memory_space<vmem>>
    %dma_start3A_721 = tpu.memref_squeeze %dma_start3A_720 : memref<1x128xi32, #tpu.memory_space<vmem>> -> memref<128xi32, #tpu.memory_space<vmem>>
    %dma_start3A_722 = arith.constant 0 : i32
    %dma_start3A_723 = arith.constant 0 : i32
    %dma_start3A_724 = tpu.memref_slice %arg2[%dma_start3A_722, %dma_start3A_723] : memref<2600000x64xf32, #tpu.memory_space<hbm>> -> memref<2600000x64xf32, #tpu.memory_space<hbm>>
    tpu.enqueue_indirect_dma source(%dma_start3A_724 : memref<2600000x64xf32, #tpu.memory_space<hbm>>) target(%dma_start3A_718 : memref<128x64xf32, #tpu.memory_space<vmem>>) offsets(%dma_start3A_721 : memref<128xi32, #tpu.memory_space<vmem>>) semaphore(%arg7 : memref<!tpu.dma_semaphore, #tpu.memory_space<semaphore_mem>>)
    %dma_wait3A_725 = arith.constant 13 : i32
    %dma_wait3A_726 = arith.constant 1 : i32
    %dma_wait3A_727 = arith.constant 0 : i32
    %dma_wait3A_728 = arith.constant 0 : i32
    %dma_wait3A_729 = tpu.memref_slice %arg6[%dma_wait3A_726, %dma_wait3A_727, %dma_wait3A_728] : memref<4x128x64xf32, #tpu.memory_space<vmem>> -> memref<1x128x64xf32, #tpu.memory_space<vmem>>
    %dma_wait3A_730 = tpu.memref_squeeze %dma_wait3A_729 : memref<1x128x64xf32, #tpu.memory_space<vmem>> -> memref<128x64xf32, #tpu.memory_space<vmem>>
    %dma_wait3A_731 = arith.constant 0 : i32
    %dma_wait3A_732 = tpu.memref_slice %arg5[%dma_wait3A_725, %dma_wait3A_731] : memref<26x128xi32, #tpu.memory_space<vmem>> -> memref<1x128xi32, #tpu.memory_space<vmem>>
    %dma_wait3A_733 = tpu.memref_squeeze %dma_wait3A_732 : memref<1x128xi32, #tpu.memory_space<vmem>> -> memref<128xi32, #tpu.memory_space<vmem>>
    %dma_wait3A_734 = arith.constant 0 : i32
    %dma_wait3A_735 = arith.constant 0 : i32
    %dma_wait3A_736 = tpu.memref_slice %arg2[%dma_wait3A_734, %dma_wait3A_735] : memref<2600000x64xf32, #tpu.memory_space<hbm>> -> memref<2600000x64xf32, #tpu.memory_space<hbm>>
    tpu.wait_indirect_dma semaphore(%arg8 : memref<!tpu.dma_semaphore, #tpu.memory_space<semaphore_mem>>) src(%dma_wait3A_736 : memref<2600000x64xf32, #tpu.memory_space<hbm>>) dst(%dma_wait3A_730 : memref<128x64xf32, #tpu.memory_space<vmem>>)
    %add3A_737 = arith.constant 1664 : i32
    %add3A_738 = arith.addi %mul3A_2, %add3A_737 : i32
    %dma_start3A_739 = arith.constant 1 : i32
    %dma_start3A_740 = arith.constant 0 : i32
    %dma_start3A_741 = arith.constant 0 : i32
    %dma_start3A_742 = tpu.memref_slice %arg6[%dma_start3A_739, %dma_start3A_740, %dma_start3A_741] : memref<4x128x64xf32, #tpu.memory_space<vmem>> -> memref<1x128x64xf32, #tpu.memory_space<vmem>>
    %dma_start3A_743 = tpu.memref_squeeze %dma_start3A_742 : memref<1x128x64xf32, #tpu.memory_space<vmem>> -> memref<128x64xf32, #tpu.memory_space<vmem>>
    %dma_start3A_744 = arith.constant 0 : i32
    %dma_start3A_745 = tpu.memref_slice %arg4[%add3A_738, %dma_start3A_744] : memref<106496x64xf32, #tpu.memory_space<hbm>> -> memref<128x64xf32, #tpu.memory_space<hbm>>
    %dma_start3A_746 = arith.constant 0 : i32
    %dma_start3A_747 = tpu.memref_slice %arg4[%add3A_738, %dma_start3A_746] : memref<106496x64xf32, #tpu.memory_space<hbm>> -> memref<128x64xf32, #tpu.memory_space<hbm>>
    %dma_start3A_748 = arith.constant 0 : i32
    %dma_start3A_749 = arith.constant 0 : i32
    %dma_start3A_750 = tpu.memref_slice %arg6[%dma_start3A_739, %dma_start3A_748, %dma_start3A_749] : memref<4x128x64xf32, #tpu.memory_space<vmem>> -> memref<1x128x64xf32, #tpu.memory_space<vmem>>
    %dma_start3A_751 = tpu.memref_squeeze %dma_start3A_750 : memref<1x128x64xf32, #tpu.memory_space<vmem>> -> memref<128x64xf32, #tpu.memory_space<vmem>>
    tpu.enqueue_dma source(%dma_start3A_751 : memref<128x64xf32, #tpu.memory_space<vmem>>) target(%dma_start3A_747 : memref<128x64xf32, #tpu.memory_space<hbm>>) target_semaphore(%arg12 : memref<!tpu.dma_semaphore, #tpu.memory_space<semaphore_mem>>)
    %dma_wait3A_752 = arith.constant 1 : i32
    %dma_wait3A_753 = arith.constant 0 : i32
    %dma_wait3A_754 = arith.constant 0 : i32
    %dma_wait3A_755 = tpu.memref_slice %arg6[%dma_wait3A_752, %dma_wait3A_753, %dma_wait3A_754] : memref<4x128x64xf32, #tpu.memory_space<vmem>> -> memref<1x128x64xf32, #tpu.memory_space<vmem>>
    %dma_wait3A_756 = tpu.memref_squeeze %dma_wait3A_755 : memref<1x128x64xf32, #tpu.memory_space<vmem>> -> memref<128x64xf32, #tpu.memory_space<vmem>>
    %dma_wait3A_757 = arith.constant 0 : i32
    %dma_wait3A_758 = tpu.memref_slice %arg4[%add3A_738, %dma_wait3A_757] : memref<106496x64xf32, #tpu.memory_space<hbm>> -> memref<128x64xf32, #tpu.memory_space<hbm>>
    %dma_wait3A_759 = arith.constant 0 : i32
    %dma_wait3A_760 = tpu.memref_slice %arg4[%add3A_738, %dma_wait3A_759] : memref<106496x64xf32, #tpu.memory_space<hbm>> -> memref<128x64xf32, #tpu.memory_space<hbm>>
    %dma_wait3A_761 = arith.constant 0 : i32
    %dma_wait3A_762 = arith.constant 0 : i32
    %dma_wait3A_763 = tpu.memref_slice %arg6[%dma_wait3A_752, %dma_wait3A_761, %dma_wait3A_762] : memref<4x128x64xf32, #tpu.memory_space<vmem>> -> memref<1x128x64xf32, #tpu.memory_space<vmem>>
    %dma_wait3A_764 = tpu.memref_squeeze %dma_wait3A_763 : memref<1x128x64xf32, #tpu.memory_space<vmem>> -> memref<128x64xf32, #tpu.memory_space<vmem>>
    tpu.wait_dma2 semaphore(%arg12 : memref<!tpu.dma_semaphore, #tpu.memory_space<semaphore_mem>>) src(%dma_wait3A_764 : memref<128x64xf32, #tpu.memory_space<vmem>>) dst(%dma_wait3A_760 : memref<128x64xf32, #tpu.memory_space<hbm>>)
    %dma_start3A_765 = arith.constant 17 : i32
    %dma_start3A_766 = arith.constant 1 : i32
    %dma_start3A_767 = arith.constant 0 : i32
    %dma_start3A_768 = arith.constant 0 : i32
    %dma_start3A_769 = tpu.memref_slice %arg6[%dma_start3A_766, %dma_start3A_767, %dma_start3A_768] : memref<4x128x64xf32, #tpu.memory_space<vmem>> -> memref<1x128x64xf32, #tpu.memory_space<vmem>>
    %dma_start3A_770 = tpu.memref_squeeze %dma_start3A_769 : memref<1x128x64xf32, #tpu.memory_space<vmem>> -> memref<128x64xf32, #tpu.memory_space<vmem>>
    %dma_start3A_771 = arith.constant 0 : i32
    %dma_start3A_772 = tpu.memref_slice %arg5[%dma_start3A_765, %dma_start3A_771] : memref<26x128xi32, #tpu.memory_space<vmem>> -> memref<1x128xi32, #tpu.memory_space<vmem>>
    %dma_start3A_773 = tpu.memref_squeeze %dma_start3A_772 : memref<1x128xi32, #tpu.memory_space<vmem>> -> memref<128xi32, #tpu.memory_space<vmem>>
    %dma_start3A_774 = arith.constant 0 : i32
    %dma_start3A_775 = arith.constant 0 : i32
    %dma_start3A_776 = tpu.memref_slice %arg2[%dma_start3A_774, %dma_start3A_775] : memref<2600000x64xf32, #tpu.memory_space<hbm>> -> memref<2600000x64xf32, #tpu.memory_space<hbm>>
    tpu.enqueue_indirect_dma source(%dma_start3A_776 : memref<2600000x64xf32, #tpu.memory_space<hbm>>) target(%dma_start3A_770 : memref<128x64xf32, #tpu.memory_space<vmem>>) offsets(%dma_start3A_773 : memref<128xi32, #tpu.memory_space<vmem>>) semaphore(%arg8 : memref<!tpu.dma_semaphore, #tpu.memory_space<semaphore_mem>>)
    %dma_wait3A_777 = arith.constant 14 : i32
    %dma_wait3A_778 = arith.constant 2 : i32
    %dma_wait3A_779 = arith.constant 0 : i32
    %dma_wait3A_780 = arith.constant 0 : i32
    %dma_wait3A_781 = tpu.memref_slice %arg6[%dma_wait3A_778, %dma_wait3A_779, %dma_wait3A_780] : memref<4x128x64xf32, #tpu.memory_space<vmem>> -> memref<1x128x64xf32, #tpu.memory_space<vmem>>
    %dma_wait3A_782 = tpu.memref_squeeze %dma_wait3A_781 : memref<1x128x64xf32, #tpu.memory_space<vmem>> -> memref<128x64xf32, #tpu.memory_space<vmem>>
    %dma_wait3A_783 = arith.constant 0 : i32
    %dma_wait3A_784 = tpu.memref_slice %arg5[%dma_wait3A_777, %dma_wait3A_783] : memref<26x128xi32, #tpu.memory_space<vmem>> -> memref<1x128xi32, #tpu.memory_space<vmem>>
    %dma_wait3A_785 = tpu.memref_squeeze %dma_wait3A_784 : memref<1x128xi32, #tpu.memory_space<vmem>> -> memref<128xi32, #tpu.memory_space<vmem>>
    %dma_wait3A_786 = arith.constant 0 : i32
    %dma_wait3A_787 = arith.constant 0 : i32
    %dma_wait3A_788 = tpu.memref_slice %arg2[%dma_wait3A_786, %dma_wait3A_787] : memref<2600000x64xf32, #tpu.memory_space<hbm>> -> memref<2600000x64xf32, #tpu.memory_space<hbm>>
    tpu.wait_indirect_dma semaphore(%arg9 : memref<!tpu.dma_semaphore, #tpu.memory_space<semaphore_mem>>) src(%dma_wait3A_788 : memref<2600000x64xf32, #tpu.memory_space<hbm>>) dst(%dma_wait3A_782 : memref<128x64xf32, #tpu.memory_space<vmem>>)
    %add3A_789 = arith.constant 1792 : i32
    %add3A_790 = arith.addi %mul3A_2, %add3A_789 : i32
    %dma_start3A_791 = arith.constant 2 : i32
    %dma_start3A_792 = arith.constant 0 : i32
    %dma_start3A_793 = arith.constant 0 : i32
    %dma_start3A_794 = tpu.memref_slice %arg6[%dma_start3A_791, %dma_start3A_792, %dma_start3A_793] : memref<4x128x64xf32, #tpu.memory_space<vmem>> -> memref<1x128x64xf32, #tpu.memory_space<vmem>>
    %dma_start3A_795 = tpu.memref_squeeze %dma_start3A_794 : memref<1x128x64xf32, #tpu.memory_space<vmem>> -> memref<128x64xf32, #tpu.memory_space<vmem>>
    %dma_start3A_796 = arith.constant 0 : i32
    %dma_start3A_797 = tpu.memref_slice %arg4[%add3A_790, %dma_start3A_796] : memref<106496x64xf32, #tpu.memory_space<hbm>> -> memref<128x64xf32, #tpu.memory_space<hbm>>
    %dma_start3A_798 = arith.constant 0 : i32
    %dma_start3A_799 = tpu.memref_slice %arg4[%add3A_790, %dma_start3A_798] : memref<106496x64xf32, #tpu.memory_space<hbm>> -> memref<128x64xf32, #tpu.memory_space<hbm>>
    %dma_start3A_800 = arith.constant 0 : i32
    %dma_start3A_801 = arith.constant 0 : i32
    %dma_start3A_802 = tpu.memref_slice %arg6[%dma_start3A_791, %dma_start3A_800, %dma_start3A_801] : memref<4x128x64xf32, #tpu.memory_space<vmem>> -> memref<1x128x64xf32, #tpu.memory_space<vmem>>
    %dma_start3A_803 = tpu.memref_squeeze %dma_start3A_802 : memref<1x128x64xf32, #tpu.memory_space<vmem>> -> memref<128x64xf32, #tpu.memory_space<vmem>>
    tpu.enqueue_dma source(%dma_start3A_803 : memref<128x64xf32, #tpu.memory_space<vmem>>) target(%dma_start3A_799 : memref<128x64xf32, #tpu.memory_space<hbm>>) target_semaphore(%arg13 : memref<!tpu.dma_semaphore, #tpu.memory_space<semaphore_mem>>)
    %dma_wait3A_804 = arith.constant 2 : i32
    %dma_wait3A_805 = arith.constant 0 : i32
    %dma_wait3A_806 = arith.constant 0 : i32
    %dma_wait3A_807 = tpu.memref_slice %arg6[%dma_wait3A_804, %dma_wait3A_805, %dma_wait3A_806] : memref<4x128x64xf32, #tpu.memory_space<vmem>> -> memref<1x128x64xf32, #tpu.memory_space<vmem>>
    %dma_wait3A_808 = tpu.memref_squeeze %dma_wait3A_807 : memref<1x128x64xf32, #tpu.memory_space<vmem>> -> memref<128x64xf32, #tpu.memory_space<vmem>>
    %dma_wait3A_809 = arith.constant 0 : i32
    %dma_wait3A_810 = tpu.memref_slice %arg4[%add3A_790, %dma_wait3A_809] : memref<106496x64xf32, #tpu.memory_space<hbm>> -> memref<128x64xf32, #tpu.memory_space<hbm>>
    %dma_wait3A_811 = arith.constant 0 : i32
    %dma_wait3A_812 = tpu.memref_slice %arg4[%add3A_790, %dma_wait3A_811] : memref<106496x64xf32, #tpu.memory_space<hbm>> -> memref<128x64xf32, #tpu.memory_space<hbm>>
    %dma_wait3A_813 = arith.constant 0 : i32
    %dma_wait3A_814 = arith.constant 0 : i32
    %dma_wait3A_815 = tpu.memref_slice %arg6[%dma_wait3A_804, %dma_wait3A_813, %dma_wait3A_814] : memref<4x128x64xf32, #tpu.memory_space<vmem>> -> memref<1x128x64xf32, #tpu.memory_space<vmem>>
    %dma_wait3A_816 = tpu.memref_squeeze %dma_wait3A_815 : memref<1x128x64xf32, #tpu.memory_space<vmem>> -> memref<128x64xf32, #tpu.memory_space<vmem>>
    tpu.wait_dma2 semaphore(%arg13 : memref<!tpu.dma_semaphore, #tpu.memory_space<semaphore_mem>>) src(%dma_wait3A_816 : memref<128x64xf32, #tpu.memory_space<vmem>>) dst(%dma_wait3A_812 : memref<128x64xf32, #tpu.memory_space<hbm>>)
    %dma_start3A_817 = arith.constant 18 : i32
    %dma_start3A_818 = arith.constant 2 : i32
    %dma_start3A_819 = arith.constant 0 : i32
    %dma_start3A_820 = arith.constant 0 : i32
    %dma_start3A_821 = tpu.memref_slice %arg6[%dma_start3A_818, %dma_start3A_819, %dma_start3A_820] : memref<4x128x64xf32, #tpu.memory_space<vmem>> -> memref<1x128x64xf32, #tpu.memory_space<vmem>>
    %dma_start3A_822 = tpu.memref_squeeze %dma_start3A_821 : memref<1x128x64xf32, #tpu.memory_space<vmem>> -> memref<128x64xf32, #tpu.memory_space<vmem>>
    %dma_start3A_823 = arith.constant 0 : i32
    %dma_start3A_824 = tpu.memref_slice %arg5[%dma_start3A_817, %dma_start3A_823] : memref<26x128xi32, #tpu.memory_space<vmem>> -> memref<1x128xi32, #tpu.memory_space<vmem>>
    %dma_start3A_825 = tpu.memref_squeeze %dma_start3A_824 : memref<1x128xi32, #tpu.memory_space<vmem>> -> memref<128xi32, #tpu.memory_space<vmem>>
    %dma_start3A_826 = arith.constant 0 : i32
    %dma_start3A_827 = arith.constant 0 : i32
    %dma_start3A_828 = tpu.memref_slice %arg2[%dma_start3A_826, %dma_start3A_827] : memref<2600000x64xf32, #tpu.memory_space<hbm>> -> memref<2600000x64xf32, #tpu.memory_space<hbm>>
    tpu.enqueue_indirect_dma source(%dma_start3A_828 : memref<2600000x64xf32, #tpu.memory_space<hbm>>) target(%dma_start3A_822 : memref<128x64xf32, #tpu.memory_space<vmem>>) offsets(%dma_start3A_825 : memref<128xi32, #tpu.memory_space<vmem>>) semaphore(%arg9 : memref<!tpu.dma_semaphore, #tpu.memory_space<semaphore_mem>>)
    %dma_wait3A_829 = arith.constant 15 : i32
    %dma_wait3A_830 = arith.constant 3 : i32
    %dma_wait3A_831 = arith.constant 0 : i32
    %dma_wait3A_832 = arith.constant 0 : i32
    %dma_wait3A_833 = tpu.memref_slice %arg6[%dma_wait3A_830, %dma_wait3A_831, %dma_wait3A_832] : memref<4x128x64xf32, #tpu.memory_space<vmem>> -> memref<1x128x64xf32, #tpu.memory_space<vmem>>
    %dma_wait3A_834 = tpu.memref_squeeze %dma_wait3A_833 : memref<1x128x64xf32, #tpu.memory_space<vmem>> -> memref<128x64xf32, #tpu.memory_space<vmem>>
    %dma_wait3A_835 = arith.constant 0 : i32
    %dma_wait3A_836 = tpu.memref_slice %arg5[%dma_wait3A_829, %dma_wait3A_835] : memref<26x128xi32, #tpu.memory_space<vmem>> -> memref<1x128xi32, #tpu.memory_space<vmem>>
    %dma_wait3A_837 = tpu.memref_squeeze %dma_wait3A_836 : memref<1x128xi32, #tpu.memory_space<vmem>> -> memref<128xi32, #tpu.memory_space<vmem>>
    %dma_wait3A_838 = arith.constant 0 : i32
    %dma_wait3A_839 = arith.constant 0 : i32
    %dma_wait3A_840 = tpu.memref_slice %arg2[%dma_wait3A_838, %dma_wait3A_839] : memref<2600000x64xf32, #tpu.memory_space<hbm>> -> memref<2600000x64xf32, #tpu.memory_space<hbm>>
    tpu.wait_indirect_dma semaphore(%arg10 : memref<!tpu.dma_semaphore, #tpu.memory_space<semaphore_mem>>) src(%dma_wait3A_840 : memref<2600000x64xf32, #tpu.memory_space<hbm>>) dst(%dma_wait3A_834 : memref<128x64xf32, #tpu.memory_space<vmem>>)
    %add3A_841 = arith.constant 1920 : i32
    %add3A_842 = arith.addi %mul3A_2, %add3A_841 : i32
    %dma_start3A_843 = arith.constant 3 : i32
    %dma_start3A_844 = arith.constant 0 : i32
    %dma_start3A_845 = arith.constant 0 : i32
    %dma_start3A_846 = tpu.memref_slice %arg6[%dma_start3A_843, %dma_start3A_844, %dma_start3A_845] : memref<4x128x64xf32, #tpu.memory_space<vmem>> -> memref<1x128x64xf32, #tpu.memory_space<vmem>>
    %dma_start3A_847 = tpu.memref_squeeze %dma_start3A_846 : memref<1x128x64xf32, #tpu.memory_space<vmem>> -> memref<128x64xf32, #tpu.memory_space<vmem>>
    %dma_start3A_848 = arith.constant 0 : i32
    %dma_start3A_849 = tpu.memref_slice %arg4[%add3A_842, %dma_start3A_848] : memref<106496x64xf32, #tpu.memory_space<hbm>> -> memref<128x64xf32, #tpu.memory_space<hbm>>
    %dma_start3A_850 = arith.constant 0 : i32
    %dma_start3A_851 = tpu.memref_slice %arg4[%add3A_842, %dma_start3A_850] : memref<106496x64xf32, #tpu.memory_space<hbm>> -> memref<128x64xf32, #tpu.memory_space<hbm>>
    %dma_start3A_852 = arith.constant 0 : i32
    %dma_start3A_853 = arith.constant 0 : i32
    %dma_start3A_854 = tpu.memref_slice %arg6[%dma_start3A_843, %dma_start3A_852, %dma_start3A_853] : memref<4x128x64xf32, #tpu.memory_space<vmem>> -> memref<1x128x64xf32, #tpu.memory_space<vmem>>
    %dma_start3A_855 = tpu.memref_squeeze %dma_start3A_854 : memref<1x128x64xf32, #tpu.memory_space<vmem>> -> memref<128x64xf32, #tpu.memory_space<vmem>>
    tpu.enqueue_dma source(%dma_start3A_855 : memref<128x64xf32, #tpu.memory_space<vmem>>) target(%dma_start3A_851 : memref<128x64xf32, #tpu.memory_space<hbm>>) target_semaphore(%arg14 : memref<!tpu.dma_semaphore, #tpu.memory_space<semaphore_mem>>)
    %dma_wait3A_856 = arith.constant 3 : i32
    %dma_wait3A_857 = arith.constant 0 : i32
    %dma_wait3A_858 = arith.constant 0 : i32
    %dma_wait3A_859 = tpu.memref_slice %arg6[%dma_wait3A_856, %dma_wait3A_857, %dma_wait3A_858] : memref<4x128x64xf32, #tpu.memory_space<vmem>> -> memref<1x128x64xf32, #tpu.memory_space<vmem>>
    %dma_wait3A_860 = tpu.memref_squeeze %dma_wait3A_859 : memref<1x128x64xf32, #tpu.memory_space<vmem>> -> memref<128x64xf32, #tpu.memory_space<vmem>>
    %dma_wait3A_861 = arith.constant 0 : i32
    %dma_wait3A_862 = tpu.memref_slice %arg4[%add3A_842, %dma_wait3A_861] : memref<106496x64xf32, #tpu.memory_space<hbm>> -> memref<128x64xf32, #tpu.memory_space<hbm>>
    %dma_wait3A_863 = arith.constant 0 : i32
    %dma_wait3A_864 = tpu.memref_slice %arg4[%add3A_842, %dma_wait3A_863] : memref<106496x64xf32, #tpu.memory_space<hbm>> -> memref<128x64xf32, #tpu.memory_space<hbm>>
    %dma_wait3A_865 = arith.constant 0 : i32
    %dma_wait3A_866 = arith.constant 0 : i32
    %dma_wait3A_867 = tpu.memref_slice %arg6[%dma_wait3A_856, %dma_wait3A_865, %dma_wait3A_866] : memref<4x128x64xf32, #tpu.memory_space<vmem>> -> memref<1x128x64xf32, #tpu.memory_space<vmem>>
    %dma_wait3A_868 = tpu.memref_squeeze %dma_wait3A_867 : memref<1x128x64xf32, #tpu.memory_space<vmem>> -> memref<128x64xf32, #tpu.memory_space<vmem>>
    tpu.wait_dma2 semaphore(%arg14 : memref<!tpu.dma_semaphore, #tpu.memory_space<semaphore_mem>>) src(%dma_wait3A_868 : memref<128x64xf32, #tpu.memory_space<vmem>>) dst(%dma_wait3A_864 : memref<128x64xf32, #tpu.memory_space<hbm>>)
    %dma_start3A_869 = arith.constant 19 : i32
    %dma_start3A_870 = arith.constant 3 : i32
    %dma_start3A_871 = arith.constant 0 : i32
    %dma_start3A_872 = arith.constant 0 : i32
    %dma_start3A_873 = tpu.memref_slice %arg6[%dma_start3A_870, %dma_start3A_871, %dma_start3A_872] : memref<4x128x64xf32, #tpu.memory_space<vmem>> -> memref<1x128x64xf32, #tpu.memory_space<vmem>>
    %dma_start3A_874 = tpu.memref_squeeze %dma_start3A_873 : memref<1x128x64xf32, #tpu.memory_space<vmem>> -> memref<128x64xf32, #tpu.memory_space<vmem>>
    %dma_start3A_875 = arith.constant 0 : i32
    %dma_start3A_876 = tpu.memref_slice %arg5[%dma_start3A_869, %dma_start3A_875] : memref<26x128xi32, #tpu.memory_space<vmem>> -> memref<1x128xi32, #tpu.memory_space<vmem>>
    %dma_start3A_877 = tpu.memref_squeeze %dma_start3A_876 : memref<1x128xi32, #tpu.memory_space<vmem>> -> memref<128xi32, #tpu.memory_space<vmem>>
    %dma_start3A_878 = arith.constant 0 : i32
    %dma_start3A_879 = arith.constant 0 : i32
    %dma_start3A_880 = tpu.memref_slice %arg2[%dma_start3A_878, %dma_start3A_879] : memref<2600000x64xf32, #tpu.memory_space<hbm>> -> memref<2600000x64xf32, #tpu.memory_space<hbm>>
    tpu.enqueue_indirect_dma source(%dma_start3A_880 : memref<2600000x64xf32, #tpu.memory_space<hbm>>) target(%dma_start3A_874 : memref<128x64xf32, #tpu.memory_space<vmem>>) offsets(%dma_start3A_877 : memref<128xi32, #tpu.memory_space<vmem>>) semaphore(%arg10 : memref<!tpu.dma_semaphore, #tpu.memory_space<semaphore_mem>>)
    %dma_wait3A_881 = arith.constant 16 : i32
    %dma_wait3A_882 = arith.constant 0 : i32
    %dma_wait3A_883 = arith.constant 0 : i32
    %dma_wait3A_884 = arith.constant 0 : i32
    %dma_wait3A_885 = tpu.memref_slice %arg6[%dma_wait3A_882, %dma_wait3A_883, %dma_wait3A_884] : memref<4x128x64xf32, #tpu.memory_space<vmem>> -> memref<1x128x64xf32, #tpu.memory_space<vmem>>
    %dma_wait3A_886 = tpu.memref_squeeze %dma_wait3A_885 : memref<1x128x64xf32, #tpu.memory_space<vmem>> -> memref<128x64xf32, #tpu.memory_space<vmem>>
    %dma_wait3A_887 = arith.constant 0 : i32
    %dma_wait3A_888 = tpu.memref_slice %arg5[%dma_wait3A_881, %dma_wait3A_887] : memref<26x128xi32, #tpu.memory_space<vmem>> -> memref<1x128xi32, #tpu.memory_space<vmem>>
    %dma_wait3A_889 = tpu.memref_squeeze %dma_wait3A_888 : memref<1x128xi32, #tpu.memory_space<vmem>> -> memref<128xi32, #tpu.memory_space<vmem>>
    %dma_wait3A_890 = arith.constant 0 : i32
    %dma_wait3A_891 = arith.constant 0 : i32
    %dma_wait3A_892 = tpu.memref_slice %arg2[%dma_wait3A_890, %dma_wait3A_891] : memref<2600000x64xf32, #tpu.memory_space<hbm>> -> memref<2600000x64xf32, #tpu.memory_space<hbm>>
    tpu.wait_indirect_dma semaphore(%arg7 : memref<!tpu.dma_semaphore, #tpu.memory_space<semaphore_mem>>) src(%dma_wait3A_892 : memref<2600000x64xf32, #tpu.memory_space<hbm>>) dst(%dma_wait3A_886 : memref<128x64xf32, #tpu.memory_space<vmem>>)
    %add3A_893 = arith.constant 2048 : i32
    %add3A_894 = arith.addi %mul3A_2, %add3A_893 : i32
    %dma_start3A_895 = arith.constant 0 : i32
    %dma_start3A_896 = arith.constant 0 : i32
    %dma_start3A_897 = arith.constant 0 : i32
    %dma_start3A_898 = tpu.memref_slice %arg6[%dma_start3A_895, %dma_start3A_896, %dma_start3A_897] : memref<4x128x64xf32, #tpu.memory_space<vmem>> -> memref<1x128x64xf32, #tpu.memory_space<vmem>>
    %dma_start3A_899 = tpu.memref_squeeze %dma_start3A_898 : memref<1x128x64xf32, #tpu.memory_space<vmem>> -> memref<128x64xf32, #tpu.memory_space<vmem>>
    %dma_start3A_900 = arith.constant 0 : i32
    %dma_start3A_901 = tpu.memref_slice %arg4[%add3A_894, %dma_start3A_900] : memref<106496x64xf32, #tpu.memory_space<hbm>> -> memref<128x64xf32, #tpu.memory_space<hbm>>
    %dma_start3A_902 = arith.constant 0 : i32
    %dma_start3A_903 = tpu.memref_slice %arg4[%add3A_894, %dma_start3A_902] : memref<106496x64xf32, #tpu.memory_space<hbm>> -> memref<128x64xf32, #tpu.memory_space<hbm>>
    %dma_start3A_904 = arith.constant 0 : i32
    %dma_start3A_905 = arith.constant 0 : i32
    %dma_start3A_906 = tpu.memref_slice %arg6[%dma_start3A_895, %dma_start3A_904, %dma_start3A_905] : memref<4x128x64xf32, #tpu.memory_space<vmem>> -> memref<1x128x64xf32, #tpu.memory_space<vmem>>
    %dma_start3A_907 = tpu.memref_squeeze %dma_start3A_906 : memref<1x128x64xf32, #tpu.memory_space<vmem>> -> memref<128x64xf32, #tpu.memory_space<vmem>>
    tpu.enqueue_dma source(%dma_start3A_907 : memref<128x64xf32, #tpu.memory_space<vmem>>) target(%dma_start3A_903 : memref<128x64xf32, #tpu.memory_space<hbm>>) target_semaphore(%arg11 : memref<!tpu.dma_semaphore, #tpu.memory_space<semaphore_mem>>)
    %dma_wait3A_908 = arith.constant 0 : i32
    %dma_wait3A_909 = arith.constant 0 : i32
    %dma_wait3A_910 = arith.constant 0 : i32
    %dma_wait3A_911 = tpu.memref_slice %arg6[%dma_wait3A_908, %dma_wait3A_909, %dma_wait3A_910] : memref<4x128x64xf32, #tpu.memory_space<vmem>> -> memref<1x128x64xf32, #tpu.memory_space<vmem>>
    %dma_wait3A_912 = tpu.memref_squeeze %dma_wait3A_911 : memref<1x128x64xf32, #tpu.memory_space<vmem>> -> memref<128x64xf32, #tpu.memory_space<vmem>>
    %dma_wait3A_913 = arith.constant 0 : i32
    %dma_wait3A_914 = tpu.memref_slice %arg4[%add3A_894, %dma_wait3A_913] : memref<106496x64xf32, #tpu.memory_space<hbm>> -> memref<128x64xf32, #tpu.memory_space<hbm>>
    %dma_wait3A_915 = arith.constant 0 : i32
    %dma_wait3A_916 = tpu.memref_slice %arg4[%add3A_894, %dma_wait3A_915] : memref<106496x64xf32, #tpu.memory_space<hbm>> -> memref<128x64xf32, #tpu.memory_space<hbm>>
    %dma_wait3A_917 = arith.constant 0 : i32
    %dma_wait3A_918 = arith.constant 0 : i32
    %dma_wait3A_919 = tpu.memref_slice %arg6[%dma_wait3A_908, %dma_wait3A_917, %dma_wait3A_918] : memref<4x128x64xf32, #tpu.memory_space<vmem>> -> memref<1x128x64xf32, #tpu.memory_space<vmem>>
    %dma_wait3A_920 = tpu.memref_squeeze %dma_wait3A_919 : memref<1x128x64xf32, #tpu.memory_space<vmem>> -> memref<128x64xf32, #tpu.memory_space<vmem>>
    tpu.wait_dma2 semaphore(%arg11 : memref<!tpu.dma_semaphore, #tpu.memory_space<semaphore_mem>>) src(%dma_wait3A_920 : memref<128x64xf32, #tpu.memory_space<vmem>>) dst(%dma_wait3A_916 : memref<128x64xf32, #tpu.memory_space<hbm>>)
    %dma_start3A_921 = arith.constant 20 : i32
    %dma_start3A_922 = arith.constant 0 : i32
    %dma_start3A_923 = arith.constant 0 : i32
    %dma_start3A_924 = arith.constant 0 : i32
    %dma_start3A_925 = tpu.memref_slice %arg6[%dma_start3A_922, %dma_start3A_923, %dma_start3A_924] : memref<4x128x64xf32, #tpu.memory_space<vmem>> -> memref<1x128x64xf32, #tpu.memory_space<vmem>>
    %dma_start3A_926 = tpu.memref_squeeze %dma_start3A_925 : memref<1x128x64xf32, #tpu.memory_space<vmem>> -> memref<128x64xf32, #tpu.memory_space<vmem>>
    %dma_start3A_927 = arith.constant 0 : i32
    %dma_start3A_928 = tpu.memref_slice %arg5[%dma_start3A_921, %dma_start3A_927] : memref<26x128xi32, #tpu.memory_space<vmem>> -> memref<1x128xi32, #tpu.memory_space<vmem>>
    %dma_start3A_929 = tpu.memref_squeeze %dma_start3A_928 : memref<1x128xi32, #tpu.memory_space<vmem>> -> memref<128xi32, #tpu.memory_space<vmem>>
    %dma_start3A_930 = arith.constant 0 : i32
    %dma_start3A_931 = arith.constant 0 : i32
    %dma_start3A_932 = tpu.memref_slice %arg2[%dma_start3A_930, %dma_start3A_931] : memref<2600000x64xf32, #tpu.memory_space<hbm>> -> memref<2600000x64xf32, #tpu.memory_space<hbm>>
    tpu.enqueue_indirect_dma source(%dma_start3A_932 : memref<2600000x64xf32, #tpu.memory_space<hbm>>) target(%dma_start3A_926 : memref<128x64xf32, #tpu.memory_space<vmem>>) offsets(%dma_start3A_929 : memref<128xi32, #tpu.memory_space<vmem>>) semaphore(%arg7 : memref<!tpu.dma_semaphore, #tpu.memory_space<semaphore_mem>>)
    %dma_wait3A_933 = arith.constant 17 : i32
    %dma_wait3A_934 = arith.constant 1 : i32
    %dma_wait3A_935 = arith.constant 0 : i32
    %dma_wait3A_936 = arith.constant 0 : i32
    %dma_wait3A_937 = tpu.memref_slice %arg6[%dma_wait3A_934, %dma_wait3A_935, %dma_wait3A_936] : memref<4x128x64xf32, #tpu.memory_space<vmem>> -> memref<1x128x64xf32, #tpu.memory_space<vmem>>
    %dma_wait3A_938 = tpu.memref_squeeze %dma_wait3A_937 : memref<1x128x64xf32, #tpu.memory_space<vmem>> -> memref<128x64xf32, #tpu.memory_space<vmem>>
    %dma_wait3A_939 = arith.constant 0 : i32
    %dma_wait3A_940 = tpu.memref_slice %arg5[%dma_wait3A_933, %dma_wait3A_939] : memref<26x128xi32, #tpu.memory_space<vmem>> -> memref<1x128xi32, #tpu.memory_space<vmem>>
    %dma_wait3A_941 = tpu.memref_squeeze %dma_wait3A_940 : memref<1x128xi32, #tpu.memory_space<vmem>> -> memref<128xi32, #tpu.memory_space<vmem>>
    %dma_wait3A_942 = arith.constant 0 : i32
    %dma_wait3A_943 = arith.constant 0 : i32
    %dma_wait3A_944 = tpu.memref_slice %arg2[%dma_wait3A_942, %dma_wait3A_943] : memref<2600000x64xf32, #tpu.memory_space<hbm>> -> memref<2600000x64xf32, #tpu.memory_space<hbm>>
    tpu.wait_indirect_dma semaphore(%arg8 : memref<!tpu.dma_semaphore, #tpu.memory_space<semaphore_mem>>) src(%dma_wait3A_944 : memref<2600000x64xf32, #tpu.memory_space<hbm>>) dst(%dma_wait3A_938 : memref<128x64xf32, #tpu.memory_space<vmem>>)
    %add3A_945 = arith.constant 2176 : i32
    %add3A_946 = arith.addi %mul3A_2, %add3A_945 : i32
    %dma_start3A_947 = arith.constant 1 : i32
    %dma_start3A_948 = arith.constant 0 : i32
    %dma_start3A_949 = arith.constant 0 : i32
    %dma_start3A_950 = tpu.memref_slice %arg6[%dma_start3A_947, %dma_start3A_948, %dma_start3A_949] : memref<4x128x64xf32, #tpu.memory_space<vmem>> -> memref<1x128x64xf32, #tpu.memory_space<vmem>>
    %dma_start3A_951 = tpu.memref_squeeze %dma_start3A_950 : memref<1x128x64xf32, #tpu.memory_space<vmem>> -> memref<128x64xf32, #tpu.memory_space<vmem>>
    %dma_start3A_952 = arith.constant 0 : i32
    %dma_start3A_953 = tpu.memref_slice %arg4[%add3A_946, %dma_start3A_952] : memref<106496x64xf32, #tpu.memory_space<hbm>> -> memref<128x64xf32, #tpu.memory_space<hbm>>
    %dma_start3A_954 = arith.constant 0 : i32
    %dma_start3A_955 = tpu.memref_slice %arg4[%add3A_946, %dma_start3A_954] : memref<106496x64xf32, #tpu.memory_space<hbm>> -> memref<128x64xf32, #tpu.memory_space<hbm>>
    %dma_start3A_956 = arith.constant 0 : i32
    %dma_start3A_957 = arith.constant 0 : i32
    %dma_start3A_958 = tpu.memref_slice %arg6[%dma_start3A_947, %dma_start3A_956, %dma_start3A_957] : memref<4x128x64xf32, #tpu.memory_space<vmem>> -> memref<1x128x64xf32, #tpu.memory_space<vmem>>
    %dma_start3A_959 = tpu.memref_squeeze %dma_start3A_958 : memref<1x128x64xf32, #tpu.memory_space<vmem>> -> memref<128x64xf32, #tpu.memory_space<vmem>>
    tpu.enqueue_dma source(%dma_start3A_959 : memref<128x64xf32, #tpu.memory_space<vmem>>) target(%dma_start3A_955 : memref<128x64xf32, #tpu.memory_space<hbm>>) target_semaphore(%arg12 : memref<!tpu.dma_semaphore, #tpu.memory_space<semaphore_mem>>)
    %dma_wait3A_960 = arith.constant 1 : i32
    %dma_wait3A_961 = arith.constant 0 : i32
    %dma_wait3A_962 = arith.constant 0 : i32
    %dma_wait3A_963 = tpu.memref_slice %arg6[%dma_wait3A_960, %dma_wait3A_961, %dma_wait3A_962] : memref<4x128x64xf32, #tpu.memory_space<vmem>> -> memref<1x128x64xf32, #tpu.memory_space<vmem>>
    %dma_wait3A_964 = tpu.memref_squeeze %dma_wait3A_963 : memref<1x128x64xf32, #tpu.memory_space<vmem>> -> memref<128x64xf32, #tpu.memory_space<vmem>>
    %dma_wait3A_965 = arith.constant 0 : i32
    %dma_wait3A_966 = tpu.memref_slice %arg4[%add3A_946, %dma_wait3A_965] : memref<106496x64xf32, #tpu.memory_space<hbm>> -> memref<128x64xf32, #tpu.memory_space<hbm>>
    %dma_wait3A_967 = arith.constant 0 : i32
    %dma_wait3A_968 = tpu.memref_slice %arg4[%add3A_946, %dma_wait3A_967] : memref<106496x64xf32, #tpu.memory_space<hbm>> -> memref<128x64xf32, #tpu.memory_space<hbm>>
    %dma_wait3A_969 = arith.constant 0 : i32
    %dma_wait3A_970 = arith.constant 0 : i32
    %dma_wait3A_971 = tpu.memref_slice %arg6[%dma_wait3A_960, %dma_wait3A_969, %dma_wait3A_970] : memref<4x128x64xf32, #tpu.memory_space<vmem>> -> memref<1x128x64xf32, #tpu.memory_space<vmem>>
    %dma_wait3A_972 = tpu.memref_squeeze %dma_wait3A_971 : memref<1x128x64xf32, #tpu.memory_space<vmem>> -> memref<128x64xf32, #tpu.memory_space<vmem>>
    tpu.wait_dma2 semaphore(%arg12 : memref<!tpu.dma_semaphore, #tpu.memory_space<semaphore_mem>>) src(%dma_wait3A_972 : memref<128x64xf32, #tpu.memory_space<vmem>>) dst(%dma_wait3A_968 : memref<128x64xf32, #tpu.memory_space<hbm>>)
    %dma_start3A_973 = arith.constant 21 : i32
    %dma_start3A_974 = arith.constant 1 : i32
    %dma_start3A_975 = arith.constant 0 : i32
    %dma_start3A_976 = arith.constant 0 : i32
    %dma_start3A_977 = tpu.memref_slice %arg6[%dma_start3A_974, %dma_start3A_975, %dma_start3A_976] : memref<4x128x64xf32, #tpu.memory_space<vmem>> -> memref<1x128x64xf32, #tpu.memory_space<vmem>>
    %dma_start3A_978 = tpu.memref_squeeze %dma_start3A_977 : memref<1x128x64xf32, #tpu.memory_space<vmem>> -> memref<128x64xf32, #tpu.memory_space<vmem>>
    %dma_start3A_979 = arith.constant 0 : i32
    %dma_start3A_980 = tpu.memref_slice %arg5[%dma_start3A_973, %dma_start3A_979] : memref<26x128xi32, #tpu.memory_space<vmem>> -> memref<1x128xi32, #tpu.memory_space<vmem>>
    %dma_start3A_981 = tpu.memref_squeeze %dma_start3A_980 : memref<1x128xi32, #tpu.memory_space<vmem>> -> memref<128xi32, #tpu.memory_space<vmem>>
    %dma_start3A_982 = arith.constant 0 : i32
    %dma_start3A_983 = arith.constant 0 : i32
    %dma_start3A_984 = tpu.memref_slice %arg2[%dma_start3A_982, %dma_start3A_983] : memref<2600000x64xf32, #tpu.memory_space<hbm>> -> memref<2600000x64xf32, #tpu.memory_space<hbm>>
    tpu.enqueue_indirect_dma source(%dma_start3A_984 : memref<2600000x64xf32, #tpu.memory_space<hbm>>) target(%dma_start3A_978 : memref<128x64xf32, #tpu.memory_space<vmem>>) offsets(%dma_start3A_981 : memref<128xi32, #tpu.memory_space<vmem>>) semaphore(%arg8 : memref<!tpu.dma_semaphore, #tpu.memory_space<semaphore_mem>>)
    %dma_wait3A_985 = arith.constant 18 : i32
    %dma_wait3A_986 = arith.constant 2 : i32
    %dma_wait3A_987 = arith.constant 0 : i32
    %dma_wait3A_988 = arith.constant 0 : i32
    %dma_wait3A_989 = tpu.memref_slice %arg6[%dma_wait3A_986, %dma_wait3A_987, %dma_wait3A_988] : memref<4x128x64xf32, #tpu.memory_space<vmem>> -> memref<1x128x64xf32, #tpu.memory_space<vmem>>
    %dma_wait3A_990 = tpu.memref_squeeze %dma_wait3A_989 : memref<1x128x64xf32, #tpu.memory_space<vmem>> -> memref<128x64xf32, #tpu.memory_space<vmem>>
    %dma_wait3A_991 = arith.constant 0 : i32
    %dma_wait3A_992 = tpu.memref_slice %arg5[%dma_wait3A_985, %dma_wait3A_991] : memref<26x128xi32, #tpu.memory_space<vmem>> -> memref<1x128xi32, #tpu.memory_space<vmem>>
    %dma_wait3A_993 = tpu.memref_squeeze %dma_wait3A_992 : memref<1x128xi32, #tpu.memory_space<vmem>> -> memref<128xi32, #tpu.memory_space<vmem>>
    %dma_wait3A_994 = arith.constant 0 : i32
    %dma_wait3A_995 = arith.constant 0 : i32
    %dma_wait3A_996 = tpu.memref_slice %arg2[%dma_wait3A_994, %dma_wait3A_995] : memref<2600000x64xf32, #tpu.memory_space<hbm>> -> memref<2600000x64xf32, #tpu.memory_space<hbm>>
    tpu.wait_indirect_dma semaphore(%arg9 : memref<!tpu.dma_semaphore, #tpu.memory_space<semaphore_mem>>) src(%dma_wait3A_996 : memref<2600000x64xf32, #tpu.memory_space<hbm>>) dst(%dma_wait3A_990 : memref<128x64xf32, #tpu.memory_space<vmem>>)
    %add3A_997 = arith.constant 2304 : i32
    %add3A_998 = arith.addi %mul3A_2, %add3A_997 : i32
    %dma_start3A_999 = arith.constant 2 : i32
    %dma_start3A_1000 = arith.constant 0 : i32
    %dma_start3A_1001 = arith.constant 0 : i32
    %dma_start3A_1002 = tpu.memref_slice %arg6[%dma_start3A_999, %dma_start3A_1000, %dma_start3A_1001] : memref<4x128x64xf32, #tpu.memory_space<vmem>> -> memref<1x128x64xf32, #tpu.memory_space<vmem>>
    %dma_start3A_1003 = tpu.memref_squeeze %dma_start3A_1002 : memref<1x128x64xf32, #tpu.memory_space<vmem>> -> memref<128x64xf32, #tpu.memory_space<vmem>>
    %dma_start3A_1004 = arith.constant 0 : i32
    %dma_start3A_1005 = tpu.memref_slice %arg4[%add3A_998, %dma_start3A_1004] : memref<106496x64xf32, #tpu.memory_space<hbm>> -> memref<128x64xf32, #tpu.memory_space<hbm>>
    %dma_start3A_1006 = arith.constant 0 : i32
    %dma_start3A_1007 = tpu.memref_slice %arg4[%add3A_998, %dma_start3A_1006] : memref<106496x64xf32, #tpu.memory_space<hbm>> -> memref<128x64xf32, #tpu.memory_space<hbm>>
    %dma_start3A_1008 = arith.constant 0 : i32
    %dma_start3A_1009 = arith.constant 0 : i32
    %dma_start3A_1010 = tpu.memref_slice %arg6[%dma_start3A_999, %dma_start3A_1008, %dma_start3A_1009] : memref<4x128x64xf32, #tpu.memory_space<vmem>> -> memref<1x128x64xf32, #tpu.memory_space<vmem>>
    %dma_start3A_1011 = tpu.memref_squeeze %dma_start3A_1010 : memref<1x128x64xf32, #tpu.memory_space<vmem>> -> memref<128x64xf32, #tpu.memory_space<vmem>>
    tpu.enqueue_dma source(%dma_start3A_1011 : memref<128x64xf32, #tpu.memory_space<vmem>>) target(%dma_start3A_1007 : memref<128x64xf32, #tpu.memory_space<hbm>>) target_semaphore(%arg13 : memref<!tpu.dma_semaphore, #tpu.memory_space<semaphore_mem>>)
    %dma_wait3A_1012 = arith.constant 2 : i32
    %dma_wait3A_1013 = arith.constant 0 : i32
    %dma_wait3A_1014 = arith.constant 0 : i32
    %dma_wait3A_1015 = tpu.memref_slice %arg6[%dma_wait3A_1012, %dma_wait3A_1013, %dma_wait3A_1014] : memref<4x128x64xf32, #tpu.memory_space<vmem>> -> memref<1x128x64xf32, #tpu.memory_space<vmem>>
    %dma_wait3A_1016 = tpu.memref_squeeze %dma_wait3A_1015 : memref<1x128x64xf32, #tpu.memory_space<vmem>> -> memref<128x64xf32, #tpu.memory_space<vmem>>
    %dma_wait3A_1017 = arith.constant 0 : i32
    %dma_wait3A_1018 = tpu.memref_slice %arg4[%add3A_998, %dma_wait3A_1017] : memref<106496x64xf32, #tpu.memory_space<hbm>> -> memref<128x64xf32, #tpu.memory_space<hbm>>
    %dma_wait3A_1019 = arith.constant 0 : i32
    %dma_wait3A_1020 = tpu.memref_slice %arg4[%add3A_998, %dma_wait3A_1019] : memref<106496x64xf32, #tpu.memory_space<hbm>> -> memref<128x64xf32, #tpu.memory_space<hbm>>
    %dma_wait3A_1021 = arith.constant 0 : i32
    %dma_wait3A_1022 = arith.constant 0 : i32
    %dma_wait3A_1023 = tpu.memref_slice %arg6[%dma_wait3A_1012, %dma_wait3A_1021, %dma_wait3A_1022] : memref<4x128x64xf32, #tpu.memory_space<vmem>> -> memref<1x128x64xf32, #tpu.memory_space<vmem>>
    %dma_wait3A_1024 = tpu.memref_squeeze %dma_wait3A_1023 : memref<1x128x64xf32, #tpu.memory_space<vmem>> -> memref<128x64xf32, #tpu.memory_space<vmem>>
    tpu.wait_dma2 semaphore(%arg13 : memref<!tpu.dma_semaphore, #tpu.memory_space<semaphore_mem>>) src(%dma_wait3A_1024 : memref<128x64xf32, #tpu.memory_space<vmem>>) dst(%dma_wait3A_1020 : memref<128x64xf32, #tpu.memory_space<hbm>>)
    %dma_start3A_1025 = arith.constant 22 : i32
    %dma_start3A_1026 = arith.constant 2 : i32
    %dma_start3A_1027 = arith.constant 0 : i32
    %dma_start3A_1028 = arith.constant 0 : i32
    %dma_start3A_1029 = tpu.memref_slice %arg6[%dma_start3A_1026, %dma_start3A_1027, %dma_start3A_1028] : memref<4x128x64xf32, #tpu.memory_space<vmem>> -> memref<1x128x64xf32, #tpu.memory_space<vmem>>
    %dma_start3A_1030 = tpu.memref_squeeze %dma_start3A_1029 : memref<1x128x64xf32, #tpu.memory_space<vmem>> -> memref<128x64xf32, #tpu.memory_space<vmem>>
    %dma_start3A_1031 = arith.constant 0 : i32
    %dma_start3A_1032 = tpu.memref_slice %arg5[%dma_start3A_1025, %dma_start3A_1031] : memref<26x128xi32, #tpu.memory_space<vmem>> -> memref<1x128xi32, #tpu.memory_space<vmem>>
    %dma_start3A_1033 = tpu.memref_squeeze %dma_start3A_1032 : memref<1x128xi32, #tpu.memory_space<vmem>> -> memref<128xi32, #tpu.memory_space<vmem>>
    %dma_start3A_1034 = arith.constant 0 : i32
    %dma_start3A_1035 = arith.constant 0 : i32
    %dma_start3A_1036 = tpu.memref_slice %arg2[%dma_start3A_1034, %dma_start3A_1035] : memref<2600000x64xf32, #tpu.memory_space<hbm>> -> memref<2600000x64xf32, #tpu.memory_space<hbm>>
    tpu.enqueue_indirect_dma source(%dma_start3A_1036 : memref<2600000x64xf32, #tpu.memory_space<hbm>>) target(%dma_start3A_1030 : memref<128x64xf32, #tpu.memory_space<vmem>>) offsets(%dma_start3A_1033 : memref<128xi32, #tpu.memory_space<vmem>>) semaphore(%arg9 : memref<!tpu.dma_semaphore, #tpu.memory_space<semaphore_mem>>)
    %dma_wait3A_1037 = arith.constant 19 : i32
    %dma_wait3A_1038 = arith.constant 3 : i32
    %dma_wait3A_1039 = arith.constant 0 : i32
    %dma_wait3A_1040 = arith.constant 0 : i32
    %dma_wait3A_1041 = tpu.memref_slice %arg6[%dma_wait3A_1038, %dma_wait3A_1039, %dma_wait3A_1040] : memref<4x128x64xf32, #tpu.memory_space<vmem>> -> memref<1x128x64xf32, #tpu.memory_space<vmem>>
    %dma_wait3A_1042 = tpu.memref_squeeze %dma_wait3A_1041 : memref<1x128x64xf32, #tpu.memory_space<vmem>> -> memref<128x64xf32, #tpu.memory_space<vmem>>
    %dma_wait3A_1043 = arith.constant 0 : i32
    %dma_wait3A_1044 = tpu.memref_slice %arg5[%dma_wait3A_1037, %dma_wait3A_1043] : memref<26x128xi32, #tpu.memory_space<vmem>> -> memref<1x128xi32, #tpu.memory_space<vmem>>
    %dma_wait3A_1045 = tpu.memref_squeeze %dma_wait3A_1044 : memref<1x128xi32, #tpu.memory_space<vmem>> -> memref<128xi32, #tpu.memory_space<vmem>>
    %dma_wait3A_1046 = arith.constant 0 : i32
    %dma_wait3A_1047 = arith.constant 0 : i32
    %dma_wait3A_1048 = tpu.memref_slice %arg2[%dma_wait3A_1046, %dma_wait3A_1047] : memref<2600000x64xf32, #tpu.memory_space<hbm>> -> memref<2600000x64xf32, #tpu.memory_space<hbm>>
    tpu.wait_indirect_dma semaphore(%arg10 : memref<!tpu.dma_semaphore, #tpu.memory_space<semaphore_mem>>) src(%dma_wait3A_1048 : memref<2600000x64xf32, #tpu.memory_space<hbm>>) dst(%dma_wait3A_1042 : memref<128x64xf32, #tpu.memory_space<vmem>>)
    %add3A_1049 = arith.constant 2432 : i32
    %add3A_1050 = arith.addi %mul3A_2, %add3A_1049 : i32
    %dma_start3A_1051 = arith.constant 3 : i32
    %dma_start3A_1052 = arith.constant 0 : i32
    %dma_start3A_1053 = arith.constant 0 : i32
    %dma_start3A_1054 = tpu.memref_slice %arg6[%dma_start3A_1051, %dma_start3A_1052, %dma_start3A_1053] : memref<4x128x64xf32, #tpu.memory_space<vmem>> -> memref<1x128x64xf32, #tpu.memory_space<vmem>>
    %dma_start3A_1055 = tpu.memref_squeeze %dma_start3A_1054 : memref<1x128x64xf32, #tpu.memory_space<vmem>> -> memref<128x64xf32, #tpu.memory_space<vmem>>
    %dma_start3A_1056 = arith.constant 0 : i32
    %dma_start3A_1057 = tpu.memref_slice %arg4[%add3A_1050, %dma_start3A_1056] : memref<106496x64xf32, #tpu.memory_space<hbm>> -> memref<128x64xf32, #tpu.memory_space<hbm>>
    %dma_start3A_1058 = arith.constant 0 : i32
    %dma_start3A_1059 = tpu.memref_slice %arg4[%add3A_1050, %dma_start3A_1058] : memref<106496x64xf32, #tpu.memory_space<hbm>> -> memref<128x64xf32, #tpu.memory_space<hbm>>
    %dma_start3A_1060 = arith.constant 0 : i32
    %dma_start3A_1061 = arith.constant 0 : i32
    %dma_start3A_1062 = tpu.memref_slice %arg6[%dma_start3A_1051, %dma_start3A_1060, %dma_start3A_1061] : memref<4x128x64xf32, #tpu.memory_space<vmem>> -> memref<1x128x64xf32, #tpu.memory_space<vmem>>
    %dma_start3A_1063 = tpu.memref_squeeze %dma_start3A_1062 : memref<1x128x64xf32, #tpu.memory_space<vmem>> -> memref<128x64xf32, #tpu.memory_space<vmem>>
    tpu.enqueue_dma source(%dma_start3A_1063 : memref<128x64xf32, #tpu.memory_space<vmem>>) target(%dma_start3A_1059 : memref<128x64xf32, #tpu.memory_space<hbm>>) target_semaphore(%arg14 : memref<!tpu.dma_semaphore, #tpu.memory_space<semaphore_mem>>)
    %dma_wait3A_1064 = arith.constant 3 : i32
    %dma_wait3A_1065 = arith.constant 0 : i32
    %dma_wait3A_1066 = arith.constant 0 : i32
    %dma_wait3A_1067 = tpu.memref_slice %arg6[%dma_wait3A_1064, %dma_wait3A_1065, %dma_wait3A_1066] : memref<4x128x64xf32, #tpu.memory_space<vmem>> -> memref<1x128x64xf32, #tpu.memory_space<vmem>>
    %dma_wait3A_1068 = tpu.memref_squeeze %dma_wait3A_1067 : memref<1x128x64xf32, #tpu.memory_space<vmem>> -> memref<128x64xf32, #tpu.memory_space<vmem>>
    %dma_wait3A_1069 = arith.constant 0 : i32
    %dma_wait3A_1070 = tpu.memref_slice %arg4[%add3A_1050, %dma_wait3A_1069] : memref<106496x64xf32, #tpu.memory_space<hbm>> -> memref<128x64xf32, #tpu.memory_space<hbm>>
    %dma_wait3A_1071 = arith.constant 0 : i32
    %dma_wait3A_1072 = tpu.memref_slice %arg4[%add3A_1050, %dma_wait3A_1071] : memref<106496x64xf32, #tpu.memory_space<hbm>> -> memref<128x64xf32, #tpu.memory_space<hbm>>
    %dma_wait3A_1073 = arith.constant 0 : i32
    %dma_wait3A_1074 = arith.constant 0 : i32
    %dma_wait3A_1075 = tpu.memref_slice %arg6[%dma_wait3A_1064, %dma_wait3A_1073, %dma_wait3A_1074] : memref<4x128x64xf32, #tpu.memory_space<vmem>> -> memref<1x128x64xf32, #tpu.memory_space<vmem>>
    %dma_wait3A_1076 = tpu.memref_squeeze %dma_wait3A_1075 : memref<1x128x64xf32, #tpu.memory_space<vmem>> -> memref<128x64xf32, #tpu.memory_space<vmem>>
    tpu.wait_dma2 semaphore(%arg14 : memref<!tpu.dma_semaphore, #tpu.memory_space<semaphore_mem>>) src(%dma_wait3A_1076 : memref<128x64xf32, #tpu.memory_space<vmem>>) dst(%dma_wait3A_1072 : memref<128x64xf32, #tpu.memory_space<hbm>>)
    %dma_start3A_1077 = arith.constant 23 : i32
    %dma_start3A_1078 = arith.constant 3 : i32
    %dma_start3A_1079 = arith.constant 0 : i32
    %dma_start3A_1080 = arith.constant 0 : i32
    %dma_start3A_1081 = tpu.memref_slice %arg6[%dma_start3A_1078, %dma_start3A_1079, %dma_start3A_1080] : memref<4x128x64xf32, #tpu.memory_space<vmem>> -> memref<1x128x64xf32, #tpu.memory_space<vmem>>
    %dma_start3A_1082 = tpu.memref_squeeze %dma_start3A_1081 : memref<1x128x64xf32, #tpu.memory_space<vmem>> -> memref<128x64xf32, #tpu.memory_space<vmem>>
    %dma_start3A_1083 = arith.constant 0 : i32
    %dma_start3A_1084 = tpu.memref_slice %arg5[%dma_start3A_1077, %dma_start3A_1083] : memref<26x128xi32, #tpu.memory_space<vmem>> -> memref<1x128xi32, #tpu.memory_space<vmem>>
    %dma_start3A_1085 = tpu.memref_squeeze %dma_start3A_1084 : memref<1x128xi32, #tpu.memory_space<vmem>> -> memref<128xi32, #tpu.memory_space<vmem>>
    %dma_start3A_1086 = arith.constant 0 : i32
    %dma_start3A_1087 = arith.constant 0 : i32
    %dma_start3A_1088 = tpu.memref_slice %arg2[%dma_start3A_1086, %dma_start3A_1087] : memref<2600000x64xf32, #tpu.memory_space<hbm>> -> memref<2600000x64xf32, #tpu.memory_space<hbm>>
    tpu.enqueue_indirect_dma source(%dma_start3A_1088 : memref<2600000x64xf32, #tpu.memory_space<hbm>>) target(%dma_start3A_1082 : memref<128x64xf32, #tpu.memory_space<vmem>>) offsets(%dma_start3A_1085 : memref<128xi32, #tpu.memory_space<vmem>>) semaphore(%arg10 : memref<!tpu.dma_semaphore, #tpu.memory_space<semaphore_mem>>)
    %dma_wait3A_1089 = arith.constant 20 : i32
    %dma_wait3A_1090 = arith.constant 0 : i32
    %dma_wait3A_1091 = arith.constant 0 : i32
    %dma_wait3A_1092 = arith.constant 0 : i32
    %dma_wait3A_1093 = tpu.memref_slice %arg6[%dma_wait3A_1090, %dma_wait3A_1091, %dma_wait3A_1092] : memref<4x128x64xf32, #tpu.memory_space<vmem>> -> memref<1x128x64xf32, #tpu.memory_space<vmem>>
    %dma_wait3A_1094 = tpu.memref_squeeze %dma_wait3A_1093 : memref<1x128x64xf32, #tpu.memory_space<vmem>> -> memref<128x64xf32, #tpu.memory_space<vmem>>
    %dma_wait3A_1095 = arith.constant 0 : i32
    %dma_wait3A_1096 = tpu.memref_slice %arg5[%dma_wait3A_1089, %dma_wait3A_1095] : memref<26x128xi32, #tpu.memory_space<vmem>> -> memref<1x128xi32, #tpu.memory_space<vmem>>
    %dma_wait3A_1097 = tpu.memref_squeeze %dma_wait3A_1096 : memref<1x128xi32, #tpu.memory_space<vmem>> -> memref<128xi32, #tpu.memory_space<vmem>>
    %dma_wait3A_1098 = arith.constant 0 : i32
    %dma_wait3A_1099 = arith.constant 0 : i32
    %dma_wait3A_1100 = tpu.memref_slice %arg2[%dma_wait3A_1098, %dma_wait3A_1099] : memref<2600000x64xf32, #tpu.memory_space<hbm>> -> memref<2600000x64xf32, #tpu.memory_space<hbm>>
    tpu.wait_indirect_dma semaphore(%arg7 : memref<!tpu.dma_semaphore, #tpu.memory_space<semaphore_mem>>) src(%dma_wait3A_1100 : memref<2600000x64xf32, #tpu.memory_space<hbm>>) dst(%dma_wait3A_1094 : memref<128x64xf32, #tpu.memory_space<vmem>>)
    %add3A_1101 = arith.constant 2560 : i32
    %add3A_1102 = arith.addi %mul3A_2, %add3A_1101 : i32
    %dma_start3A_1103 = arith.constant 0 : i32
    %dma_start3A_1104 = arith.constant 0 : i32
    %dma_start3A_1105 = arith.constant 0 : i32
    %dma_start3A_1106 = tpu.memref_slice %arg6[%dma_start3A_1103, %dma_start3A_1104, %dma_start3A_1105] : memref<4x128x64xf32, #tpu.memory_space<vmem>> -> memref<1x128x64xf32, #tpu.memory_space<vmem>>
    %dma_start3A_1107 = tpu.memref_squeeze %dma_start3A_1106 : memref<1x128x64xf32, #tpu.memory_space<vmem>> -> memref<128x64xf32, #tpu.memory_space<vmem>>
    %dma_start3A_1108 = arith.constant 0 : i32
    %dma_start3A_1109 = tpu.memref_slice %arg4[%add3A_1102, %dma_start3A_1108] : memref<106496x64xf32, #tpu.memory_space<hbm>> -> memref<128x64xf32, #tpu.memory_space<hbm>>
    %dma_start3A_1110 = arith.constant 0 : i32
    %dma_start3A_1111 = tpu.memref_slice %arg4[%add3A_1102, %dma_start3A_1110] : memref<106496x64xf32, #tpu.memory_space<hbm>> -> memref<128x64xf32, #tpu.memory_space<hbm>>
    %dma_start3A_1112 = arith.constant 0 : i32
    %dma_start3A_1113 = arith.constant 0 : i32
    %dma_start3A_1114 = tpu.memref_slice %arg6[%dma_start3A_1103, %dma_start3A_1112, %dma_start3A_1113] : memref<4x128x64xf32, #tpu.memory_space<vmem>> -> memref<1x128x64xf32, #tpu.memory_space<vmem>>
    %dma_start3A_1115 = tpu.memref_squeeze %dma_start3A_1114 : memref<1x128x64xf32, #tpu.memory_space<vmem>> -> memref<128x64xf32, #tpu.memory_space<vmem>>
    tpu.enqueue_dma source(%dma_start3A_1115 : memref<128x64xf32, #tpu.memory_space<vmem>>) target(%dma_start3A_1111 : memref<128x64xf32, #tpu.memory_space<hbm>>) target_semaphore(%arg11 : memref<!tpu.dma_semaphore, #tpu.memory_space<semaphore_mem>>)
    %dma_wait3A_1116 = arith.constant 0 : i32
    %dma_wait3A_1117 = arith.constant 0 : i32
    %dma_wait3A_1118 = arith.constant 0 : i32
    %dma_wait3A_1119 = tpu.memref_slice %arg6[%dma_wait3A_1116, %dma_wait3A_1117, %dma_wait3A_1118] : memref<4x128x64xf32, #tpu.memory_space<vmem>> -> memref<1x128x64xf32, #tpu.memory_space<vmem>>
    %dma_wait3A_1120 = tpu.memref_squeeze %dma_wait3A_1119 : memref<1x128x64xf32, #tpu.memory_space<vmem>> -> memref<128x64xf32, #tpu.memory_space<vmem>>
    %dma_wait3A_1121 = arith.constant 0 : i32
    %dma_wait3A_1122 = tpu.memref_slice %arg4[%add3A_1102, %dma_wait3A_1121] : memref<106496x64xf32, #tpu.memory_space<hbm>> -> memref<128x64xf32, #tpu.memory_space<hbm>>
    %dma_wait3A_1123 = arith.constant 0 : i32
    %dma_wait3A_1124 = tpu.memref_slice %arg4[%add3A_1102, %dma_wait3A_1123] : memref<106496x64xf32, #tpu.memory_space<hbm>> -> memref<128x64xf32, #tpu.memory_space<hbm>>
    %dma_wait3A_1125 = arith.constant 0 : i32
    %dma_wait3A_1126 = arith.constant 0 : i32
    %dma_wait3A_1127 = tpu.memref_slice %arg6[%dma_wait3A_1116, %dma_wait3A_1125, %dma_wait3A_1126] : memref<4x128x64xf32, #tpu.memory_space<vmem>> -> memref<1x128x64xf32, #tpu.memory_space<vmem>>
    %dma_wait3A_1128 = tpu.memref_squeeze %dma_wait3A_1127 : memref<1x128x64xf32, #tpu.memory_space<vmem>> -> memref<128x64xf32, #tpu.memory_space<vmem>>
    tpu.wait_dma2 semaphore(%arg11 : memref<!tpu.dma_semaphore, #tpu.memory_space<semaphore_mem>>) src(%dma_wait3A_1128 : memref<128x64xf32, #tpu.memory_space<vmem>>) dst(%dma_wait3A_1124 : memref<128x64xf32, #tpu.memory_space<hbm>>)
    %dma_start3A_1129 = arith.constant 24 : i32
    %dma_start3A_1130 = arith.constant 0 : i32
    %dma_start3A_1131 = arith.constant 0 : i32
    %dma_start3A_1132 = arith.constant 0 : i32
    %dma_start3A_1133 = tpu.memref_slice %arg6[%dma_start3A_1130, %dma_start3A_1131, %dma_start3A_1132] : memref<4x128x64xf32, #tpu.memory_space<vmem>> -> memref<1x128x64xf32, #tpu.memory_space<vmem>>
    %dma_start3A_1134 = tpu.memref_squeeze %dma_start3A_1133 : memref<1x128x64xf32, #tpu.memory_space<vmem>> -> memref<128x64xf32, #tpu.memory_space<vmem>>
    %dma_start3A_1135 = arith.constant 0 : i32
    %dma_start3A_1136 = tpu.memref_slice %arg5[%dma_start3A_1129, %dma_start3A_1135] : memref<26x128xi32, #tpu.memory_space<vmem>> -> memref<1x128xi32, #tpu.memory_space<vmem>>
    %dma_start3A_1137 = tpu.memref_squeeze %dma_start3A_1136 : memref<1x128xi32, #tpu.memory_space<vmem>> -> memref<128xi32, #tpu.memory_space<vmem>>
    %dma_start3A_1138 = arith.constant 0 : i32
    %dma_start3A_1139 = arith.constant 0 : i32
    %dma_start3A_1140 = tpu.memref_slice %arg2[%dma_start3A_1138, %dma_start3A_1139] : memref<2600000x64xf32, #tpu.memory_space<hbm>> -> memref<2600000x64xf32, #tpu.memory_space<hbm>>
    tpu.enqueue_indirect_dma source(%dma_start3A_1140 : memref<2600000x64xf32, #tpu.memory_space<hbm>>) target(%dma_start3A_1134 : memref<128x64xf32, #tpu.memory_space<vmem>>) offsets(%dma_start3A_1137 : memref<128xi32, #tpu.memory_space<vmem>>) semaphore(%arg7 : memref<!tpu.dma_semaphore, #tpu.memory_space<semaphore_mem>>)
    %dma_wait3A_1141 = arith.constant 21 : i32
    %dma_wait3A_1142 = arith.constant 1 : i32
    %dma_wait3A_1143 = arith.constant 0 : i32
    %dma_wait3A_1144 = arith.constant 0 : i32
    %dma_wait3A_1145 = tpu.memref_slice %arg6[%dma_wait3A_1142, %dma_wait3A_1143, %dma_wait3A_1144] : memref<4x128x64xf32, #tpu.memory_space<vmem>> -> memref<1x128x64xf32, #tpu.memory_space<vmem>>
    %dma_wait3A_1146 = tpu.memref_squeeze %dma_wait3A_1145 : memref<1x128x64xf32, #tpu.memory_space<vmem>> -> memref<128x64xf32, #tpu.memory_space<vmem>>
    %dma_wait3A_1147 = arith.constant 0 : i32
    %dma_wait3A_1148 = tpu.memref_slice %arg5[%dma_wait3A_1141, %dma_wait3A_1147] : memref<26x128xi32, #tpu.memory_space<vmem>> -> memref<1x128xi32, #tpu.memory_space<vmem>>
    %dma_wait3A_1149 = tpu.memref_squeeze %dma_wait3A_1148 : memref<1x128xi32, #tpu.memory_space<vmem>> -> memref<128xi32, #tpu.memory_space<vmem>>
    %dma_wait3A_1150 = arith.constant 0 : i32
    %dma_wait3A_1151 = arith.constant 0 : i32
    %dma_wait3A_1152 = tpu.memref_slice %arg2[%dma_wait3A_1150, %dma_wait3A_1151] : memref<2600000x64xf32, #tpu.memory_space<hbm>> -> memref<2600000x64xf32, #tpu.memory_space<hbm>>
    tpu.wait_indirect_dma semaphore(%arg8 : memref<!tpu.dma_semaphore, #tpu.memory_space<semaphore_mem>>) src(%dma_wait3A_1152 : memref<2600000x64xf32, #tpu.memory_space<hbm>>) dst(%dma_wait3A_1146 : memref<128x64xf32, #tpu.memory_space<vmem>>)
    %add3A_1153 = arith.constant 2688 : i32
    %add3A_1154 = arith.addi %mul3A_2, %add3A_1153 : i32
    %dma_start3A_1155 = arith.constant 1 : i32
    %dma_start3A_1156 = arith.constant 0 : i32
    %dma_start3A_1157 = arith.constant 0 : i32
    %dma_start3A_1158 = tpu.memref_slice %arg6[%dma_start3A_1155, %dma_start3A_1156, %dma_start3A_1157] : memref<4x128x64xf32, #tpu.memory_space<vmem>> -> memref<1x128x64xf32, #tpu.memory_space<vmem>>
    %dma_start3A_1159 = tpu.memref_squeeze %dma_start3A_1158 : memref<1x128x64xf32, #tpu.memory_space<vmem>> -> memref<128x64xf32, #tpu.memory_space<vmem>>
    %dma_start3A_1160 = arith.constant 0 : i32
    %dma_start3A_1161 = tpu.memref_slice %arg4[%add3A_1154, %dma_start3A_1160] : memref<106496x64xf32, #tpu.memory_space<hbm>> -> memref<128x64xf32, #tpu.memory_space<hbm>>
    %dma_start3A_1162 = arith.constant 0 : i32
    %dma_start3A_1163 = tpu.memref_slice %arg4[%add3A_1154, %dma_start3A_1162] : memref<106496x64xf32, #tpu.memory_space<hbm>> -> memref<128x64xf32, #tpu.memory_space<hbm>>
    %dma_start3A_1164 = arith.constant 0 : i32
    %dma_start3A_1165 = arith.constant 0 : i32
    %dma_start3A_1166 = tpu.memref_slice %arg6[%dma_start3A_1155, %dma_start3A_1164, %dma_start3A_1165] : memref<4x128x64xf32, #tpu.memory_space<vmem>> -> memref<1x128x64xf32, #tpu.memory_space<vmem>>
    %dma_start3A_1167 = tpu.memref_squeeze %dma_start3A_1166 : memref<1x128x64xf32, #tpu.memory_space<vmem>> -> memref<128x64xf32, #tpu.memory_space<vmem>>
    tpu.enqueue_dma source(%dma_start3A_1167 : memref<128x64xf32, #tpu.memory_space<vmem>>) target(%dma_start3A_1163 : memref<128x64xf32, #tpu.memory_space<hbm>>) target_semaphore(%arg12 : memref<!tpu.dma_semaphore, #tpu.memory_space<semaphore_mem>>)
    %dma_wait3A_1168 = arith.constant 1 : i32
    %dma_wait3A_1169 = arith.constant 0 : i32
    %dma_wait3A_1170 = arith.constant 0 : i32
    %dma_wait3A_1171 = tpu.memref_slice %arg6[%dma_wait3A_1168, %dma_wait3A_1169, %dma_wait3A_1170] : memref<4x128x64xf32, #tpu.memory_space<vmem>> -> memref<1x128x64xf32, #tpu.memory_space<vmem>>
    %dma_wait3A_1172 = tpu.memref_squeeze %dma_wait3A_1171 : memref<1x128x64xf32, #tpu.memory_space<vmem>> -> memref<128x64xf32, #tpu.memory_space<vmem>>
    %dma_wait3A_1173 = arith.constant 0 : i32
    %dma_wait3A_1174 = tpu.memref_slice %arg4[%add3A_1154, %dma_wait3A_1173] : memref<106496x64xf32, #tpu.memory_space<hbm>> -> memref<128x64xf32, #tpu.memory_space<hbm>>
    %dma_wait3A_1175 = arith.constant 0 : i32
    %dma_wait3A_1176 = tpu.memref_slice %arg4[%add3A_1154, %dma_wait3A_1175] : memref<106496x64xf32, #tpu.memory_space<hbm>> -> memref<128x64xf32, #tpu.memory_space<hbm>>
    %dma_wait3A_1177 = arith.constant 0 : i32
    %dma_wait3A_1178 = arith.constant 0 : i32
    %dma_wait3A_1179 = tpu.memref_slice %arg6[%dma_wait3A_1168, %dma_wait3A_1177, %dma_wait3A_1178] : memref<4x128x64xf32, #tpu.memory_space<vmem>> -> memref<1x128x64xf32, #tpu.memory_space<vmem>>
    %dma_wait3A_1180 = tpu.memref_squeeze %dma_wait3A_1179 : memref<1x128x64xf32, #tpu.memory_space<vmem>> -> memref<128x64xf32, #tpu.memory_space<vmem>>
    tpu.wait_dma2 semaphore(%arg12 : memref<!tpu.dma_semaphore, #tpu.memory_space<semaphore_mem>>) src(%dma_wait3A_1180 : memref<128x64xf32, #tpu.memory_space<vmem>>) dst(%dma_wait3A_1176 : memref<128x64xf32, #tpu.memory_space<hbm>>)
    %dma_start3A_1181 = arith.constant 25 : i32
    %dma_start3A_1182 = arith.constant 1 : i32
    %dma_start3A_1183 = arith.constant 0 : i32
    %dma_start3A_1184 = arith.constant 0 : i32
    %dma_start3A_1185 = tpu.memref_slice %arg6[%dma_start3A_1182, %dma_start3A_1183, %dma_start3A_1184] : memref<4x128x64xf32, #tpu.memory_space<vmem>> -> memref<1x128x64xf32, #tpu.memory_space<vmem>>
    %dma_start3A_1186 = tpu.memref_squeeze %dma_start3A_1185 : memref<1x128x64xf32, #tpu.memory_space<vmem>> -> memref<128x64xf32, #tpu.memory_space<vmem>>
    %dma_start3A_1187 = arith.constant 0 : i32
    %dma_start3A_1188 = tpu.memref_slice %arg5[%dma_start3A_1181, %dma_start3A_1187] : memref<26x128xi32, #tpu.memory_space<vmem>> -> memref<1x128xi32, #tpu.memory_space<vmem>>
    %dma_start3A_1189 = tpu.memref_squeeze %dma_start3A_1188 : memref<1x128xi32, #tpu.memory_space<vmem>> -> memref<128xi32, #tpu.memory_space<vmem>>
    %dma_start3A_1190 = arith.constant 0 : i32
    %dma_start3A_1191 = arith.constant 0 : i32
    %dma_start3A_1192 = tpu.memref_slice %arg2[%dma_start3A_1190, %dma_start3A_1191] : memref<2600000x64xf32, #tpu.memory_space<hbm>> -> memref<2600000x64xf32, #tpu.memory_space<hbm>>
    tpu.enqueue_indirect_dma source(%dma_start3A_1192 : memref<2600000x64xf32, #tpu.memory_space<hbm>>) target(%dma_start3A_1186 : memref<128x64xf32, #tpu.memory_space<vmem>>) offsets(%dma_start3A_1189 : memref<128xi32, #tpu.memory_space<vmem>>) semaphore(%arg8 : memref<!tpu.dma_semaphore, #tpu.memory_space<semaphore_mem>>)
    %dma_wait3A_1193 = arith.constant 22 : i32
    %dma_wait3A_1194 = arith.constant 2 : i32
    %dma_wait3A_1195 = arith.constant 0 : i32
    %dma_wait3A_1196 = arith.constant 0 : i32
    %dma_wait3A_1197 = tpu.memref_slice %arg6[%dma_wait3A_1194, %dma_wait3A_1195, %dma_wait3A_1196] : memref<4x128x64xf32, #tpu.memory_space<vmem>> -> memref<1x128x64xf32, #tpu.memory_space<vmem>>
    %dma_wait3A_1198 = tpu.memref_squeeze %dma_wait3A_1197 : memref<1x128x64xf32, #tpu.memory_space<vmem>> -> memref<128x64xf32, #tpu.memory_space<vmem>>
    %dma_wait3A_1199 = arith.constant 0 : i32
    %dma_wait3A_1200 = tpu.memref_slice %arg5[%dma_wait3A_1193, %dma_wait3A_1199] : memref<26x128xi32, #tpu.memory_space<vmem>> -> memref<1x128xi32, #tpu.memory_space<vmem>>
    %dma_wait3A_1201 = tpu.memref_squeeze %dma_wait3A_1200 : memref<1x128xi32, #tpu.memory_space<vmem>> -> memref<128xi32, #tpu.memory_space<vmem>>
    %dma_wait3A_1202 = arith.constant 0 : i32
    %dma_wait3A_1203 = arith.constant 0 : i32
    %dma_wait3A_1204 = tpu.memref_slice %arg2[%dma_wait3A_1202, %dma_wait3A_1203] : memref<2600000x64xf32, #tpu.memory_space<hbm>> -> memref<2600000x64xf32, #tpu.memory_space<hbm>>
    tpu.wait_indirect_dma semaphore(%arg9 : memref<!tpu.dma_semaphore, #tpu.memory_space<semaphore_mem>>) src(%dma_wait3A_1204 : memref<2600000x64xf32, #tpu.memory_space<hbm>>) dst(%dma_wait3A_1198 : memref<128x64xf32, #tpu.memory_space<vmem>>)
    %add3A_1205 = arith.constant 2816 : i32
    %add3A_1206 = arith.addi %mul3A_2, %add3A_1205 : i32
    %dma_start3A_1207 = arith.constant 2 : i32
    %dma_start3A_1208 = arith.constant 0 : i32
    %dma_start3A_1209 = arith.constant 0 : i32
    %dma_start3A_1210 = tpu.memref_slice %arg6[%dma_start3A_1207, %dma_start3A_1208, %dma_start3A_1209] : memref<4x128x64xf32, #tpu.memory_space<vmem>> -> memref<1x128x64xf32, #tpu.memory_space<vmem>>
    %dma_start3A_1211 = tpu.memref_squeeze %dma_start3A_1210 : memref<1x128x64xf32, #tpu.memory_space<vmem>> -> memref<128x64xf32, #tpu.memory_space<vmem>>
    %dma_start3A_1212 = arith.constant 0 : i32
    %dma_start3A_1213 = tpu.memref_slice %arg4[%add3A_1206, %dma_start3A_1212] : memref<106496x64xf32, #tpu.memory_space<hbm>> -> memref<128x64xf32, #tpu.memory_space<hbm>>
    %dma_start3A_1214 = arith.constant 0 : i32
    %dma_start3A_1215 = tpu.memref_slice %arg4[%add3A_1206, %dma_start3A_1214] : memref<106496x64xf32, #tpu.memory_space<hbm>> -> memref<128x64xf32, #tpu.memory_space<hbm>>
    %dma_start3A_1216 = arith.constant 0 : i32
    %dma_start3A_1217 = arith.constant 0 : i32
    %dma_start3A_1218 = tpu.memref_slice %arg6[%dma_start3A_1207, %dma_start3A_1216, %dma_start3A_1217] : memref<4x128x64xf32, #tpu.memory_space<vmem>> -> memref<1x128x64xf32, #tpu.memory_space<vmem>>
    %dma_start3A_1219 = tpu.memref_squeeze %dma_start3A_1218 : memref<1x128x64xf32, #tpu.memory_space<vmem>> -> memref<128x64xf32, #tpu.memory_space<vmem>>
    tpu.enqueue_dma source(%dma_start3A_1219 : memref<128x64xf32, #tpu.memory_space<vmem>>) target(%dma_start3A_1215 : memref<128x64xf32, #tpu.memory_space<hbm>>) target_semaphore(%arg13 : memref<!tpu.dma_semaphore, #tpu.memory_space<semaphore_mem>>)
    %dma_wait3A_1220 = arith.constant 23 : i32
    %dma_wait3A_1221 = arith.constant 3 : i32
    %dma_wait3A_1222 = arith.constant 0 : i32
    %dma_wait3A_1223 = arith.constant 0 : i32
    %dma_wait3A_1224 = tpu.memref_slice %arg6[%dma_wait3A_1221, %dma_wait3A_1222, %dma_wait3A_1223] : memref<4x128x64xf32, #tpu.memory_space<vmem>> -> memref<1x128x64xf32, #tpu.memory_space<vmem>>
    %dma_wait3A_1225 = tpu.memref_squeeze %dma_wait3A_1224 : memref<1x128x64xf32, #tpu.memory_space<vmem>> -> memref<128x64xf32, #tpu.memory_space<vmem>>
    %dma_wait3A_1226 = arith.constant 0 : i32
    %dma_wait3A_1227 = tpu.memref_slice %arg5[%dma_wait3A_1220, %dma_wait3A_1226] : memref<26x128xi32, #tpu.memory_space<vmem>> -> memref<1x128xi32, #tpu.memory_space<vmem>>
    %dma_wait3A_1228 = tpu.memref_squeeze %dma_wait3A_1227 : memref<1x128xi32, #tpu.memory_space<vmem>> -> memref<128xi32, #tpu.memory_space<vmem>>
    %dma_wait3A_1229 = arith.constant 0 : i32
    %dma_wait3A_1230 = arith.constant 0 : i32
    %dma_wait3A_1231 = tpu.memref_slice %arg2[%dma_wait3A_1229, %dma_wait3A_1230] : memref<2600000x64xf32, #tpu.memory_space<hbm>> -> memref<2600000x64xf32, #tpu.memory_space<hbm>>
    tpu.wait_indirect_dma semaphore(%arg10 : memref<!tpu.dma_semaphore, #tpu.memory_space<semaphore_mem>>) src(%dma_wait3A_1231 : memref<2600000x64xf32, #tpu.memory_space<hbm>>) dst(%dma_wait3A_1225 : memref<128x64xf32, #tpu.memory_space<vmem>>)
    %add3A_1232 = arith.constant 2944 : i32
    %add3A_1233 = arith.addi %mul3A_2, %add3A_1232 : i32
    %dma_start3A_1234 = arith.constant 3 : i32
    %dma_start3A_1235 = arith.constant 0 : i32
    %dma_start3A_1236 = arith.constant 0 : i32
    %dma_start3A_1237 = tpu.memref_slice %arg6[%dma_start3A_1234, %dma_start3A_1235, %dma_start3A_1236] : memref<4x128x64xf32, #tpu.memory_space<vmem>> -> memref<1x128x64xf32, #tpu.memory_space<vmem>>
    %dma_start3A_1238 = tpu.memref_squeeze %dma_start3A_1237 : memref<1x128x64xf32, #tpu.memory_space<vmem>> -> memref<128x64xf32, #tpu.memory_space<vmem>>
    %dma_start3A_1239 = arith.constant 0 : i32
    %dma_start3A_1240 = tpu.memref_slice %arg4[%add3A_1233, %dma_start3A_1239] : memref<106496x64xf32, #tpu.memory_space<hbm>> -> memref<128x64xf32, #tpu.memory_space<hbm>>
    %dma_start3A_1241 = arith.constant 0 : i32
    %dma_start3A_1242 = tpu.memref_slice %arg4[%add3A_1233, %dma_start3A_1241] : memref<106496x64xf32, #tpu.memory_space<hbm>> -> memref<128x64xf32, #tpu.memory_space<hbm>>
    %dma_start3A_1243 = arith.constant 0 : i32
    %dma_start3A_1244 = arith.constant 0 : i32
    %dma_start3A_1245 = tpu.memref_slice %arg6[%dma_start3A_1234, %dma_start3A_1243, %dma_start3A_1244] : memref<4x128x64xf32, #tpu.memory_space<vmem>> -> memref<1x128x64xf32, #tpu.memory_space<vmem>>
    %dma_start3A_1246 = tpu.memref_squeeze %dma_start3A_1245 : memref<1x128x64xf32, #tpu.memory_space<vmem>> -> memref<128x64xf32, #tpu.memory_space<vmem>>
    tpu.enqueue_dma source(%dma_start3A_1246 : memref<128x64xf32, #tpu.memory_space<vmem>>) target(%dma_start3A_1242 : memref<128x64xf32, #tpu.memory_space<hbm>>) target_semaphore(%arg14 : memref<!tpu.dma_semaphore, #tpu.memory_space<semaphore_mem>>)
    %dma_wait3A_1247 = arith.constant 24 : i32
    %dma_wait3A_1248 = arith.constant 0 : i32
    %dma_wait3A_1249 = arith.constant 0 : i32
    %dma_wait3A_1250 = arith.constant 0 : i32
    %dma_wait3A_1251 = tpu.memref_slice %arg6[%dma_wait3A_1248, %dma_wait3A_1249, %dma_wait3A_1250] : memref<4x128x64xf32, #tpu.memory_space<vmem>> -> memref<1x128x64xf32, #tpu.memory_space<vmem>>
    %dma_wait3A_1252 = tpu.memref_squeeze %dma_wait3A_1251 : memref<1x128x64xf32, #tpu.memory_space<vmem>> -> memref<128x64xf32, #tpu.memory_space<vmem>>
    %dma_wait3A_1253 = arith.constant 0 : i32
    %dma_wait3A_1254 = tpu.memref_slice %arg5[%dma_wait3A_1247, %dma_wait3A_1253] : memref<26x128xi32, #tpu.memory_space<vmem>> -> memref<1x128xi32, #tpu.memory_space<vmem>>
    %dma_wait3A_1255 = tpu.memref_squeeze %dma_wait3A_1254 : memref<1x128xi32, #tpu.memory_space<vmem>> -> memref<128xi32, #tpu.memory_space<vmem>>
    %dma_wait3A_1256 = arith.constant 0 : i32
    %dma_wait3A_1257 = arith.constant 0 : i32
    %dma_wait3A_1258 = tpu.memref_slice %arg2[%dma_wait3A_1256, %dma_wait3A_1257] : memref<2600000x64xf32, #tpu.memory_space<hbm>> -> memref<2600000x64xf32, #tpu.memory_space<hbm>>
    tpu.wait_indirect_dma semaphore(%arg7 : memref<!tpu.dma_semaphore, #tpu.memory_space<semaphore_mem>>) src(%dma_wait3A_1258 : memref<2600000x64xf32, #tpu.memory_space<hbm>>) dst(%dma_wait3A_1252 : memref<128x64xf32, #tpu.memory_space<vmem>>)
    %add3A_1259 = arith.constant 3072 : i32
    %add3A_1260 = arith.addi %mul3A_2, %add3A_1259 : i32
    %dma_start3A_1261 = arith.constant 0 : i32
    %dma_start3A_1262 = arith.constant 0 : i32
    %dma_start3A_1263 = arith.constant 0 : i32
    %dma_start3A_1264 = tpu.memref_slice %arg6[%dma_start3A_1261, %dma_start3A_1262, %dma_start3A_1263] : memref<4x128x64xf32, #tpu.memory_space<vmem>> -> memref<1x128x64xf32, #tpu.memory_space<vmem>>
    %dma_start3A_1265 = tpu.memref_squeeze %dma_start3A_1264 : memref<1x128x64xf32, #tpu.memory_space<vmem>> -> memref<128x64xf32, #tpu.memory_space<vmem>>
    %dma_start3A_1266 = arith.constant 0 : i32
    %dma_start3A_1267 = tpu.memref_slice %arg4[%add3A_1260, %dma_start3A_1266] : memref<106496x64xf32, #tpu.memory_space<hbm>> -> memref<128x64xf32, #tpu.memory_space<hbm>>
    %dma_start3A_1268 = arith.constant 0 : i32
    %dma_start3A_1269 = tpu.memref_slice %arg4[%add3A_1260, %dma_start3A_1268] : memref<106496x64xf32, #tpu.memory_space<hbm>> -> memref<128x64xf32, #tpu.memory_space<hbm>>
    %dma_start3A_1270 = arith.constant 0 : i32
    %dma_start3A_1271 = arith.constant 0 : i32
    %dma_start3A_1272 = tpu.memref_slice %arg6[%dma_start3A_1261, %dma_start3A_1270, %dma_start3A_1271] : memref<4x128x64xf32, #tpu.memory_space<vmem>> -> memref<1x128x64xf32, #tpu.memory_space<vmem>>
    %dma_start3A_1273 = tpu.memref_squeeze %dma_start3A_1272 : memref<1x128x64xf32, #tpu.memory_space<vmem>> -> memref<128x64xf32, #tpu.memory_space<vmem>>
    tpu.enqueue_dma source(%dma_start3A_1273 : memref<128x64xf32, #tpu.memory_space<vmem>>) target(%dma_start3A_1269 : memref<128x64xf32, #tpu.memory_space<hbm>>) target_semaphore(%arg11 : memref<!tpu.dma_semaphore, #tpu.memory_space<semaphore_mem>>)
    %dma_wait3A_1274 = arith.constant 25 : i32
    %dma_wait3A_1275 = arith.constant 1 : i32
    %dma_wait3A_1276 = arith.constant 0 : i32
    %dma_wait3A_1277 = arith.constant 0 : i32
    %dma_wait3A_1278 = tpu.memref_slice %arg6[%dma_wait3A_1275, %dma_wait3A_1276, %dma_wait3A_1277] : memref<4x128x64xf32, #tpu.memory_space<vmem>> -> memref<1x128x64xf32, #tpu.memory_space<vmem>>
    %dma_wait3A_1279 = tpu.memref_squeeze %dma_wait3A_1278 : memref<1x128x64xf32, #tpu.memory_space<vmem>> -> memref<128x64xf32, #tpu.memory_space<vmem>>
    %dma_wait3A_1280 = arith.constant 0 : i32
    %dma_wait3A_1281 = tpu.memref_slice %arg5[%dma_wait3A_1274, %dma_wait3A_1280] : memref<26x128xi32, #tpu.memory_space<vmem>> -> memref<1x128xi32, #tpu.memory_space<vmem>>
    %dma_wait3A_1282 = tpu.memref_squeeze %dma_wait3A_1281 : memref<1x128xi32, #tpu.memory_space<vmem>> -> memref<128xi32, #tpu.memory_space<vmem>>
    %dma_wait3A_1283 = arith.constant 0 : i32
    %dma_wait3A_1284 = arith.constant 0 : i32
    %dma_wait3A_1285 = tpu.memref_slice %arg2[%dma_wait3A_1283, %dma_wait3A_1284] : memref<2600000x64xf32, #tpu.memory_space<hbm>> -> memref<2600000x64xf32, #tpu.memory_space<hbm>>
    tpu.wait_indirect_dma semaphore(%arg8 : memref<!tpu.dma_semaphore, #tpu.memory_space<semaphore_mem>>) src(%dma_wait3A_1285 : memref<2600000x64xf32, #tpu.memory_space<hbm>>) dst(%dma_wait3A_1279 : memref<128x64xf32, #tpu.memory_space<vmem>>)
    %add3A_1286 = arith.constant 3200 : i32
    %add3A_1287 = arith.addi %mul3A_2, %add3A_1286 : i32
    %dma_start3A_1288 = arith.constant 1 : i32
    %dma_start3A_1289 = arith.constant 0 : i32
    %dma_start3A_1290 = arith.constant 0 : i32
    %dma_start3A_1291 = tpu.memref_slice %arg6[%dma_start3A_1288, %dma_start3A_1289, %dma_start3A_1290] : memref<4x128x64xf32, #tpu.memory_space<vmem>> -> memref<1x128x64xf32, #tpu.memory_space<vmem>>
    %dma_start3A_1292 = tpu.memref_squeeze %dma_start3A_1291 : memref<1x128x64xf32, #tpu.memory_space<vmem>> -> memref<128x64xf32, #tpu.memory_space<vmem>>
    %dma_start3A_1293 = arith.constant 0 : i32
    %dma_start3A_1294 = tpu.memref_slice %arg4[%add3A_1287, %dma_start3A_1293] : memref<106496x64xf32, #tpu.memory_space<hbm>> -> memref<128x64xf32, #tpu.memory_space<hbm>>
    %dma_start3A_1295 = arith.constant 0 : i32
    %dma_start3A_1296 = tpu.memref_slice %arg4[%add3A_1287, %dma_start3A_1295] : memref<106496x64xf32, #tpu.memory_space<hbm>> -> memref<128x64xf32, #tpu.memory_space<hbm>>
    %dma_start3A_1297 = arith.constant 0 : i32
    %dma_start3A_1298 = arith.constant 0 : i32
    %dma_start3A_1299 = tpu.memref_slice %arg6[%dma_start3A_1288, %dma_start3A_1297, %dma_start3A_1298] : memref<4x128x64xf32, #tpu.memory_space<vmem>> -> memref<1x128x64xf32, #tpu.memory_space<vmem>>
    %dma_start3A_1300 = tpu.memref_squeeze %dma_start3A_1299 : memref<1x128x64xf32, #tpu.memory_space<vmem>> -> memref<128x64xf32, #tpu.memory_space<vmem>>
    tpu.enqueue_dma source(%dma_start3A_1300 : memref<128x64xf32, #tpu.memory_space<vmem>>) target(%dma_start3A_1296 : memref<128x64xf32, #tpu.memory_space<hbm>>) target_semaphore(%arg12 : memref<!tpu.dma_semaphore, #tpu.memory_space<semaphore_mem>>)
    %dma_wait3A_1301 = arith.constant 2 : i32
    %dma_wait3A_1302 = arith.constant 0 : i32
    %dma_wait3A_1303 = arith.constant 0 : i32
    %dma_wait3A_1304 = tpu.memref_slice %arg6[%dma_wait3A_1301, %dma_wait3A_1302, %dma_wait3A_1303] : memref<4x128x64xf32, #tpu.memory_space<vmem>> -> memref<1x128x64xf32, #tpu.memory_space<vmem>>
    %dma_wait3A_1305 = tpu.memref_squeeze %dma_wait3A_1304 : memref<1x128x64xf32, #tpu.memory_space<vmem>> -> memref<128x64xf32, #tpu.memory_space<vmem>>
    %dma_wait3A_1306 = arith.constant 0 : i32
    %dma_wait3A_1307 = tpu.memref_slice %arg4[%add3A_1206, %dma_wait3A_1306] : memref<106496x64xf32, #tpu.memory_space<hbm>> -> memref<128x64xf32, #tpu.memory_space<hbm>>
    %dma_wait3A_1308 = arith.constant 0 : i32
    %dma_wait3A_1309 = tpu.memref_slice %arg4[%add3A_1206, %dma_wait3A_1308] : memref<106496x64xf32, #tpu.memory_space<hbm>> -> memref<128x64xf32, #tpu.memory_space<hbm>>
    %dma_wait3A_1310 = arith.constant 0 : i32
    %dma_wait3A_1311 = arith.constant 0 : i32
    %dma_wait3A_1312 = tpu.memref_slice %arg6[%dma_wait3A_1301, %dma_wait3A_1310, %dma_wait3A_1311] : memref<4x128x64xf32, #tpu.memory_space<vmem>> -> memref<1x128x64xf32, #tpu.memory_space<vmem>>
    %dma_wait3A_1313 = tpu.memref_squeeze %dma_wait3A_1312 : memref<1x128x64xf32, #tpu.memory_space<vmem>> -> memref<128x64xf32, #tpu.memory_space<vmem>>
    tpu.wait_dma2 semaphore(%arg13 : memref<!tpu.dma_semaphore, #tpu.memory_space<semaphore_mem>>) src(%dma_wait3A_1313 : memref<128x64xf32, #tpu.memory_space<vmem>>) dst(%dma_wait3A_1309 : memref<128x64xf32, #tpu.memory_space<hbm>>)
    %dma_wait3A_1314 = arith.constant 3 : i32
    %dma_wait3A_1315 = arith.constant 0 : i32
    %dma_wait3A_1316 = arith.constant 0 : i32
    %dma_wait3A_1317 = tpu.memref_slice %arg6[%dma_wait3A_1314, %dma_wait3A_1315, %dma_wait3A_1316] : memref<4x128x64xf32, #tpu.memory_space<vmem>> -> memref<1x128x64xf32, #tpu.memory_space<vmem>>
    %dma_wait3A_1318 = tpu.memref_squeeze %dma_wait3A_1317 : memref<1x128x64xf32, #tpu.memory_space<vmem>> -> memref<128x64xf32, #tpu.memory_space<vmem>>
    %dma_wait3A_1319 = arith.constant 0 : i32
    %dma_wait3A_1320 = tpu.memref_slice %arg4[%add3A_1233, %dma_wait3A_1319] : memref<106496x64xf32, #tpu.memory_space<hbm>> -> memref<128x64xf32, #tpu.memory_space<hbm>>
    %dma_wait3A_1321 = arith.constant 0 : i32
    %dma_wait3A_1322 = tpu.memref_slice %arg4[%add3A_1233, %dma_wait3A_1321] : memref<106496x64xf32, #tpu.memory_space<hbm>> -> memref<128x64xf32, #tpu.memory_space<hbm>>
    %dma_wait3A_1323 = arith.constant 0 : i32
    %dma_wait3A_1324 = arith.constant 0 : i32
    %dma_wait3A_1325 = tpu.memref_slice %arg6[%dma_wait3A_1314, %dma_wait3A_1323, %dma_wait3A_1324] : memref<4x128x64xf32, #tpu.memory_space<vmem>> -> memref<1x128x64xf32, #tpu.memory_space<vmem>>
    %dma_wait3A_1326 = tpu.memref_squeeze %dma_wait3A_1325 : memref<1x128x64xf32, #tpu.memory_space<vmem>> -> memref<128x64xf32, #tpu.memory_space<vmem>>
    tpu.wait_dma2 semaphore(%arg14 : memref<!tpu.dma_semaphore, #tpu.memory_space<semaphore_mem>>) src(%dma_wait3A_1326 : memref<128x64xf32, #tpu.memory_space<vmem>>) dst(%dma_wait3A_1322 : memref<128x64xf32, #tpu.memory_space<hbm>>)
    %dma_wait3A_1327 = arith.constant 0 : i32
    %dma_wait3A_1328 = arith.constant 0 : i32
    %dma_wait3A_1329 = arith.constant 0 : i32
    %dma_wait3A_1330 = tpu.memref_slice %arg6[%dma_wait3A_1327, %dma_wait3A_1328, %dma_wait3A_1329] : memref<4x128x64xf32, #tpu.memory_space<vmem>> -> memref<1x128x64xf32, #tpu.memory_space<vmem>>
    %dma_wait3A_1331 = tpu.memref_squeeze %dma_wait3A_1330 : memref<1x128x64xf32, #tpu.memory_space<vmem>> -> memref<128x64xf32, #tpu.memory_space<vmem>>
    %dma_wait3A_1332 = arith.constant 0 : i32
    %dma_wait3A_1333 = tpu.memref_slice %arg4[%add3A_1260, %dma_wait3A_1332] : memref<106496x64xf32, #tpu.memory_space<hbm>> -> memref<128x64xf32, #tpu.memory_space<hbm>>
    %dma_wait3A_1334 = arith.constant 0 : i32
    %dma_wait3A_1335 = tpu.memref_slice %arg4[%add3A_1260, %dma_wait3A_1334] : memref<106496x64xf32, #tpu.memory_space<hbm>> -> memref<128x64xf32, #tpu.memory_space<hbm>>
    %dma_wait3A_1336 = arith.constant 0 : i32
    %dma_wait3A_1337 = arith.constant 0 : i32
    %dma_wait3A_1338 = tpu.memref_slice %arg6[%dma_wait3A_1327, %dma_wait3A_1336, %dma_wait3A_1337] : memref<4x128x64xf32, #tpu.memory_space<vmem>> -> memref<1x128x64xf32, #tpu.memory_space<vmem>>
    %dma_wait3A_1339 = tpu.memref_squeeze %dma_wait3A_1338 : memref<1x128x64xf32, #tpu.memory_space<vmem>> -> memref<128x64xf32, #tpu.memory_space<vmem>>
    tpu.wait_dma2 semaphore(%arg11 : memref<!tpu.dma_semaphore, #tpu.memory_space<semaphore_mem>>) src(%dma_wait3A_1339 : memref<128x64xf32, #tpu.memory_space<vmem>>) dst(%dma_wait3A_1335 : memref<128x64xf32, #tpu.memory_space<hbm>>)
    %dma_wait3A_1340 = arith.constant 1 : i32
    %dma_wait3A_1341 = arith.constant 0 : i32
    %dma_wait3A_1342 = arith.constant 0 : i32
    %dma_wait3A_1343 = tpu.memref_slice %arg6[%dma_wait3A_1340, %dma_wait3A_1341, %dma_wait3A_1342] : memref<4x128x64xf32, #tpu.memory_space<vmem>> -> memref<1x128x64xf32, #tpu.memory_space<vmem>>
    %dma_wait3A_1344 = tpu.memref_squeeze %dma_wait3A_1343 : memref<1x128x64xf32, #tpu.memory_space<vmem>> -> memref<128x64xf32, #tpu.memory_space<vmem>>
    %dma_wait3A_1345 = arith.constant 0 : i32
    %dma_wait3A_1346 = tpu.memref_slice %arg4[%add3A_1287, %dma_wait3A_1345] : memref<106496x64xf32, #tpu.memory_space<hbm>> -> memref<128x64xf32, #tpu.memory_space<hbm>>
    %dma_wait3A_1347 = arith.constant 0 : i32
    %dma_wait3A_1348 = tpu.memref_slice %arg4[%add3A_1287, %dma_wait3A_1347] : memref<106496x64xf32, #tpu.memory_space<hbm>> -> memref<128x64xf32, #tpu.memory_space<hbm>>
    %dma_wait3A_1349 = arith.constant 0 : i32
    %dma_wait3A_1350 = arith.constant 0 : i32
    %dma_wait3A_1351 = tpu.memref_slice %arg6[%dma_wait3A_1340, %dma_wait3A_1349, %dma_wait3A_1350] : memref<4x128x64xf32, #tpu.memory_space<vmem>> -> memref<1x128x64xf32, #tpu.memory_space<vmem>>
    %dma_wait3A_1352 = tpu.memref_squeeze %dma_wait3A_1351 : memref<1x128x64xf32, #tpu.memory_space<vmem>> -> memref<128x64xf32, #tpu.memory_space<vmem>>
    tpu.wait_dma2 semaphore(%arg12 : memref<!tpu.dma_semaphore, #tpu.memory_space<semaphore_mem>>) src(%dma_wait3A_1352 : memref<128x64xf32, #tpu.memory_space<vmem>>) dst(%dma_wait3A_1348 : memref<128x64xf32, #tpu.memory_space<hbm>>)
    return
  }
}

module attributes {stable_mosaic.version = 14 : i64} {
  func.func @_tc_body(%arg0: i32, %arg1: memref<256x13xf32, #tpu.memory_space<vmem>>, %arg2: memref<256x26x64xf32, #tpu.memory_space<vmem>>, %arg3: memref<13x512xf32, #tpu.memory_space<vmem>>, %arg4: memref<1x512xf32, #tpu.memory_space<vmem>>, %arg5: memref<512x256xf32, #tpu.memory_space<vmem>>, %arg6: memref<1x256xf32, #tpu.memory_space<vmem>>, %arg7: memref<256x64xf32, #tpu.memory_space<vmem>>, %arg8: memref<1x64xf32, #tpu.memory_space<vmem>>, %arg9: memref<729x512xf32, #tpu.memory_space<vmem>>, %arg10: memref<64x512xf32, #tpu.memory_space<vmem>>, %arg11: memref<1x512xf32, #tpu.memory_space<vmem>>, %arg12: memref<512x256xf32, #tpu.memory_space<vmem>>, %arg13: memref<1x256xf32, #tpu.memory_space<vmem>>, %arg14: memref<256x1xf32, #tpu.memory_space<vmem>>, %arg15: memref<1x1xf32, #tpu.memory_space<vmem>>, %arg16: memref<256x1xf32, #tpu.memory_space<vmem>>) attributes {dimension_semantics = [#tpu.dimension_semantics<arbitrary>], iteration_bounds = array<i64: 16>, scalar_prefetch = 0 : i64, scratch_operands = 0 : i64, tpu.core_type = #tpu.core_type<tc>, window_params = [{transform_indices = @transform_0, window_bounds = array<i64: 256, 13>}, {transform_indices = @transform_1, window_bounds = array<i64: 256, 26, 64>}, {pipeline_mode = #tpu.pipeline_mode<synchronous>, transform_indices = @transform_2, window_bounds = array<i64: 13, 512>}, {pipeline_mode = #tpu.pipeline_mode<synchronous>, transform_indices = @transform_3, window_bounds = array<i64: 1, 512>}, {pipeline_mode = #tpu.pipeline_mode<synchronous>, transform_indices = @transform_4, window_bounds = array<i64: 512, 256>}, {pipeline_mode = #tpu.pipeline_mode<synchronous>, transform_indices = @transform_5, window_bounds = array<i64: 1, 256>}, {pipeline_mode = #tpu.pipeline_mode<synchronous>, transform_indices = @transform_6, window_bounds = array<i64: 256, 64>}, {pipeline_mode = #tpu.pipeline_mode<synchronous>, transform_indices = @transform_7, window_bounds = array<i64: 1, 64>}, {pipeline_mode = #tpu.pipeline_mode<synchronous>, transform_indices = @transform_8, window_bounds = array<i64: 729, 512>}, {pipeline_mode = #tpu.pipeline_mode<synchronous>, transform_indices = @transform_9, window_bounds = array<i64: 64, 512>}, {pipeline_mode = #tpu.pipeline_mode<synchronous>, transform_indices = @transform_10, window_bounds = array<i64: 1, 512>}, {pipeline_mode = #tpu.pipeline_mode<synchronous>, transform_indices = @transform_11, window_bounds = array<i64: 512, 256>}, {pipeline_mode = #tpu.pipeline_mode<synchronous>, transform_indices = @transform_12, window_bounds = array<i64: 1, 256>}, {pipeline_mode = #tpu.pipeline_mode<synchronous>, transform_indices = @transform_13, window_bounds = array<i64: 256, 1>}, {pipeline_mode = #tpu.pipeline_mode<synchronous>, transform_indices = @transform_14, window_bounds = array<i64: 1, 1>}, {transform_indices = @transform_15, window_bounds = array<i64: 256, 1>}]} {
    %get3A = arith.constant 0 : index
    %get3A_0 = arith.constant 0 : index
    %get3A_1 = vector.load %arg1[%get3A, %get3A_0] : memref<256x13xf32, #tpu.memory_space<vmem>>, vector<256x13xf32>
    %get3A_2 = arith.constant 0 : index
    %get3A_3 = arith.constant 0 : index
    %get3A_4 = vector.load %arg3[%get3A_2, %get3A_3] : memref<13x512xf32, #tpu.memory_space<vmem>>, vector<13x512xf32>
    %dot_general3A = arith.constant dense<0.000000e+00> : vector<256x512xf32>
    %dot_general3A_5 = tpu.matmul %get3A_1, %get3A_4, %dot_general3A {dimension_numbers = #tpu.dot_dimension_numbers<[1], [0], [0], [1], [0, 0, 1, 1], [], []>, transpose_lhs_hint = false} : vector<256x13xf32>, vector<13x512xf32>, vector<256x512xf32> -> vector<256x512xf32>
    %get3A_6 = arith.constant 0 : index
    %get3A_7 = arith.constant 0 : index
    %get3A_8 = vector.load %arg4[%get3A_6, %get3A_7] : memref<1x512xf32, #tpu.memory_space<vmem>>, vector<1x512xf32>
    %add3A = vector.broadcast %get3A_8 : vector<1x512xf32> to vector<256x512xf32>
    %add3A_9 = arith.addf %dot_general3A_5, %add3A : vector<256x512xf32>
    %max3A = arith.constant 0.000000e+00 : f32
    %max3A_10 = vector.broadcast %max3A : f32 to vector<256x512xf32>
    %max3A_11 = arith.maximumf %add3A_9, %max3A_10 : vector<256x512xf32>
    %get3A_12 = arith.constant 0 : index
    %get3A_13 = arith.constant 0 : index
    %get3A_14 = vector.load %arg5[%get3A_12, %get3A_13] : memref<512x256xf32, #tpu.memory_space<vmem>>, vector<512x256xf32>
    %dot_general3A_15 = arith.constant dense<0.000000e+00> : vector<256x256xf32>
    %dot_general3A_16 = tpu.matmul %max3A_11, %get3A_14, %dot_general3A_15 {dimension_numbers = #tpu.dot_dimension_numbers<[1], [0], [0], [1], [0, 0, 1, 1], [], []>, transpose_lhs_hint = false} : vector<256x512xf32>, vector<512x256xf32>, vector<256x256xf32> -> vector<256x256xf32>
    %get3A_17 = arith.constant 0 : index
    %get3A_18 = arith.constant 0 : index
    %get3A_19 = vector.load %arg6[%get3A_17, %get3A_18] : memref<1x256xf32, #tpu.memory_space<vmem>>, vector<1x256xf32>
    %add3A_20 = vector.broadcast %get3A_19 : vector<1x256xf32> to vector<256x256xf32>
    %add3A_21 = arith.addf %dot_general3A_16, %add3A_20 : vector<256x256xf32>
    %max3A_22 = arith.constant 0.000000e+00 : f32
    %max3A_23 = vector.broadcast %max3A_22 : f32 to vector<256x256xf32>
    %max3A_24 = arith.maximumf %add3A_21, %max3A_23 : vector<256x256xf32>
    %get3A_25 = arith.constant 0 : index
    %get3A_26 = arith.constant 0 : index
    %get3A_27 = vector.load %arg7[%get3A_25, %get3A_26] : memref<256x64xf32, #tpu.memory_space<vmem>>, vector<256x64xf32>
    %dot_general3A_28 = arith.constant dense<0.000000e+00> : vector<256x64xf32>
    %dot_general3A_29 = tpu.matmul %max3A_24, %get3A_27, %dot_general3A_28 {dimension_numbers = #tpu.dot_dimension_numbers<[1], [0], [0], [1], [0, 0, 1, 1], [], []>, transpose_lhs_hint = false} : vector<256x256xf32>, vector<256x64xf32>, vector<256x64xf32> -> vector<256x64xf32>
    %get3A_30 = arith.constant 0 : index
    %get3A_31 = arith.constant 0 : index
    %get3A_32 = vector.load %arg8[%get3A_30, %get3A_31] : memref<1x64xf32, #tpu.memory_space<vmem>>, vector<1x64xf32>
    %add3A_33 = vector.broadcast %get3A_32 : vector<1x64xf32> to vector<256x64xf32>
    %add3A_34 = arith.addf %dot_general3A_29, %add3A_33 : vector<256x64xf32>
    %get3A_35 = arith.constant 0 : index
    %get3A_36 = arith.constant 0 : index
    %get3A_37 = arith.constant 0 : index
    %get3A_38 = vector.load %arg2[%get3A_35, %get3A_36, %get3A_37] : memref<256x26x64xf32, #tpu.memory_space<vmem>>, vector<256x26x64xf32>
    %broadcast_in_dim3A = vector.shape_cast %add3A_34 : vector<256x64xf32> to vector<256x1x64xf32>
    %concatenate3A = tpu.concatenate %get3A_38, %broadcast_in_dim3A in 1 : vector<256x26x64xf32>, vector<256x1x64xf32> -> vector<256x27x64xf32>
    %dot_general3A_39 = arith.constant dense<0.000000e+00> : vector<256x27x27xf32>
    %dot_general3A_40 = tpu.matmul %concatenate3A, %concatenate3A, %dot_general3A_39 {dimension_numbers = #tpu.dot_dimension_numbers<[2], [2], [1], [1], [0, 0, 0, 1, 1, 1], [0], [0]>, transpose_lhs_hint = false} : vector<256x27x64xf32>, vector<256x27x64xf32>, vector<256x27x27xf32> -> vector<256x27x27xf32>
    %slice3A = vector.extract_strided_slice %dot_general3A_40 {offsets = [0, 0, 0], sizes = [256, 1, 27], strides = [1, 1, 1]} : vector<256x27x27xf32> to vector<256x1x27xf32>
    %squeeze3A = vector.shape_cast %slice3A : vector<256x1x27xf32> to vector<256x27xf32>
    %slice3A_41 = vector.extract_strided_slice %dot_general3A_40 {offsets = [0, 1, 0], sizes = [256, 1, 27], strides = [1, 1, 1]} : vector<256x27x27xf32> to vector<256x1x27xf32>
    %squeeze3A_42 = vector.shape_cast %slice3A_41 : vector<256x1x27xf32> to vector<256x27xf32>
    %slice3A_43 = vector.extract_strided_slice %dot_general3A_40 {offsets = [0, 2, 0], sizes = [256, 1, 27], strides = [1, 1, 1]} : vector<256x27x27xf32> to vector<256x1x27xf32>
    %squeeze3A_44 = vector.shape_cast %slice3A_43 : vector<256x1x27xf32> to vector<256x27xf32>
    %slice3A_45 = vector.extract_strided_slice %dot_general3A_40 {offsets = [0, 3, 0], sizes = [256, 1, 27], strides = [1, 1, 1]} : vector<256x27x27xf32> to vector<256x1x27xf32>
    %squeeze3A_46 = vector.shape_cast %slice3A_45 : vector<256x1x27xf32> to vector<256x27xf32>
    %slice3A_47 = vector.extract_strided_slice %dot_general3A_40 {offsets = [0, 4, 0], sizes = [256, 1, 27], strides = [1, 1, 1]} : vector<256x27x27xf32> to vector<256x1x27xf32>
    %squeeze3A_48 = vector.shape_cast %slice3A_47 : vector<256x1x27xf32> to vector<256x27xf32>
    %slice3A_49 = vector.extract_strided_slice %dot_general3A_40 {offsets = [0, 5, 0], sizes = [256, 1, 27], strides = [1, 1, 1]} : vector<256x27x27xf32> to vector<256x1x27xf32>
    %squeeze3A_50 = vector.shape_cast %slice3A_49 : vector<256x1x27xf32> to vector<256x27xf32>
    %slice3A_51 = vector.extract_strided_slice %dot_general3A_40 {offsets = [0, 6, 0], sizes = [256, 1, 27], strides = [1, 1, 1]} : vector<256x27x27xf32> to vector<256x1x27xf32>
    %squeeze3A_52 = vector.shape_cast %slice3A_51 : vector<256x1x27xf32> to vector<256x27xf32>
    %slice3A_53 = vector.extract_strided_slice %dot_general3A_40 {offsets = [0, 7, 0], sizes = [256, 1, 27], strides = [1, 1, 1]} : vector<256x27x27xf32> to vector<256x1x27xf32>
    %squeeze3A_54 = vector.shape_cast %slice3A_53 : vector<256x1x27xf32> to vector<256x27xf32>
    %slice3A_55 = vector.extract_strided_slice %dot_general3A_40 {offsets = [0, 8, 0], sizes = [256, 1, 27], strides = [1, 1, 1]} : vector<256x27x27xf32> to vector<256x1x27xf32>
    %squeeze3A_56 = vector.shape_cast %slice3A_55 : vector<256x1x27xf32> to vector<256x27xf32>
    %slice3A_57 = vector.extract_strided_slice %dot_general3A_40 {offsets = [0, 9, 0], sizes = [256, 1, 27], strides = [1, 1, 1]} : vector<256x27x27xf32> to vector<256x1x27xf32>
    %squeeze3A_58 = vector.shape_cast %slice3A_57 : vector<256x1x27xf32> to vector<256x27xf32>
    %slice3A_59 = vector.extract_strided_slice %dot_general3A_40 {offsets = [0, 10, 0], sizes = [256, 1, 27], strides = [1, 1, 1]} : vector<256x27x27xf32> to vector<256x1x27xf32>
    %squeeze3A_60 = vector.shape_cast %slice3A_59 : vector<256x1x27xf32> to vector<256x27xf32>
    %slice3A_61 = vector.extract_strided_slice %dot_general3A_40 {offsets = [0, 11, 0], sizes = [256, 1, 27], strides = [1, 1, 1]} : vector<256x27x27xf32> to vector<256x1x27xf32>
    %squeeze3A_62 = vector.shape_cast %slice3A_61 : vector<256x1x27xf32> to vector<256x27xf32>
    %slice3A_63 = vector.extract_strided_slice %dot_general3A_40 {offsets = [0, 12, 0], sizes = [256, 1, 27], strides = [1, 1, 1]} : vector<256x27x27xf32> to vector<256x1x27xf32>
    %squeeze3A_64 = vector.shape_cast %slice3A_63 : vector<256x1x27xf32> to vector<256x27xf32>
    %slice3A_65 = vector.extract_strided_slice %dot_general3A_40 {offsets = [0, 13, 0], sizes = [256, 1, 27], strides = [1, 1, 1]} : vector<256x27x27xf32> to vector<256x1x27xf32>
    %squeeze3A_66 = vector.shape_cast %slice3A_65 : vector<256x1x27xf32> to vector<256x27xf32>
    %slice3A_67 = vector.extract_strided_slice %dot_general3A_40 {offsets = [0, 14, 0], sizes = [256, 1, 27], strides = [1, 1, 1]} : vector<256x27x27xf32> to vector<256x1x27xf32>
    %squeeze3A_68 = vector.shape_cast %slice3A_67 : vector<256x1x27xf32> to vector<256x27xf32>
    %slice3A_69 = vector.extract_strided_slice %dot_general3A_40 {offsets = [0, 15, 0], sizes = [256, 1, 27], strides = [1, 1, 1]} : vector<256x27x27xf32> to vector<256x1x27xf32>
    %squeeze3A_70 = vector.shape_cast %slice3A_69 : vector<256x1x27xf32> to vector<256x27xf32>
    %slice3A_71 = vector.extract_strided_slice %dot_general3A_40 {offsets = [0, 16, 0], sizes = [256, 1, 27], strides = [1, 1, 1]} : vector<256x27x27xf32> to vector<256x1x27xf32>
    %squeeze3A_72 = vector.shape_cast %slice3A_71 : vector<256x1x27xf32> to vector<256x27xf32>
    %slice3A_73 = vector.extract_strided_slice %dot_general3A_40 {offsets = [0, 17, 0], sizes = [256, 1, 27], strides = [1, 1, 1]} : vector<256x27x27xf32> to vector<256x1x27xf32>
    %squeeze3A_74 = vector.shape_cast %slice3A_73 : vector<256x1x27xf32> to vector<256x27xf32>
    %slice3A_75 = vector.extract_strided_slice %dot_general3A_40 {offsets = [0, 18, 0], sizes = [256, 1, 27], strides = [1, 1, 1]} : vector<256x27x27xf32> to vector<256x1x27xf32>
    %squeeze3A_76 = vector.shape_cast %slice3A_75 : vector<256x1x27xf32> to vector<256x27xf32>
    %slice3A_77 = vector.extract_strided_slice %dot_general3A_40 {offsets = [0, 19, 0], sizes = [256, 1, 27], strides = [1, 1, 1]} : vector<256x27x27xf32> to vector<256x1x27xf32>
    %squeeze3A_78 = vector.shape_cast %slice3A_77 : vector<256x1x27xf32> to vector<256x27xf32>
    %slice3A_79 = vector.extract_strided_slice %dot_general3A_40 {offsets = [0, 20, 0], sizes = [256, 1, 27], strides = [1, 1, 1]} : vector<256x27x27xf32> to vector<256x1x27xf32>
    %squeeze3A_80 = vector.shape_cast %slice3A_79 : vector<256x1x27xf32> to vector<256x27xf32>
    %slice3A_81 = vector.extract_strided_slice %dot_general3A_40 {offsets = [0, 21, 0], sizes = [256, 1, 27], strides = [1, 1, 1]} : vector<256x27x27xf32> to vector<256x1x27xf32>
    %squeeze3A_82 = vector.shape_cast %slice3A_81 : vector<256x1x27xf32> to vector<256x27xf32>
    %slice3A_83 = vector.extract_strided_slice %dot_general3A_40 {offsets = [0, 22, 0], sizes = [256, 1, 27], strides = [1, 1, 1]} : vector<256x27x27xf32> to vector<256x1x27xf32>
    %squeeze3A_84 = vector.shape_cast %slice3A_83 : vector<256x1x27xf32> to vector<256x27xf32>
    %slice3A_85 = vector.extract_strided_slice %dot_general3A_40 {offsets = [0, 23, 0], sizes = [256, 1, 27], strides = [1, 1, 1]} : vector<256x27x27xf32> to vector<256x1x27xf32>
    %squeeze3A_86 = vector.shape_cast %slice3A_85 : vector<256x1x27xf32> to vector<256x27xf32>
    %slice3A_87 = vector.extract_strided_slice %dot_general3A_40 {offsets = [0, 24, 0], sizes = [256, 1, 27], strides = [1, 1, 1]} : vector<256x27x27xf32> to vector<256x1x27xf32>
    %squeeze3A_88 = vector.shape_cast %slice3A_87 : vector<256x1x27xf32> to vector<256x27xf32>
    %slice3A_89 = vector.extract_strided_slice %dot_general3A_40 {offsets = [0, 25, 0], sizes = [256, 1, 27], strides = [1, 1, 1]} : vector<256x27x27xf32> to vector<256x1x27xf32>
    %squeeze3A_90 = vector.shape_cast %slice3A_89 : vector<256x1x27xf32> to vector<256x27xf32>
    %slice3A_91 = vector.extract_strided_slice %dot_general3A_40 {offsets = [0, 26, 0], sizes = [256, 1, 27], strides = [1, 1, 1]} : vector<256x27x27xf32> to vector<256x1x27xf32>
    %squeeze3A_92 = vector.shape_cast %slice3A_91 : vector<256x1x27xf32> to vector<256x27xf32>
    %concatenate3A_93 = tpu.concatenate %squeeze3A, %squeeze3A_42, %squeeze3A_44, %squeeze3A_46, %squeeze3A_48, %squeeze3A_50, %squeeze3A_52, %squeeze3A_54, %squeeze3A_56, %squeeze3A_58, %squeeze3A_60, %squeeze3A_62, %squeeze3A_64, %squeeze3A_66, %squeeze3A_68, %squeeze3A_70, %squeeze3A_72, %squeeze3A_74, %squeeze3A_76, %squeeze3A_78, %squeeze3A_80, %squeeze3A_82, %squeeze3A_84, %squeeze3A_86, %squeeze3A_88, %squeeze3A_90, %squeeze3A_92 in 1 : vector<256x27xf32>, vector<256x27xf32>, vector<256x27xf32>, vector<256x27xf32>, vector<256x27xf32>, vector<256x27xf32>, vector<256x27xf32>, vector<256x27xf32>, vector<256x27xf32>, vector<256x27xf32>, vector<256x27xf32>, vector<256x27xf32>, vector<256x27xf32>, vector<256x27xf32>, vector<256x27xf32>, vector<256x27xf32>, vector<256x27xf32>, vector<256x27xf32>, vector<256x27xf32>, vector<256x27xf32>, vector<256x27xf32>, vector<256x27xf32>, vector<256x27xf32>, vector<256x27xf32>, vector<256x27xf32>, vector<256x27xf32>, vector<256x27xf32> -> vector<256x729xf32>
    %get3A_94 = arith.constant 0 : index
    %get3A_95 = arith.constant 0 : index
    %get3A_96 = vector.load %arg9[%get3A_94, %get3A_95] : memref<729x512xf32, #tpu.memory_space<vmem>>, vector<729x512xf32>
    %dot_general3A_97 = arith.constant dense<0.000000e+00> : vector<256x512xf32>
    %dot_general3A_98 = tpu.matmul %concatenate3A_93, %get3A_96, %dot_general3A_97 {dimension_numbers = #tpu.dot_dimension_numbers<[1], [0], [0], [1], [0, 0, 1, 1], [], []>, transpose_lhs_hint = false} : vector<256x729xf32>, vector<729x512xf32>, vector<256x512xf32> -> vector<256x512xf32>
    %get3A_99 = arith.constant 0 : index
    %get3A_100 = arith.constant 0 : index
    %get3A_101 = vector.load %arg10[%get3A_99, %get3A_100] : memref<64x512xf32, #tpu.memory_space<vmem>>, vector<64x512xf32>
    %dot_general3A_102 = arith.constant dense<0.000000e+00> : vector<256x512xf32>
    %dot_general3A_103 = tpu.matmul %add3A_34, %get3A_101, %dot_general3A_102 {dimension_numbers = #tpu.dot_dimension_numbers<[1], [0], [0], [1], [0, 0, 1, 1], [], []>, transpose_lhs_hint = false} : vector<256x64xf32>, vector<64x512xf32>, vector<256x512xf32> -> vector<256x512xf32>
    %add3A_104 = arith.addf %dot_general3A_98, %dot_general3A_103 : vector<256x512xf32>
    %get3A_105 = arith.constant 0 : index
    %get3A_106 = arith.constant 0 : index
    %get3A_107 = vector.load %arg11[%get3A_105, %get3A_106] : memref<1x512xf32, #tpu.memory_space<vmem>>, vector<1x512xf32>
    %add3A_108 = vector.broadcast %get3A_107 : vector<1x512xf32> to vector<256x512xf32>
    %add3A_109 = arith.addf %add3A_104, %add3A_108 : vector<256x512xf32>
    %max3A_110 = arith.constant 0.000000e+00 : f32
    %max3A_111 = vector.broadcast %max3A_110 : f32 to vector<256x512xf32>
    %max3A_112 = arith.maximumf %add3A_109, %max3A_111 : vector<256x512xf32>
    %get3A_113 = arith.constant 0 : index
    %get3A_114 = arith.constant 0 : index
    %get3A_115 = vector.load %arg12[%get3A_113, %get3A_114] : memref<512x256xf32, #tpu.memory_space<vmem>>, vector<512x256xf32>
    %dot_general3A_116 = arith.constant dense<0.000000e+00> : vector<256x256xf32>
    %dot_general3A_117 = tpu.matmul %max3A_112, %get3A_115, %dot_general3A_116 {dimension_numbers = #tpu.dot_dimension_numbers<[1], [0], [0], [1], [0, 0, 1, 1], [], []>, transpose_lhs_hint = false} : vector<256x512xf32>, vector<512x256xf32>, vector<256x256xf32> -> vector<256x256xf32>
    %get3A_118 = arith.constant 0 : index
    %get3A_119 = arith.constant 0 : index
    %get3A_120 = vector.load %arg13[%get3A_118, %get3A_119] : memref<1x256xf32, #tpu.memory_space<vmem>>, vector<1x256xf32>
    %add3A_121 = vector.broadcast %get3A_120 : vector<1x256xf32> to vector<256x256xf32>
    %add3A_122 = arith.addf %dot_general3A_117, %add3A_121 : vector<256x256xf32>
    %max3A_123 = arith.constant 0.000000e+00 : f32
    %max3A_124 = vector.broadcast %max3A_123 : f32 to vector<256x256xf32>
    %max3A_125 = arith.maximumf %add3A_122, %max3A_124 : vector<256x256xf32>
    %get3A_126 = arith.constant 0 : index
    %get3A_127 = arith.constant 0 : index
    %get3A_128 = vector.load %arg14[%get3A_126, %get3A_127] : memref<256x1xf32, #tpu.memory_space<vmem>>, vector<256x1xf32>
    %dot_general3A_129 = arith.constant dense<0.000000e+00> : vector<256x1xf32>
    %dot_general3A_130 = tpu.matmul %max3A_125, %get3A_128, %dot_general3A_129 {dimension_numbers = #tpu.dot_dimension_numbers<[1], [0], [0], [1], [0, 0, 1, 1], [], []>, transpose_lhs_hint = false} : vector<256x256xf32>, vector<256x1xf32>, vector<256x1xf32> -> vector<256x1xf32>
    %get3A_131 = arith.constant 0 : index
    %get3A_132 = arith.constant 0 : index
    %get3A_133 = vector.load %arg15[%get3A_131, %get3A_132] : memref<1x1xf32, #tpu.memory_space<vmem>>, vector<1x1xf32>
    %add3A_134 = vector.broadcast %get3A_133 : vector<1x1xf32> to vector<256x1xf32>
    %add3A_135 = arith.addf %dot_general3A_130, %add3A_134 : vector<256x1xf32>
    %swap3A = arith.constant 0 : index
    %swap3A_136 = arith.constant 0 : index
    %swap3A_137 = vector.load %arg16[%swap3A, %swap3A_136] : memref<256x1xf32, #tpu.memory_space<vmem>>, vector<256x1xf32>
    tpu.vector_store %arg16[%swap3A, %swap3A_136], %add3A_135 {strides = array<i32>} : memref<256x1xf32, #tpu.memory_space<vmem>>, vector<256x1xf32>,
    return
  }
  func.func @transform_0(%arg0: i32) -> (i32, i32) {
    %c0_i32 = arith.constant 0 : i32
    %c0_i32_0 = arith.constant 0 : i32
    return %arg0, %c0_i32 : i32, i32
  }
  func.func @transform_1(%arg0: i32) -> (i32, i32, i32) {
    %c0_i32 = arith.constant 0 : i32
    %c0_i32_0 = arith.constant 0 : i32
    %c0_i32_1 = arith.constant 0 : i32
    return %arg0, %c0_i32, %c0_i32_0 : i32, i32, i32
  }
  func.func @transform_2(%arg0: i32) -> (i32, i32) {
    %c0_i32 = arith.constant 0 : i32
    %c0_i32_0 = arith.constant 0 : i32
    %c0_i32_1 = arith.constant 0 : i32
    return %c0_i32, %c0_i32_0 : i32, i32
  }
  func.func @transform_3(%arg0: i32) -> (i32, i32) {
    %c0_i32 = arith.constant 0 : i32
    %c0_i32_0 = arith.constant 0 : i32
    %c0_i32_1 = arith.constant 0 : i32
    return %c0_i32, %c0_i32_0 : i32, i32
  }
  func.func @transform_4(%arg0: i32) -> (i32, i32) {
    %c0_i32 = arith.constant 0 : i32
    %c0_i32_0 = arith.constant 0 : i32
    %c0_i32_1 = arith.constant 0 : i32
    return %c0_i32, %c0_i32_0 : i32, i32
  }
  func.func @transform_5(%arg0: i32) -> (i32, i32) {
    %c0_i32 = arith.constant 0 : i32
    %c0_i32_0 = arith.constant 0 : i32
    %c0_i32_1 = arith.constant 0 : i32
    return %c0_i32, %c0_i32_0 : i32, i32
  }
  func.func @transform_6(%arg0: i32) -> (i32, i32) {
    %c0_i32 = arith.constant 0 : i32
    %c0_i32_0 = arith.constant 0 : i32
    %c0_i32_1 = arith.constant 0 : i32
    return %c0_i32, %c0_i32_0 : i32, i32
  }
  func.func @transform_7(%arg0: i32) -> (i32, i32) {
    %c0_i32 = arith.constant 0 : i32
    %c0_i32_0 = arith.constant 0 : i32
    %c0_i32_1 = arith.constant 0 : i32
    return %c0_i32, %c0_i32_0 : i32, i32
  }
  func.func @transform_8(%arg0: i32) -> (i32, i32) {
    %c0_i32 = arith.constant 0 : i32
    %c0_i32_0 = arith.constant 0 : i32
    %c0_i32_1 = arith.constant 0 : i32
    return %c0_i32, %c0_i32_0 : i32, i32
  }
  func.func @transform_9(%arg0: i32) -> (i32, i32) {
    %c0_i32 = arith.constant 0 : i32
    %c0_i32_0 = arith.constant 0 : i32
    %c0_i32_1 = arith.constant 0 : i32
    return %c0_i32, %c0_i32_0 : i32, i32
  }
  func.func @transform_10(%arg0: i32) -> (i32, i32) {
    %c0_i32 = arith.constant 0 : i32
    %c0_i32_0 = arith.constant 0 : i32
    %c0_i32_1 = arith.constant 0 : i32
    return %c0_i32, %c0_i32_0 : i32, i32
  }
  func.func @transform_11(%arg0: i32) -> (i32, i32) {
    %c0_i32 = arith.constant 0 : i32
    %c0_i32_0 = arith.constant 0 : i32
    %c0_i32_1 = arith.constant 0 : i32
    return %c0_i32, %c0_i32_0 : i32, i32
  }
  func.func @transform_12(%arg0: i32) -> (i32, i32) {
    %c0_i32 = arith.constant 0 : i32
    %c0_i32_0 = arith.constant 0 : i32
    %c0_i32_1 = arith.constant 0 : i32
    return %c0_i32, %c0_i32_0 : i32, i32
  }
  func.func @transform_13(%arg0: i32) -> (i32, i32) {
    %c0_i32 = arith.constant 0 : i32
    %c0_i32_0 = arith.constant 0 : i32
    %c0_i32_1 = arith.constant 0 : i32
    return %c0_i32, %c0_i32_0 : i32, i32
  }
  func.func @transform_14(%arg0: i32) -> (i32, i32) {
    %c0_i32 = arith.constant 0 : i32
    %c0_i32_0 = arith.constant 0 : i32
    %c0_i32_1 = arith.constant 0 : i32
    return %c0_i32, %c0_i32_0 : i32, i32
  }
  func.func @transform_15(%arg0: i32) -> (i32, i32) {
    %c0_i32 = arith.constant 0 : i32
    %c0_i32_0 = arith.constant 0 : i32
    return %arg0, %c0_i32 : i32, i32
  }
}

</mosaic_0001>

<sc_bundles>
// kernel: kernel.4.cloned.1.call-start
scs
__scs_entry_jumppad:
0x0: {  	(pc) =	sbr.rel $0x88, $3  }
0x1: {  	(tag) =	ssettag $0x0;
	lr =	simm.s32 $0x1  }
0x2: {  	[smem:$0x3F92] =	sst lr;
	_ =	strace $0xD0000000  }
0x3: {  	_ = 	snop  }
0x4: {  	_ = 	snop  }
0x5: {  	_ = 	snop  }
0x6: {  	_ = 	snop  }
0x7: {  	_ = 	snop  }
__scs_overlays_trampoline_lowered:
0x8: {  	[smem:$0x3FA1] =	sst s0  }
0x9: {  	[smem:$0x3FA2] =	sst s1  }
0xa: {  	[smem:$0x3FA3] =	sst s2  }
0xb: {  	[smem:$0x3FA4] =	sst s3  }
0xc: {  	[smem:$0x3FA5] =	sst s4  }
0xd: {  	[smem:$0x3FA6] =	sst s5  }
0xe: {  	[smem:$0x3FA7] =	sst s6  }
0xf: {  	[smem:$0x3FA8] =	sst s7  }
0x10: {  	[smem:$0x3FA9] =	sst s8  }
0x11: {  	[smem:$0x3FAA] =	sst s9;
	s0 =	simm.s32 @!p0 $0x0  }
0x12: {  	s1 =	sld [smem:$0x3F90];
	s0 =	simm.s32 @p0 $0x1  }
0x13: {  	[smem:$0x3FAB] =	sst s0;
	s0 =	simm.s32 @!p1 $0x0  }
0x14: {  	s2 =	sld [smem:$0x3F8F];
	s0 =	simm.s32 @p1 $0x1  }
0x15: {  	[smem:$0x3FAC] =	sst s0;
	s0 =	simm.s32 @!p2 $0x0  }
0x16: {  	s3 =	sld [smem:$0x3FDB];
	s0 =	simm.s32 @p2 $0x1  }
0x17: {  	s4 =	simm.s32 $0x1BF5;
	[smem:$0x3FAE] =	sst s0  }
0x18: {  	s0 =	sld [smem:$0x3F91];
	_ =	swait.ge [sflag:s4], $0x0  }
0x19: {  	s7 =	sld [smem:$0x3F92]  }
0x1a: {  	s8 =	sadd.s32 $0xFFFFE003, lr  }
0x1b: {  	s9 =	sadd.s32 $0xFFFFFEF7, lr;
	s5 =	simm.s32 $0xFFFFFFFF;
	p2 =	slt.u32 s8, $0xFFFFF086  }
0x1c: {  	p1 =	slt.u32 s9, $0xF7A;
	s5 =	simm.s32 @!p2 $0x0  }
0x1d: {  	s5 =	simm.s32 @p1 $0x1;
	p0 =	seq.s32 s7, s2  }
0x1e: {  	s7 =	smul.u32 @!p0 $0xF7A, s2;
	p2 =	seq.s32 @!p0 s5, $0x0  }
0x1f: {  	s9 =	smul.u32 $0xF7A, s1;
	s8 =	simm.s32 @!p0 $0x1BF5;
	p2 =	por !p2, p0  }
0x20: {  	[sflag:s8] =	ssyncset.s32 @!p0 $0xFFFFF086;
	s6 =	sadd.s32 @!p0 s3, s7;
	s7 =	simm.s32 @!p0 $0x108  }
0x21: {  	s3 =	sadd.s32 s3, s9;
	s6 =	sadd.s32 @!p0 $0x88, s6;
	s7 =	simm.s32 @p2 $0x1082  }
0x22: {  	[simem:s7], [sflag:s8] =	dma.local @!p0 [hbm:s6], $0xF7A  }
0x23: {  	s9 =	sor.u32 $0xD0000000, s2;
	s6 =	simm.s32 $0x108;
	_ =	swait.ge @!p0 [sflag:s8], $0x0  }
0x24: {  	s3 =	sadd.s32 $0x88, s3;
	s6 =	simm.s32 @!p1 $0x1082;
	[sflag:s4] =	ssyncset.s32 $0xFFFFF086  }
0x25: {  	[simem:s6], [sflag:s4] =	dma.local [hbm:s3], $0xF7A  }
0x26: {  	[smem:$0x3F92] =	sst s1;
	(tag) =	ssettag s2;
	_ =	strace s9  }
0x27: {  	s1 =	sld [smem:$0x3FA2]  }
0x28: {  	s2 =	sld [smem:$0x3FA3]  }
0x29: {  	s4 =	sld [smem:$0x3FA5]  }
0x2a: {  	p0 =	seq.s32 s5, $0x0;
	s5 =	sld [smem:$0x3FA6]  }
0x2b: {  	s6 =	sld [smem:$0x3FA7]  }
0x2c: {  	s7 =	sld [smem:$0x3FA8]  }
0x2d: {  	s3 =	simm.s32 $0x108;
	s8 =	sld [smem:$0x3FA9]  }
0x2e: {  	s3 =	simm.s32 @!p0 $0x1082;
	s9 =	sld [smem:$0x3FAA]  }
0x2f: {  	lr =	sadd.s32 s0, s3;
	s0 =	sld [smem:$0x3FA1]  }
0x30: {  	s3 =	sld [smem:$0x3FA4]  }
0x31: {  	[smem:$0x3FAD] =	sst s10  }
0x32: {  	s10 =	sld [smem:$0x3FAB];
	_ =	sdelay $0x3  }
0x33: {  	p0 =	seq.s32 s10, $0x1;
	s10 =	sld [smem:$0x3FAD];
	_ =	sdelay $0x3  }
0x34: {  	[smem:$0x3FAD] =	sst s10  }
0x35: {  	s10 =	sld [smem:$0x3FAC];
	_ =	sdelay $0x3  }
0x36: {  	p1 =	seq.s32 s10, $0x1;
	s10 =	sld [smem:$0x3FAD];
	_ =	sdelay $0x3  }
0x37: {  	[smem:$0x3FAD] =	sst s10  }
0x38: {  	s10 =	sld [smem:$0x3FAE]  }
0x39: {  	_ = 	snop;
	(pc) =	sbr.ind lr, $3  }
0x3a: {  	_ = 	snop  }
0x3b: {  	_ = 	snop  }
0x3c: {  	p2 =	seq.s32 s10, $0x1;
	s10 =	sld [smem:$0x3FAD]  }
0x3d: {  	_ =	shalt  }
0x3e: {  	_ =	shalt  }
0x3f: {  	_ =	shalt  }
0x40: {  	_ =	shalt  }
0x41: {  	_ =	shalt  }
0x42: {  	_ =	shalt  }
0x43: {  	_ =	shalt  }
0x44: {  	_ =	shalt  }
0x45: {  	_ =	shalt  }
0x46: {  	_ =	shalt  }
0x47: {  	_ =	shalt  }
0x48: {  	_ =	shalt  }
0x49: {  	_ =	shalt  }
0x4a: {  	_ =	shalt  }
0x4b: {  	_ =	shalt  }
0x4c: {  	_ =	shalt  }
0x4d: {  	_ =	shalt  }
0x4e: {  	_ =	shalt  }
0x4f: {  	_ =	shalt  }
0x50: {  	_ =	shalt  }
0x51: {  	_ =	shalt  }
0x52: {  	_ =	shalt  }
0x53: {  	_ =	shalt  }
0x54: {  	_ =	shalt  }
0x55: {  	_ =	shalt  }
0x56: {  	_ =	shalt  }
0x57: {  	_ =	shalt  }
0x58: {  	_ =	shalt  }
0x59: {  	_ =	shalt  }
0x5a: {  	_ =	shalt  }
0x5b: {  	_ =	shalt  }
0x5c: {  	_ =	shalt  }
0x5d: {  	_ =	shalt  }
0x5e: {  	_ =	shalt  }
0x5f: {  	_ =	shalt  }
0x60: {  	_ =	shalt  }
0x61: {  	_ =	shalt  }
0x62: {  	_ =	shalt  }
0x63: {  	_ =	shalt  }
0x64: {  	_ =	shalt  }
0x65: {  	_ =	shalt  }
0x66: {  	_ =	shalt  }
0x67: {  	_ =	shalt  }
0x68: {  	_ =	shalt  }
0x69: {  	_ =	shalt  }
0x6a: {  	_ =	shalt  }
0x6b: {  	_ =	shalt  }
0x6c: {  	_ =	shalt  }
0x6d: {  	_ =	shalt  }
0x6e: {  	_ =	shalt  }
0x6f: {  	_ =	shalt  }
0x70: {  	_ =	shalt  }
0x71: {  	_ =	shalt  }
0x72: {  	_ =	shalt  }
0x73: {  	_ =	shalt  }
0x74: {  	_ =	shalt  }
0x75: {  	_ =	shalt  }
0x76: {  	_ =	shalt  }
0x77: {  	_ =	shalt  }
0x78: {  	_ =	shalt  }
0x79: {  	_ =	shalt  }
0x7a: {  	_ =	shalt  }
0x7b: {  	_ =	shalt  }
0x7c: {  	_ =	shalt  }
0x7d: {  	_ =	shalt  }
0x7e: {  	_ =	shalt  }
0x7f: {  	_ =	shalt  }
0x80: {  	_ =	shalt  }
0x81: {  	_ =	shalt  }
0x82: {  	_ =	shalt  }
0x83: {  	_ =	shalt  }
0x84: {  	_ =	shalt  }
0x85: {  	_ =	shalt  }
0x86: {  	_ =	shalt  }
0x87: {  	_ =	shalt  }
.Lfunc_end0:
.L_simem_size_0:
called_computation_lowered:
.L_overlay_start_0:
0x88: {  	s2 =	sld [smem:$0x3FD9]  }
0x89: {  	s3 =	sld [smem:$0x3FFE];
	_ =	sdelay $0x1  }
0x8a: {  	s1 =	srdreg.scid  }
0x8b: {  	s0 =	sand.u32 $0x1, s1  }
0x8c: {  	s16 =	sshll.u32 s0, $0xA;
	s2 =	sadd.s32 s3, s2  }
0x8d: {  	s2 =	sadd.s32 s2, s16  }
0x8e: {  	[smem:$0x3FB9] =	sst s2  }
0x8f: {  	_ = 	snop  }
0x90: {  	(tm) =	ssettm $0x1  }
0x91: {  	s17 =	sld [smem:$0x3FFB];
	_ =	sdelay $0x3  }
0x92: {  	_ =	strace s17  }
0x93: {  	s2 =	sld [smem:$0x3FFC];
	_ =	sdelay $0x3  }
0x94: {  	_ =	strace s2  }
0x95: {  	s2 =	sld [smem:$0x3FFD];
	_ =	sdelay $0x3  }
0x96: {  	_ =	strace s2  }
0x97: {  	_ =	strace $0x8FFFFFFF  }
0x98: {  	s18 =	sld [smem:$0x3FDB];
	_ =	sdelay $0x1  }
0x99: {  	s19 =	simm.s32 $_scs_section_size  }
0x9a: {  	s4 =	simm.s32 $_size__tile_overlayer_lowered;
	s5 =	simm.s32 $_tile_overlayer_lowered  }
0x9b: {  	s22 =	simm.s32 $0x1BFF;
	s21 =	sshll.u32 s5, $0x1;
	s2 =	sadd.s32 s19, s18  }
0x9c: {  	s6 =	simm.s32 $0x0;
	s20 =	sshll.u32 s4, $0x1;
	s4 =	sadd.s32 s21, s2  }
0x9d: {  	[timem:s6], [sflag:s22] =	dma.local [hbm:s4], s20  }
0x9e: {  	_ =	swait.ge [sflag:s22], s20  }
0x9f: {  	s3 =	ssub.s32 $0x0, s20;
	[sflag:s22] =	ssyncset.done $0x0  }
0xa0: {  	[sflag:s22] =	ssyncadd.s32 s3;
	_ =	sdelay $0x1  }
0xa1: {  	s23 =	simm.s32 $0x1B8B  }
0xa2: {  	_ =	swait.ge [sflag:s23], $0x1  }
0xa3: {  	[sflag:s23] =	ssyncset.done $0x0  }
0xa4: {  	s25 =	simm.s32 $0x1B8E;
	s24 =	sld [smem:$0x3FFE];
	[sflag:s23] =	ssyncadd.s32 $0xFFFFFFFF  }
0xa5: {  	s26 =	simm.s32 $execute0_lowered;
	[smem:$0x3FD2] =	sst s25  }
0xa6: {  	s4 =	sshll.u32 s26, $0x1;
	_ =	strace $0x80000046;
	[dreg:$0x1] =	wrdreg $0xFFFFFFFF  }
0xa7: {  	s28 =	simm.s32 $_size_execute0_lowered;
	s2 =	sadd.s32 s2, s4;
	[dreg:$0x0] =	wrdreg $0x0  }
0xa8: {  	s4 =	sshll.u32 s28, $0x1;
	[dreg:$0x2] =	wrdreg s2  }
0xa9: {  	[dreg:$0x3] =	wrdreg s4  }
0xaa: {  	[dreg:$0x4] =	wrdreg $0xC0  }
0xab: {  	_ =	task [dreg:s6], $0x5FFFF  }
0xac: {  	[dreg:$0x1] =	wrdreg $0xFFFFFFFF  }
0xad: {  	[dreg:$0x0] =	wrdreg $0x60  }
0xae: {  	[dreg:$0x2] =	wrdreg s24  }
0xaf: {  	[dreg:$0x3] =	wrdreg $0x9  }
0xb0: {  	_ =	task.clear_ibuf [dreg:s6], $0x4FFFF;
	_ =	strace $0x90000046  }
0xb1: {  	s29 =	simm.s32 $0x9;
	_ =	strace $0x80000048  }
0xb2: {  	_ =	swait.ge [sflag:s29], $0x1  }
0xb3: {  	[sflag:s29] =	ssyncadd.s32 $0xFFFFFFFF  }
0xb4: {  	_ =	strace $0x90000048  }
0xb5: {  	_ =	sfence  }
0xb6: {  	s30 =	sld [smem:$0x0];
	_ =	sdelay $0x2  }
0xb7: {  	s31 =	sshll.u32 s1, $0xD;
	s1 =	sshrl.u32 s1, $0x2  }
0xb8: {  	s3 =	sand.u32 $0x4000, s31;
	s1 =	sadd.s32 s1, s30  }
0xb9: {  	s0 =	sor.u32 s3, s0;
	s1 =	sshll.u32 s1, $0x11  }
0xba: {  	s0 =	sor.u32 s1, s0  }
0xbb: {  	s0 =	sadd.s32 $0x8F2B, s0  }
0xbc: {  	[sflag:s0] =	ssyncadd.remote.s32 $0x1  }
0xbd: {  	_ =	sfence.sel $0xFFFF  }
0xbe: {  	[dreg:$0x0] =	wrdreg $0xFFFFFFFF;
	(pc) =	sbr.abs _section_cstart, $3  }
0xbf: {  	[dreg:$0x1] =	wrdreg $0xFFFFFFFF  }
0xc0: {  	_ =	task.clear_ibuf [dreg:s6], $0x2FFFF;
	_ =	strace $0x9FFFFFFF  }
0xc1: {  	(tm) =	ssettm $0x7FFFFFFF  }
tec
execute0_lowered:
.L_overlay_start_1:
0x0: {  	(tag) =	ssettag $0x1  }
0x1: {  	s0 =	srdreg.scid;
	s17 =	stileid.u32  }
0x2: {  	s0 =	sand.u32 $0x1, s0;
	s1 =	sshll.u32 s17, $0x1  }
0x3: {  	s3 =	sor.u32 s0, s1  }
0x4: {  	s2 =	simm.s32 $0x0;
	s4 =	smul.u32 $0x1A0, s3  }
0x5: {  	[smem:$0x7FF] =	sst s2;
	s5 =	smul.u32 $0x6800, s3  }
0x6: {  	s1 =	rddreg [dreg:$0x0];
	s3 =	smul.u32 $0x34000, s3  }
0x7: {  	_ =	strace $0x80000047;
	s6 =	sadd.s32 $0x5200, s1;
	s4 =	sadd.s32 s4, s1  }
0x8: {  	s30 =	sadd.s32 s6, s5;
	s3 =	sshrl.u32 s3, $0x3;
	s4 =	sadd.s32 $0x1E00, s4  }
0x9: {  	s10 =	sadd.s32 $0x400, s30;
	s3 =	sadd.s32 s6, s3;
	[dreg:$0x2] =	wrdreg s4  }
0xa: {  	[dreg:$0x3] =	wrdreg s10;
	s11 =	sadd.s32 $0x800, s3  }
0xb: {  	s12 =	sadd.s32 $0xC00, s3;
	[dreg:$0x4] =	wrdreg s11  }
0xc: {  	s13 =	sadd.s32 $0x1000, s3;
	[dreg:$0x5] =	wrdreg s12  }
0xd: {  	s14 =	sadd.s32 $0x1400, s3;
	[dreg:$0x6] =	wrdreg s13  }
0xe: {  	s15 =	sadd.s32 $0x1800, s3;
	[dreg:$0x7] =	wrdreg s14  }
0xf: {  	s16 =	sadd.s32 $0x1C00, s3;
	[dreg:$0x8] =	wrdreg s15  }
0x10: {  	s18 =	sadd.s32 $0x2000, s3;
	[dreg:$0x9] =	wrdreg s16  }
0x11: {  	s19 =	sadd.s32 $0x2400, s3;
	[dreg:$0xa] =	wrdreg s18  }
0x12: {  	s20 =	sadd.s32 $0x2800, s3;
	[dreg:$0xb] =	wrdreg s19  }
0x13: {  	s21 =	sadd.s32 $0x2C00, s3;
	[dreg:$0xc] =	wrdreg s20  }
0x14: {  	s22 =	sadd.s32 $0x3000, s3;
	[dreg:$0xd] =	wrdreg s21  }
0x15: {  	s23 =	sadd.s32 $0x3400, s3;
	[dreg:$0xe] =	wrdreg s22  }
0x16: {  	s24 =	sadd.s32 $0x3800, s3;
	[dreg:$0xf] =	wrdreg s23  }
0x17: {  	s25 =	sadd.s32 $0x3C00, s3;
	[dreg:$0x10] =	wrdreg s24  }
0x18: {  	s26 =	sadd.s32 $0x4000, s3;
	[dreg:$0x11] =	wrdreg s25  }
0x19: {  	s31 =	simm.s32 $0x9;
	s5 =	sadd.s32 $0x4400, s3;
	[dreg:$0x12] =	wrdreg s26  }
0x1a: {  	s29 =	simm.s32 $0x780;
	s6 =	sadd.s32 $0x4800, s3;
	[dreg:$0x13] =	wrdreg s5  }
0x1b: {  	s28 =	simm.s32 $0x800;
	s7 =	sadd.s32 $0x4C00, s3;
	[dreg:$0x14] =	wrdreg s6  }
0x1c: {  	p0 =	por $0x0, $0x0;
	s8 =	sadd.s32 $0x5000, s3;
	[dreg:$0x15] =	wrdreg s7  }
0x1d: {  	s0 =	ssub.s32 $0x2, s0;
	s9 =	sadd.s32 $0x5400, s3;
	[dreg:$0x16] =	wrdreg s8  }
0x1e: {  	s10 =	sadd.s32 $0x5800, s3;
	s4 =	simm.s32 $0xD00;
	[dreg:$0x17] =	wrdreg s9  }
0x1f: {  	[dreg:$0x18] =	wrdreg s10;
	s11 =	sadd.s32 $0x5C00, s3;
	s12 =	sshrl.u32 s0, $0x1  }
0x20: {  	s13 =	sadd.s32 $0x6000, s3;
	s3 =	sadd.s32 $0x6400, s3;
	s7 =	sadd.s32 $0x27AE200, s1  }
0x21: {  	s8 =	simm.s32 $0x80;
	s14 =	simm.s32 $0x100;
	[dreg:$0x19] =	wrdreg s11  }
0x22: {  	s15 =	simm.s32 $0x180;
	s16 =	simm.s32 $0x200;
	[dreg:$0x1a] =	wrdreg s13  }
0x23: {  	s18 =	simm.s32 $0x280;
	s10 =	simm.s32 $0x6D00;
	[dreg:$0x1b] =	wrdreg s3  }
0x24: {  	s19 =	simm.s32 $0x300;
	s9 =	simm.s32 $0x1;
	[dreg:$0x1c] =	wrdreg s14  }
0x25: {  	s20 =	simm.s32 $0x380;
	s5 =	simm.s32 $0x5;
	[dreg:$0x1d] =	wrdreg s15  }
0x26: {  	s21 =	simm.s32 $0x400;
	s22 =	simm.s32 $0x480;
	[dreg:$0x1e] =	wrdreg s16  }
0x27: {  	s6 =	simm.s32 $0x6;
	s23 =	simm.s32 $0x500;
	[dreg:$0x1f] =	wrdreg s18  }
0x28: {  	s24 =	simm.s32 $0x580;
	s25 =	simm.s32 $0x600;
	[smem:$0x7F6] =	sst s19  }
0x29: {  	s26 =	simm.s32 $0x680;
	s0 =	ssub.s32 s0, s12;
	[smem:$0x7F7] =	sst s20  }
0x2a: {  	s3 =	simm.s32 $0x2D00;
	s12 =	simm.s32 $0x4D00;
	[smem:$0x7F8] =	sst s21  }
0x2b: {  	s11 =	simm.s32 $0x2;
	[smem:$0x7F9] =	sst s22;
	s15 =	simm.s32 $0x3  }
0x2c: {  	[smem:$0x7FA] =	sst s23;
	s13 =	simm.s32 $0x7;
	s0 =	smax.u32 s0, $0x1  }
0x2d: {  	[smem:$0x7FB] =	sst s24;
	s16 =	simm.s32 $0x4;
	p1 =	sne.s32 s0, $0x1  }
.Ltmp0:
0x2e: {  	[smem:$0x7FC] =	sst s25;
	s14 =	simm.s32 $0x8;
	(pc) =	sbr.rel @!p1 .LBB2_1-.Ltmp0, $4  }
0x2f: {  	[smem:$0x7FD] =	sst s26;
	s26 =	simm.s32 $0x880;
	s25 =	simm.s32 $0x900  }
0x30: {  	s24 =	simm.s32 $0x980;
	s23 =	simm.s32 $0xA00;
	s22 =	simm.s32 $0xA80  }
0x31: {  	s21 =	simm.s32 $0xB00;
	s20 =	simm.s32 $0xB80;
	s19 =	simm.s32 $0xC00  }
0x32: {  	s18 =	simm.s32 $0xC80;
	s1 =	sadd.s32 $0xFFFFFFFF, s0;
	s0 =	rddreg [dreg:$0x2]  }
0x33: {  	[tilespmem:s2], [sflag:$0x9] =	stream.linear.gather [hbm4b:s0+s2], $0xD00, $0x38;
	[tilespmem:$0x8D00] =	vst v63  }
0x34: {  	_ =	swait.ge [sflag:s31], $0xD00  }
0x35: {  	[sflag:s31] =	ssyncset.done $0x0  }
0x36: {  	[sflag:s31] =	ssyncadd.s32 $0xFFFFF300  }
0x37: {  	[tilespmem:s4], [sflag:$0x1] =	stream.indirect.gather [hbm4b:s7+s8], $0x40, s2, s8, $0xb8;
	[tilespmem:$0x8D00] =	vst v63  }
0x38: {  	_ = 	snop  }
0x39: {  	[tilespmem:s3], [sflag:$0x2] =	stream.indirect.gather [hbm4b:s7+s8], $0x40, s8, s8, $0xb8;
	[tilespmem:$0x8D00] =	vst v63  }
0x3a: {  	s0 =	rddreg [dreg:$0x1c]  }
0x3b: {  	[tilespmem:s12], [sflag:$0x3] =	stream.indirect.gather [hbm4b:s7+s8], $0x40, s0, s8, $0xb8;
	[tilespmem:$0x8D00] =	vst v63  }
0x3c: {  	s17 =	smov.u32 s1;
	s1 =	rddreg [dreg:$0x1d]  }
0x3d: {  	[tilespmem:s10], [sflag:$0x4] =	stream.indirect.gather [hbm4b:s7+s8], $0x40, s1, s8, $0xb8;
	[tilespmem:$0x8D00] =	vst v63  }
0x3e: {  	_ =	swait.ge [sflag:s9], $0x2000  }
0x3f: {  	[sflag:s9] =	ssyncset.done $0x0  }
0x40: {  	[sflag:s9] =	ssyncadd.s32 $0xFFFFE000  }
0x41: {  	[hbm4b:s30+s2] =	stream.linear.scatter [tilespmem:s4], [sflag:$0x5], $0x2000, $0x38;
	[tilespmem:$0x8D00] =	vst v63  }
0x42: {  	_ =	swait.ge [sflag:s5], $0x2000  }
0x43: {  	[sflag:s5] =	ssyncset.done $0x0  }
0x44: {  	s1 =	rddreg [dreg:$0x1e];
	[sflag:s5] =	ssyncadd.s32 $0xFFFFE000  }
0x45: {  	[tilespmem:s4], [sflag:$0x1] =	stream.indirect.gather [hbm4b:s7+s8], $0x40, s1, s8, $0xb8;
	[tilespmem:$0x8D00] =	vst v63  }
0x46: {  	_ =	swait.ge [sflag:s11], $0x2000  }
0x47: {  	[sflag:s11] =	ssyncset.done $0x0  }
0x48: {  	s1 =	rddreg [dreg:$0x3];
	[sflag:s11] =	ssyncadd.s32 $0xFFFFE000  }
0x49: {  	[hbm4b:s1+s2] =	stream.linear.scatter [tilespmem:s3], [sflag:$0x6], $0x2000, $0x38;
	[tilespmem:$0x8D00] =	vst v63  }
0x4a: {  	_ =	swait.ge [sflag:s6], $0x2000  }
0x4b: {  	[sflag:s6] =	ssyncset.done $0x0  }
0x4c: {  	s1 =	rddreg [dreg:$0x1f];
	[sflag:s6] =	ssyncadd.s32 $0xFFFFE000  }
0x4d: {  	[tilespmem:s3], [sflag:$0x2] =	stream.indirect.gather [hbm4b:s7+s8], $0x40, s1, s8, $0xb8;
	[tilespmem:$0x8D00] =	vst v63  }
0x4e: {  	_ =	swait.ge [sflag:s15], $0x2000  }
0x4f: {  	[sflag:s15] =	ssyncset.done $0x0  }
0x50: {  	s1 =	rddreg [dreg:$0x4];
	[sflag:s15] =	ssyncadd.s32 $0xFFFFE000  }
0x51: {  	[hbm4b:s1+s2] =	stream.linear.scatter [tilespmem:s12], [sflag:$0x7], $0x2000, $0x38;
	[tilespmem:$0x8D00] =	vst v63  }
0x52: {  	_ =	swait.ge [sflag:s13], $0x2000  }
0x53: {  	s1 =	sld [smem:$0x7F6]  }
0x54: {  	[sflag:s13] =	ssyncset.done $0x0  }
0x55: {  	[sflag:s13] =	ssyncadd.s32 $0xFFFFE000  }
0x56: {  	[tilespmem:s12], [sflag:$0x3] =	stream.indirect.gather [hbm4b:s7+s8], $0x40, s1, s8, $0xb8;
	[tilespmem:$0x8D00] =	vst v63  }
0x57: {  	_ =	swait.ge [sflag:s16], $0x2000  }
0x58: {  	[sflag:s16] =	ssyncset.done $0x0  }
0x59: {  	s1 =	rddreg [dreg:$0x5];
	[sflag:s16] =	ssyncadd.s32 $0xFFFFE000  }
0x5a: {  	[hbm4b:s1+s2] =	stream.linear.scatter [tilespmem:s10], [sflag:$0x8], $0x2000, $0x38;
	[tilespmem:$0x8D00] =	vst v63  }
0x5b: {  	_ =	swait.ge [sflag:s14], $0x2000  }
0x5c: {  	s1 =	sld [smem:$0x7F7]  }
0x5d: {  	[sflag:s14] =	ssyncset.done $0x0  }
0x5e: {  	[sflag:s14] =	ssyncadd.s32 $0xFFFFE000  }
0x5f: {  	[tilespmem:s10], [sflag:$0x4] =	stream.indirect.gather [hbm4b:s7+s8], $0x40, s1, s8, $0xb8;
	[tilespmem:$0x8D00] =	vst v63  }
0x60: {  	_ =	swait.ge [sflag:s9], $0x2000  }
0x61: {  	[sflag:s9] =	ssyncset.done $0x0  }
0x62: {  	s1 =	rddreg [dreg:$0x6];
	[sflag:s9] =	ssyncadd.s32 $0xFFFFE000  }
0x63: {  	[hbm4b:s1+s2] =	stream.linear.scatter [tilespmem:s4], [sflag:$0x5], $0x2000, $0x38;
	[tilespmem:$0x8D00] =	vst v63  }
0x64: {  	_ =	swait.ge [sflag:s5], $0x2000  }
0x65: {  	s1 =	sld [smem:$0x7F8]  }
0x66: {  	[sflag:s5] =	ssyncset.done $0x0  }
0x67: {  	[sflag:s5] =	ssyncadd.s32 $0xFFFFE000  }
0x68: {  	[tilespmem:s4], [sflag:$0x1] =	stream.indirect.gather [hbm4b:s7+s8], $0x40, s1, s8, $0xb8;
	[tilespmem:$0x8D00] =	vst v63  }
0x69: {  	_ =	swait.ge [sflag:s11], $0x2000  }
0x6a: {  	[sflag:s11] =	ssyncset.done $0x0  }
0x6b: {  	s1 =	rddreg [dreg:$0x7];
	[sflag:s11] =	ssyncadd.s32 $0xFFFFE000  }
0x6c: {  	[hbm4b:s1+s2] =	stream.linear.scatter [tilespmem:s3], [sflag:$0x6], $0x2000, $0x38;
	[tilespmem:$0x8D00] =	vst v63  }
0x6d: {  	_ =	swait.ge [sflag:s6], $0x2000  }
0x6e: {  	s1 =	sld [smem:$0x7F9]  }
0x6f: {  	[sflag:s6] =	ssyncset.done $0x0  }
0x70: {  	[sflag:s6] =	ssyncadd.s32 $0xFFFFE000  }
0x71: {  	[tilespmem:s3], [sflag:$0x2] =	stream.indirect.gather [hbm4b:s7+s8], $0x40, s1, s8, $0xb8;
	[tilespmem:$0x8D00] =	vst v63  }
0x72: {  	_ =	swait.ge [sflag:s15], $0x2000  }
0x73: {  	[sflag:s15] =	ssyncset.done $0x0  }
0x74: {  	s1 =	rddreg [dreg:$0x8];
	[sflag:s15] =	ssyncadd.s32 $0xFFFFE000  }
0x75: {  	[hbm4b:s1+s2] =	stream.linear.scatter [tilespmem:s12], [sflag:$0x7], $0x2000, $0x38;
	[tilespmem:$0x8D00] =	vst v63  }
0x76: {  	_ =	swait.ge [sflag:s13], $0x2000  }
0x77: {  	s1 =	sld [smem:$0x7FA]  }
0x78: {  	[sflag:s13] =	ssyncset.done $0x0  }
0x79: {  	[sflag:s13] =	ssyncadd.s32 $0xFFFFE000  }
0x7a: {  	[tilespmem:s12], [sflag:$0x3] =	stream.indirect.gather [hbm4b:s7+s8], $0x40, s1, s8, $0xb8;
	[tilespmem:$0x8D00] =	vst v63  }
0x7b: {  	_ =	swait.ge [sflag:s16], $0x2000  }
0x7c: {  	[sflag:s16] =	ssyncset.done $0x0  }
0x7d: {  	s1 =	rddreg [dreg:$0x9];
	[sflag:s16] =	ssyncadd.s32 $0xFFFFE000  }
0x7e: {  	[hbm4b:s1+s2] =	stream.linear.scatter [tilespmem:s10], [sflag:$0x8], $0x2000, $0x38;
	[tilespmem:$0x8D00] =	vst v63  }
0x7f: {  	_ =	swait.ge [sflag:s14], $0x2000  }
0x80: {  	s1 =	sld [smem:$0x7FB]  }
0x81: {  	[sflag:s14] =	ssyncset.done $0x0  }
0x82: {  	[sflag:s14] =	ssyncadd.s32 $0xFFFFE000  }
0x83: {  	[tilespmem:s10], [sflag:$0x4] =	stream.indirect.gather [hbm4b:s7+s8], $0x40, s1, s8, $0xb8;
	[tilespmem:$0x8D00] =	vst v63  }
0x84: {  	_ =	swait.ge [sflag:s9], $0x2000  }
0x85: {  	[sflag:s9] =	ssyncset.done $0x0  }
0x86: {  	s1 =	rddreg [dreg:$0xa];
	[sflag:s9] =	ssyncadd.s32 $0xFFFFE000  }
0x87: {  	[hbm4b:s1+s2] =	stream.linear.scatter [tilespmem:s4], [sflag:$0x5], $0x2000, $0x38;
	[tilespmem:$0x8D00] =	vst v63  }
0x88: {  	_ =	swait.ge [sflag:s5], $0x2000  }
0x89: {  	s1 =	sld [smem:$0x7FC]  }
0x8a: {  	[sflag:s5] =	ssyncset.done $0x0  }
0x8b: {  	[sflag:s5] =	ssyncadd.s32 $0xFFFFE000  }
0x8c: {  	[tilespmem:s4], [sflag:$0x1] =	stream.indirect.gather [hbm4b:s7+s8], $0x40, s1, s8, $0xb8;
	[tilespmem:$0x8D00] =	vst v63  }
0x8d: {  	_ =	swait.ge [sflag:s11], $0x2000  }
0x8e: {  	[sflag:s11] =	ssyncset.done $0x0  }
0x8f: {  	s1 =	rddreg [dreg:$0xb];
	[sflag:s11] =	ssyncadd.s32 $0xFFFFE000  }
0x90: {  	[hbm4b:s1+s2] =	stream.linear.scatter [tilespmem:s3], [sflag:$0x6], $0x2000, $0x38;
	[tilespmem:$0x8D00] =	vst v63  }
0x91: {  	_ =	swait.ge [sflag:s6], $0x2000  }
0x92: {  	s1 =	sld [smem:$0x7FD]  }
0x93: {  	[sflag:s6] =	ssyncset.done $0x0  }
0x94: {  	[sflag:s6] =	ssyncadd.s32 $0xFFFFE000  }
0x95: {  	[tilespmem:s3], [sflag:$0x2] =	stream.indirect.gather [hbm4b:s7+s8], $0x40, s1, s8, $0xb8;
	[tilespmem:$0x8D00] =	vst v63  }
0x96: {  	_ =	swait.ge [sflag:s15], $0x2000  }
0x97: {  	[sflag:s15] =	ssyncset.done $0x0  }
0x98: {  	s1 =	rddreg [dreg:$0xc];
	[sflag:s15] =	ssyncadd.s32 $0xFFFFE000  }
0x99: {  	[hbm4b:s1+s2] =	stream.linear.scatter [tilespmem:s12], [sflag:$0x7], $0x2000, $0x38;
	[tilespmem:$0x8D00] =	vst v63  }
0x9a: {  	_ =	swait.ge [sflag:s13], $0x2000  }
0x9b: {  	[sflag:s13] =	ssyncset.done $0x0  }
0x9c: {  	s1 =	simm.s32 $0x700;
	[sflag:s13] =	ssyncadd.s32 $0xFFFFE000  }
0x9d: {  	[tilespmem:s12], [sflag:$0x3] =	stream.indirect.gather [hbm4b:s7+s8], $0x40, s1, s8, $0xb8;
	[tilespmem:$0x8D00] =	vst v63  }
0x9e: {  	_ =	swait.ge [sflag:s16], $0x2000  }
0x9f: {  	[sflag:s16] =	ssyncset.done $0x0  }
0xa0: {  	s1 =	rddreg [dreg:$0xd];
	[sflag:s16] =	ssyncadd.s32 $0xFFFFE000  }
0xa1: {  	[hbm4b:s1+s2] =	stream.linear.scatter [tilespmem:s10], [sflag:$0x8], $0x2000, $0x38;
	[tilespmem:$0x8D00] =	vst v63  }
0xa2: {  	_ =	swait.ge [sflag:s14], $0x2000  }
0xa3: {  	[sflag:s14] =	ssyncset.done $0x0  }
0xa4: {  	[sflag:s14] =	ssyncadd.s32 $0xFFFFE000  }
0xa5: {  	[tilespmem:s10], [sflag:$0x4] =	stream.indirect.gather [hbm4b:s7+s8], $0x40, s29, s8, $0xb8;
	[tilespmem:$0x8D00] =	vst v63  }
0xa6: {  	_ =	swait.ge [sflag:s9], $0x2000  }
0xa7: {  	[sflag:s9] =	ssyncset.done $0x0  }
0xa8: {  	s1 =	rddreg [dreg:$0xe];
	[sflag:s9] =	ssyncadd.s32 $0xFFFFE000  }
0xa9: {  	[hbm4b:s1+s2] =	stream.linear.scatter [tilespmem:s4], [sflag:$0x5], $0x2000, $0x38;
	[tilespmem:$0x8D00] =	vst v63  }
0xaa: {  	_ =	swait.ge [sflag:s5], $0x2000  }
0xab: {  	[sflag:s5] =	ssyncset.done $0x0  }
0xac: {  	[sflag:s5] =	ssyncadd.s32 $0xFFFFE000  }
0xad: {  	[tilespmem:s4], [sflag:$0x1] =	stream.indirect.gather [hbm4b:s7+s8], $0x40, s28, s8, $0xb8;
	[tilespmem:$0x8D00] =	vst v63  }
0xae: {  	_ =	swait.ge [sflag:s11], $0x2000  }
0xaf: {  	[sflag:s11] =	ssyncset.done $0x0  }
0xb0: {  	s1 =	rddreg [dreg:$0xf];
	[sflag:s11] =	ssyncadd.s32 $0xFFFFE000  }
0xb1: {  	[hbm4b:s1+s2] =	stream.linear.scatter [tilespmem:s3], [sflag:$0x6], $0x2000, $0x38;
	[tilespmem:$0x8D00] =	vst v63  }
0xb2: {  	_ =	swait.ge [sflag:s6], $0x2000  }
0xb3: {  	[sflag:s6] =	ssyncset.done $0x0  }
0xb4: {  	[sflag:s6] =	ssyncadd.s32 $0xFFFFE000  }
0xb5: {  	[tilespmem:s3], [sflag:$0x2] =	stream.indirect.gather [hbm4b:s7+s8], $0x40, s26, s8, $0xb8;
	[tilespmem:$0x8D00] =	vst v63  }
0xb6: {  	_ =	swait.ge [sflag:s15], $0x2000  }
0xb7: {  	[sflag:s15] =	ssyncset.done $0x0  }
0xb8: {  	s1 =	rddreg [dreg:$0x10];
	[sflag:s15] =	ssyncadd.s32 $0xFFFFE000  }
0xb9: {  	[hbm4b:s1+s2] =	stream.linear.scatter [tilespmem:s12], [sflag:$0x7], $0x2000, $0x38;
	[tilespmem:$0x8D00] =	vst v63  }
0xba: {  	_ =	swait.ge [sflag:s13], $0x2000  }
0xbb: {  	[sflag:s13] =	ssyncset.done $0x0  }
0xbc: {  	[sflag:s13] =	ssyncadd.s32 $0xFFFFE000  }
0xbd: {  	[tilespmem:s12], [sflag:$0x3] =	stream.indirect.gather [hbm4b:s7+s8], $0x40, s25, s8, $0xb8;
	[tilespmem:$0x8D00] =	vst v63  }
0xbe: {  	_ =	swait.ge [sflag:s16], $0x2000  }
0xbf: {  	[sflag:s16] =	ssyncset.done $0x0  }
0xc0: {  	s1 =	rddreg [dreg:$0x11];
	[sflag:s16] =	ssyncadd.s32 $0xFFFFE000  }
0xc1: {  	[hbm4b:s1+s2] =	stream.linear.scatter [tilespmem:s10], [sflag:$0x8], $0x2000, $0x38;
	[tilespmem:$0x8D00] =	vst v63  }
0xc2: {  	_ =	swait.ge [sflag:s14], $0x2000  }
0xc3: {  	[sflag:s14] =	ssyncset.done $0x0  }
0xc4: {  	[sflag:s14] =	ssyncadd.s32 $0xFFFFE000  }
0xc5: {  	[tilespmem:s10], [sflag:$0x4] =	stream.indirect.gather [hbm4b:s7+s8], $0x40, s24, s8, $0xb8;
	[tilespmem:$0x8D00] =	vst v63  }
0xc6: {  	_ =	swait.ge [sflag:s9], $0x2000  }
0xc7: {  	[sflag:s9] =	ssyncset.done $0x0  }
0xc8: {  	s1 =	rddreg [dreg:$0x12];
	[sflag:s9] =	ssyncadd.s32 $0xFFFFE000  }
0xc9: {  	[hbm4b:s1+s2] =	stream.linear.scatter [tilespmem:s4], [sflag:$0x5], $0x2000, $0x38;
	[tilespmem:$0x8D00] =	vst v63  }
0xca: {  	_ =	swait.ge [sflag:s5], $0x2000  }
0xcb: {  	[sflag:s5] =	ssyncset.done $0x0  }
0xcc: {  	[sflag:s5] =	ssyncadd.s32 $0xFFFFE000  }
0xcd: {  	[tilespmem:s4], [sflag:$0x1] =	stream.indirect.gather [hbm4b:s7+s8], $0x40, s23, s8, $0xb8;
	[tilespmem:$0x8D00] =	vst v63  }
0xce: {  	_ =	swait.ge [sflag:s11], $0x2000  }
0xcf: {  	[sflag:s11] =	ssyncset.done $0x0  }
0xd0: {  	s1 =	rddreg [dreg:$0x13];
	[sflag:s11] =	ssyncadd.s32 $0xFFFFE000  }
0xd1: {  	[hbm4b:s1+s2] =	stream.linear.scatter [tilespmem:s3], [sflag:$0x6], $0x2000, $0x38;
	[tilespmem:$0x8D00] =	vst v63  }
0xd2: {  	_ =	swait.ge [sflag:s6], $0x2000  }
0xd3: {  	[sflag:s6] =	ssyncset.done $0x0  }
0xd4: {  	[sflag:s6] =	ssyncadd.s32 $0xFFFFE000  }
0xd5: {  	[tilespmem:s3], [sflag:$0x2] =	stream.indirect.gather [hbm4b:s7+s8], $0x40, s22, s8, $0xb8;
	[tilespmem:$0x8D00] =	vst v63  }
0xd6: {  	_ =	swait.ge [sflag:s15], $0x2000  }
0xd7: {  	[sflag:s15] =	ssyncset.done $0x0  }
0xd8: {  	s1 =	rddreg [dreg:$0x14];
	[sflag:s15] =	ssyncadd.s32 $0xFFFFE000  }
0xd9: {  	[hbm4b:s1+s2] =	stream.linear.scatter [tilespmem:s12], [sflag:$0x7], $0x2000, $0x38;
	[tilespmem:$0x8D00] =	vst v63  }
0xda: {  	_ =	swait.ge [sflag:s13], $0x2000  }
0xdb: {  	[sflag:s13] =	ssyncset.done $0x0  }
0xdc: {  	[sflag:s13] =	ssyncadd.s32 $0xFFFFE000  }
0xdd: {  	[tilespmem:s12], [sflag:$0x3] =	stream.indirect.gather [hbm4b:s7+s8], $0x40, s21, s8, $0xb8;
	[tilespmem:$0x8D00] =	vst v63  }
0xde: {  	_ =	swait.ge [sflag:s16], $0x2000  }
0xdf: {  	[sflag:s16] =	ssyncset.done $0x0  }
0xe0: {  	s1 =	rddreg [dreg:$0x15];
	[sflag:s16] =	ssyncadd.s32 $0xFFFFE000  }
0xe1: {  	[hbm4b:s1+s2] =	stream.linear.scatter [tilespmem:s10], [sflag:$0x8], $0x2000, $0x38;
	[tilespmem:$0x8D00] =	vst v63  }
0xe2: {  	_ =	swait.ge [sflag:s14], $0x2000  }
0xe3: {  	[sflag:s14] =	ssyncset.done $0x0  }
0xe4: {  	[sflag:s14] =	ssyncadd.s32 $0xFFFFE000  }
0xe5: {  	[tilespmem:s10], [sflag:$0x4] =	stream.indirect.gather [hbm4b:s7+s8], $0x40, s20, s8, $0xb8;
	[tilespmem:$0x8D00] =	vst v63  }
0xe6: {  	_ =	swait.ge [sflag:s9], $0x2000  }
0xe7: {  	[sflag:s9] =	ssyncset.done $0x0  }
0xe8: {  	s1 =	rddreg [dreg:$0x16];
	[sflag:s9] =	ssyncadd.s32 $0xFFFFE000  }
0xe9: {  	[hbm4b:s1+s2] =	stream.linear.scatter [tilespmem:s4], [sflag:$0x5], $0x2000, $0x38;
	[tilespmem:$0x8D00] =	vst v63  }
0xea: {  	_ =	swait.ge [sflag:s5], $0x2000  }
0xeb: {  	[sflag:s5] =	ssyncset.done $0x0  }
0xec: {  	[sflag:s5] =	ssyncadd.s32 $0xFFFFE000  }
0xed: {  	[tilespmem:s4], [sflag:$0x1] =	stream.indirect.gather [hbm4b:s7+s8], $0x40, s19, s8, $0xb8;
	[tilespmem:$0x8D00] =	vst v63  }
0xee: {  	_ =	swait.ge [sflag:s11], $0x2000  }
0xef: {  	[sflag:s11] =	ssyncset.done $0x0  }
0xf0: {  	s1 =	rddreg [dreg:$0x17];
	[sflag:s11] =	ssyncadd.s32 $0xFFFFE000  }
0xf1: {  	[hbm4b:s1+s2] =	stream.linear.scatter [tilespmem:s3], [sflag:$0x6], $0x2000, $0x38;
	[tilespmem:$0x8D00] =	vst v63  }
0xf2: {  	_ =	swait.ge [sflag:s6], $0x2000  }
0xf3: {  	[sflag:s6] =	ssyncset.done $0x0  }
0xf4: {  	[sflag:s6] =	ssyncadd.s32 $0xFFFFE000  }
0xf5: {  	[tilespmem:s3], [sflag:$0x2] =	stream.indirect.gather [hbm4b:s7+s8], $0x40, s18, s8, $0xb8;
	[tilespmem:$0x8D00] =	vst v63  }
0xf6: {  	_ =	swait.ge [sflag:s15], $0x2000  }
0xf7: {  	[sflag:s15] =	ssyncset.done $0x0  }
0xf8: {  	s1 =	rddreg [dreg:$0x18];
	[sflag:s15] =	ssyncadd.s32 $0xFFFFE000  }
0xf9: {  	[hbm4b:s1+s2] =	stream.linear.scatter [tilespmem:s12], [sflag:$0x7], $0x2000, $0x38;
	[tilespmem:$0x8D00] =	vst v63  }
0xfa: {  	_ =	swait.ge [sflag:s16], $0x2000  }
0xfb: {  	[sflag:s16] =	ssyncset.done $0x0  }
0xfc: {  	s1 =	rddreg [dreg:$0x19];
	[sflag:s16] =	ssyncadd.s32 $0xFFFFE000  }
0xfd: {  	[hbm4b:s1+s2] =	stream.linear.scatter [tilespmem:s10], [sflag:$0x8], $0x2000, $0x38;
	[tilespmem:$0x8D00] =	vst v63  }
0xfe: {  	_ =	swait.ge [sflag:s9], $0x2000  }
0xff: {  	[sflag:s9] =	ssyncset.done $0x0  }
0x100: {  	s1 =	rddreg [dreg:$0x1a];
	[sflag:s9] =	ssyncadd.s32 $0xFFFFE000  }
0x101: {  	[hbm4b:s1+s2] =	stream.linear.scatter [tilespmem:s4], [sflag:$0x5], $0x2000, $0x38;
	[tilespmem:$0x8D00] =	vst v63  }
0x102: {  	_ =	swait.ge [sflag:s11], $0x2000  }
0x103: {  	[sflag:s11] =	ssyncset.done $0x0  }
0x104: {  	s1 =	rddreg [dreg:$0x1b];
	[sflag:s11] =	ssyncadd.s32 $0xFFFFE000  }
0x105: {  	[hbm4b:s1+s2] =	stream.linear.scatter [tilespmem:s3], [sflag:$0x6], $0x2000, $0x38;
	[tilespmem:$0x8D00] =	vst v63  }
0x106: {  	_ =	swait.ge [sflag:s13], $0x2000  }
0x107: {  	[sflag:s13] =	ssyncset.done $0x0  }
0x108: {  	[sflag:s13] =	ssyncadd.s32 $0xFFFFE000  }
0x109: {  	_ =	swait.ge [sflag:s14], $0x2000  }
0x10a: {  	[sflag:s14] =	ssyncset.done $0x0  }
0x10b: {  	p1 =	sne.s32 s17, $0x1;
	[sflag:s14] =	ssyncadd.s32 $0xFFFFE000  }
.Ltmp1:
0x10c: {  	_ =	swait.ge [sflag:s5], $0x2000;
	(pc) =	sbr.rel @!p1 .LBB2_3-.Ltmp1, $4  }
0x10d: {  	[sflag:s5] =	ssyncset.done $0x0  }
0x10e: {  	[sflag:s5] =	ssyncadd.s32 $0xFFFFE000  }
0x10f: {  	p0 =	por $0x1, $0x1;
	_ =	swait.ge [sflag:s6], $0x2000  }
0x110: {  	s1 =	sadd.s32 $0xFFFFFFFF, s17;
	s0 =	rddreg [dreg:$0x2];
	[sflag:s6] =	ssyncset.done $0x0  }
.LBB2_4:
0x111: {  	[sflag:s6] =	ssyncadd.s32 $0xFFFFE000  }
0x112: {  	[tilespmem:s2], [sflag:$0x9] =	stream.linear.gather [hbm4b:s0+s2], $0xD00, $0x38;
	[tilespmem:$0x8D00] =	vst v63  }
0x113: {  	_ =	swait.ge [sflag:s31], $0xD00  }
0x114: {  	[sflag:s31] =	ssyncset.done $0x0  }
0x115: {  	[sflag:s31] =	ssyncadd.s32 $0xFFFFF300  }
0x116: {  	[tilespmem:s4], [sflag:$0x1] =	stream.indirect.gather [hbm4b:s7+s8], $0x40, s2, s8, $0xb8;
	[tilespmem:$0x8D00] =	vst v63  }
0x117: {  	_ = 	snop  }
0x118: {  	[tilespmem:s3], [sflag:$0x2] =	stream.indirect.gather [hbm4b:s7+s8], $0x40, s8, s8, $0xb8;
	[tilespmem:$0x8D00] =	vst v63  }
0x119: {  	s0 =	rddreg [dreg:$0x1c]  }
0x11a: {  	[tilespmem:s12], [sflag:$0x3] =	stream.indirect.gather [hbm4b:s7+s8], $0x40, s0, s8, $0xb8;
	[tilespmem:$0x8D00] =	vst v63  }
0x11b: {  	s17 =	rddreg [dreg:$0x1d]  }
0x11c: {  	[tilespmem:s10], [sflag:$0x4] =	stream.indirect.gather [hbm4b:s7+s8], $0x40, s17, s8, $0xb8;
	[tilespmem:$0x8D00] =	vst v63  }
0x11d: {  	_ =	swait.ge [sflag:s9], $0x2000  }
0x11e: {  	[sflag:s9] =	ssyncset.done $0x0  }
0x11f: {  	[sflag:s9] =	ssyncadd.s32 $0xFFFFE000  }
0x120: {  	[hbm4b:s30+s2] =	stream.linear.scatter [tilespmem:s4], [sflag:$0x5], $0x2000, $0x38;
	[tilespmem:$0x8D00] =	vst v63  }
0x121: {  	_ =	swait.ge [sflag:s5], $0x2000  }
0x122: {  	[sflag:s5] =	ssyncset.done $0x0  }
0x123: {  	s17 =	rddreg [dreg:$0x1e];
	[sflag:s5] =	ssyncadd.s32 $0xFFFFE000  }
0x124: {  	[tilespmem:s4], [sflag:$0x1] =	stream.indirect.gather [hbm4b:s7+s8], $0x40, s17, s8, $0xb8;
	[tilespmem:$0x8D00] =	vst v63  }
0x125: {  	_ =	swait.ge [sflag:s11], $0x2000  }
0x126: {  	[sflag:s11] =	ssyncset.done $0x0  }
0x127: {  	s17 =	rddreg [dreg:$0x3];
	[sflag:s11] =	ssyncadd.s32 $0xFFFFE000  }
0x128: {  	[hbm4b:s17+s2] =	stream.linear.scatter [tilespmem:s3], [sflag:$0x6], $0x2000, $0x38;
	[tilespmem:$0x8D00] =	vst v63  }
0x129: {  	_ =	swait.ge [sflag:s6], $0x2000  }
0x12a: {  	[sflag:s6] =	ssyncset.done $0x0  }
0x12b: {  	s17 =	rddreg [dreg:$0x1f];
	[sflag:s6] =	ssyncadd.s32 $0xFFFFE000  }
0x12c: {  	[tilespmem:s3], [sflag:$0x2] =	stream.indirect.gather [hbm4b:s7+s8], $0x40, s17, s8, $0xb8;
	[tilespmem:$0x8D00] =	vst v63  }
0x12d: {  	_ =	swait.ge [sflag:s15], $0x2000  }
0x12e: {  	[sflag:s15] =	ssyncset.done $0x0  }
0x12f: {  	s17 =	rddreg [dreg:$0x4];
	[sflag:s15] =	ssyncadd.s32 $0xFFFFE000  }
0x130: {  	[hbm4b:s17+s2] =	stream.linear.scatter [tilespmem:s12], [sflag:$0x7], $0x2000, $0x38;
	[tilespmem:$0x8D00] =	vst v63  }
0x131: {  	_ =	swait.ge [sflag:s13], $0x2000  }
0x132: {  	s17 =	sld [smem:$0x7F6]  }
0x133: {  	[sflag:s13] =	ssyncset.done $0x0  }
0x134: {  	[sflag:s13] =	ssyncadd.s32 $0xFFFFE000  }
0x135: {  	[tilespmem:s12], [sflag:$0x3] =	stream.indirect.gather [hbm4b:s7+s8], $0x40, s17, s8, $0xb8;
	[tilespmem:$0x8D00] =	vst v63  }
0x136: {  	_ =	swait.ge [sflag:s16], $0x2000  }
0x137: {  	[sflag:s16] =	ssyncset.done $0x0  }
0x138: {  	s17 =	rddreg [dreg:$0x5];
	[sflag:s16] =	ssyncadd.s32 $0xFFFFE000  }
0x139: {  	[hbm4b:s17+s2] =	stream.linear.scatter [tilespmem:s10], [sflag:$0x8], $0x2000, $0x38;
	[tilespmem:$0x8D00] =	vst v63  }
0x13a: {  	_ =	swait.ge [sflag:s14], $0x2000  }
0x13b: {  	s17 =	sld [smem:$0x7F7]  }
0x13c: {  	[sflag:s14] =	ssyncset.done $0x0  }
0x13d: {  	[sflag:s14] =	ssyncadd.s32 $0xFFFFE000  }
0x13e: {  	[tilespmem:s10], [sflag:$0x4] =	stream.indirect.gather [hbm4b:s7+s8], $0x40, s17, s8, $0xb8;
	[tilespmem:$0x8D00] =	vst v63  }
0x13f: {  	_ =	swait.ge [sflag:s9], $0x2000  }
0x140: {  	[sflag:s9] =	ssyncset.done $0x0  }
0x141: {  	s17 =	rddreg [dreg:$0x6];
	[sflag:s9] =	ssyncadd.s32 $0xFFFFE000  }
0x142: {  	[hbm4b:s17+s2] =	stream.linear.scatter [tilespmem:s4], [sflag:$0x5], $0x2000, $0x38;
	[tilespmem:$0x8D00] =	vst v63  }
0x143: {  	_ =	swait.ge [sflag:s5], $0x2000  }
0x144: {  	s17 =	sld [smem:$0x7F8]  }
0x145: {  	[sflag:s5] =	ssyncset.done $0x0  }
0x146: {  	[sflag:s5] =	ssyncadd.s32 $0xFFFFE000  }
0x147: {  	[tilespmem:s4], [sflag:$0x1] =	stream.indirect.gather [hbm4b:s7+s8], $0x40, s17, s8, $0xb8;
	[tilespmem:$0x8D00] =	vst v63  }
0x148: {  	_ =	swait.ge [sflag:s11], $0x2000  }
0x149: {  	[sflag:s11] =	ssyncset.done $0x0  }
0x14a: {  	s17 =	rddreg [dreg:$0x7];
	[sflag:s11] =	ssyncadd.s32 $0xFFFFE000  }
0x14b: {  	[hbm4b:s17+s2] =	stream.linear.scatter [tilespmem:s3], [sflag:$0x6], $0x2000, $0x38;
	[tilespmem:$0x8D00] =	vst v63  }
0x14c: {  	_ =	swait.ge [sflag:s6], $0x2000  }
0x14d: {  	s17 =	sld [smem:$0x7F9]  }
0x14e: {  	[sflag:s6] =	ssyncset.done $0x0  }
0x14f: {  	[sflag:s6] =	ssyncadd.s32 $0xFFFFE000  }
0x150: {  	[tilespmem:s3], [sflag:$0x2] =	stream.indirect.gather [hbm4b:s7+s8], $0x40, s17, s8, $0xb8;
	[tilespmem:$0x8D00] =	vst v63  }
0x151: {  	_ =	swait.ge [sflag:s15], $0x2000  }
0x152: {  	[sflag:s15] =	ssyncset.done $0x0  }
0x153: {  	s17 =	rddreg [dreg:$0x8];
	[sflag:s15] =	ssyncadd.s32 $0xFFFFE000  }
0x154: {  	[hbm4b:s17+s2] =	stream.linear.scatter [tilespmem:s12], [sflag:$0x7], $0x2000, $0x38;
	[tilespmem:$0x8D00] =	vst v63  }
0x155: {  	_ =	swait.ge [sflag:s13], $0x2000  }
0x156: {  	s17 =	sld [smem:$0x7FA]  }
0x157: {  	[sflag:s13] =	ssyncset.done $0x0  }
0x158: {  	[sflag:s13] =	ssyncadd.s32 $0xFFFFE000  }
0x159: {  	[tilespmem:s12], [sflag:$0x3] =	stream.indirect.gather [hbm4b:s7+s8], $0x40, s17, s8, $0xb8;
	[tilespmem:$0x8D00] =	vst v63  }
0x15a: {  	_ =	swait.ge [sflag:s16], $0x2000  }
0x15b: {  	[sflag:s16] =	ssyncset.done $0x0  }
0x15c: {  	s17 =	rddreg [dreg:$0x9];
	[sflag:s16] =	ssyncadd.s32 $0xFFFFE000  }
0x15d: {  	[hbm4b:s17+s2] =	stream.linear.scatter [tilespmem:s10], [sflag:$0x8], $0x2000, $0x38;
	[tilespmem:$0x8D00] =	vst v63  }
0x15e: {  	_ =	swait.ge [sflag:s14], $0x2000  }
0x15f: {  	s17 =	sld [smem:$0x7FB]  }
0x160: {  	[sflag:s14] =	ssyncset.done $0x0  }
0x161: {  	[sflag:s14] =	ssyncadd.s32 $0xFFFFE000  }
0x162: {  	[tilespmem:s10], [sflag:$0x4] =	stream.indirect.gather [hbm4b:s7+s8], $0x40, s17, s8, $0xb8;
	[tilespmem:$0x8D00] =	vst v63  }
0x163: {  	_ =	swait.ge [sflag:s9], $0x2000  }
0x164: {  	[sflag:s9] =	ssyncset.done $0x0  }
0x165: {  	s17 =	rddreg [dreg:$0xa];
	[sflag:s9] =	ssyncadd.s32 $0xFFFFE000  }
0x166: {  	[hbm4b:s17+s2] =	stream.linear.scatter [tilespmem:s4], [sflag:$0x5], $0x2000, $0x38;
	[tilespmem:$0x8D00] =	vst v63  }
0x167: {  	_ =	swait.ge [sflag:s5], $0x2000  }
0x168: {  	s17 =	sld [smem:$0x7FC]  }
0x169: {  	[sflag:s5] =	ssyncset.done $0x0  }
0x16a: {  	[sflag:s5] =	ssyncadd.s32 $0xFFFFE000  }
0x16b: {  	[tilespmem:s4], [sflag:$0x1] =	stream.indirect.gather [hbm4b:s7+s8], $0x40, s17, s8, $0xb8;
	[tilespmem:$0x8D00] =	vst v63  }
0x16c: {  	_ =	swait.ge [sflag:s11], $0x2000  }
0x16d: {  	[sflag:s11] =	ssyncset.done $0x0  }
0x16e: {  	s17 =	rddreg [dreg:$0xb];
	[sflag:s11] =	ssyncadd.s32 $0xFFFFE000  }
0x16f: {  	[hbm4b:s17+s2] =	stream.linear.scatter [tilespmem:s3], [sflag:$0x6], $0x2000, $0x38;
	[tilespmem:$0x8D00] =	vst v63  }
0x170: {  	_ =	swait.ge [sflag:s6], $0x2000  }
0x171: {  	s17 =	sld [smem:$0x7FD]  }
0x172: {  	[sflag:s6] =	ssyncset.done $0x0  }
0x173: {  	[sflag:s6] =	ssyncadd.s32 $0xFFFFE000  }
0x174: {  	[tilespmem:s3], [sflag:$0x2] =	stream.indirect.gather [hbm4b:s7+s8], $0x40, s17, s8, $0xb8;
	[tilespmem:$0x8D00] =	vst v63  }
0x175: {  	_ =	swait.ge [sflag:s15], $0x2000  }
0x176: {  	[sflag:s15] =	ssyncset.done $0x0  }
0x177: {  	s17 =	rddreg [dreg:$0xc];
	[sflag:s15] =	ssyncadd.s32 $0xFFFFE000  }
0x178: {  	[hbm4b:s17+s2] =	stream.linear.scatter [tilespmem:s12], [sflag:$0x7], $0x2000, $0x38;
	[tilespmem:$0x8D00] =	vst v63  }
0x179: {  	_ =	swait.ge [sflag:s13], $0x2000  }
0x17a: {  	[sflag:s13] =	ssyncset.done $0x0  }
0x17b: {  	s17 =	simm.s32 $0x700;
	[sflag:s13] =	ssyncadd.s32 $0xFFFFE000  }
0x17c: {  	[tilespmem:s12], [sflag:$0x3] =	stream.indirect.gather [hbm4b:s7+s8], $0x40, s17, s8, $0xb8;
	[tilespmem:$0x8D00] =	vst v63  }
0x17d: {  	_ =	swait.ge [sflag:s16], $0x2000  }
0x17e: {  	[sflag:s16] =	ssyncset.done $0x0  }
0x17f: {  	s17 =	rddreg [dreg:$0xd];
	[sflag:s16] =	ssyncadd.s32 $0xFFFFE000  }
0x180: {  	[hbm4b:s17+s2] =	stream.linear.scatter [tilespmem:s10], [sflag:$0x8], $0x2000, $0x38;
	[tilespmem:$0x8D00] =	vst v63  }
0x181: {  	_ =	swait.ge [sflag:s14], $0x2000  }
0x182: {  	[sflag:s14] =	ssyncset.done $0x0  }
0x183: {  	[sflag:s14] =	ssyncadd.s32 $0xFFFFE000  }
0x184: {  	[tilespmem:s10], [sflag:$0x4] =	stream.indirect.gather [hbm4b:s7+s8], $0x40, s29, s8, $0xb8;
	[tilespmem:$0x8D00] =	vst v63  }
0x185: {  	_ =	swait.ge [sflag:s9], $0x2000  }
0x186: {  	[sflag:s9] =	ssyncset.done $0x0  }
0x187: {  	s17 =	rddreg [dreg:$0xe];
	[sflag:s9] =	ssyncadd.s32 $0xFFFFE000  }
0x188: {  	[hbm4b:s17+s2] =	stream.linear.scatter [tilespmem:s4], [sflag:$0x5], $0x2000, $0x38;
	[tilespmem:$0x8D00] =	vst v63  }
0x189: {  	_ =	swait.ge [sflag:s5], $0x2000  }
0x18a: {  	[sflag:s5] =	ssyncset.done $0x0  }
0x18b: {  	[sflag:s5] =	ssyncadd.s32 $0xFFFFE000  }
0x18c: {  	[tilespmem:s4], [sflag:$0x1] =	stream.indirect.gather [hbm4b:s7+s8], $0x40, s28, s8, $0xb8;
	[tilespmem:$0x8D00] =	vst v63  }
0x18d: {  	_ =	swait.ge [sflag:s11], $0x2000  }
0x18e: {  	[sflag:s11] =	ssyncset.done $0x0  }
0x18f: {  	s17 =	rddreg [dreg:$0xf];
	[sflag:s11] =	ssyncadd.s32 $0xFFFFE000  }
0x190: {  	[hbm4b:s17+s2] =	stream.linear.scatter [tilespmem:s3], [sflag:$0x6], $0x2000, $0x38;
	[tilespmem:$0x8D00] =	vst v63  }
0x191: {  	_ =	swait.ge [sflag:s6], $0x2000  }
0x192: {  	[sflag:s6] =	ssyncset.done $0x0  }
0x193: {  	[sflag:s6] =	ssyncadd.s32 $0xFFFFE000  }
0x194: {  	[tilespmem:s3], [sflag:$0x2] =	stream.indirect.gather [hbm4b:s7+s8], $0x40, s26, s8, $0xb8;
	[tilespmem:$0x8D00] =	vst v63  }
0x195: {  	_ =	swait.ge [sflag:s15], $0x2000  }
0x196: {  	[sflag:s15] =	ssyncset.done $0x0  }
0x197: {  	s17 =	rddreg [dreg:$0x10];
	[sflag:s15] =	ssyncadd.s32 $0xFFFFE000  }
0x198: {  	[hbm4b:s17+s2] =	stream.linear.scatter [tilespmem:s12], [sflag:$0x7], $0x2000, $0x38;
	[tilespmem:$0x8D00] =	vst v63  }
0x199: {  	_ =	swait.ge [sflag:s13], $0x2000  }
0x19a: {  	[sflag:s13] =	ssyncset.done $0x0  }
0x19b: {  	[sflag:s13] =	ssyncadd.s32 $0xFFFFE000  }
0x19c: {  	[tilespmem:s12], [sflag:$0x3] =	stream.indirect.gather [hbm4b:s7+s8], $0x40, s25, s8, $0xb8;
	[tilespmem:$0x8D00] =	vst v63  }
0x19d: {  	_ =	swait.ge [sflag:s16], $0x2000  }
0x19e: {  	[sflag:s16] =	ssyncset.done $0x0  }
0x19f: {  	s17 =	rddreg [dreg:$0x11];
	[sflag:s16] =	ssyncadd.s32 $0xFFFFE000  }
0x1a0: {  	[hbm4b:s17+s2] =	stream.linear.scatter [tilespmem:s10], [sflag:$0x8], $0x2000, $0x38;
	[tilespmem:$0x8D00] =	vst v63  }
0x1a1: {  	_ =	swait.ge [sflag:s14], $0x2000  }
0x1a2: {  	[sflag:s14] =	ssyncset.done $0x0  }
0x1a3: {  	[sflag:s14] =	ssyncadd.s32 $0xFFFFE000  }
0x1a4: {  	[tilespmem:s10], [sflag:$0x4] =	stream.indirect.gather [hbm4b:s7+s8], $0x40, s24, s8, $0xb8;
	[tilespmem:$0x8D00] =	vst v63  }
0x1a5: {  	_ =	swait.ge [sflag:s9], $0x2000  }
0x1a6: {  	[sflag:s9] =	ssyncset.done $0x0  }
0x1a7: {  	s17 =	rddreg [dreg:$0x12];
	[sflag:s9] =	ssyncadd.s32 $0xFFFFE000  }
0x1a8: {  	[hbm4b:s17+s2] =	stream.linear.scatter [tilespmem:s4], [sflag:$0x5], $0x2000, $0x38;
	[tilespmem:$0x8D00] =	vst v63  }
0x1a9: {  	_ =	swait.ge [sflag:s5], $0x2000  }
0x1aa: {  	[sflag:s5] =	ssyncset.done $0x0  }
0x1ab: {  	[sflag:s5] =	ssyncadd.s32 $0xFFFFE000  }
0x1ac: {  	[tilespmem:s4], [sflag:$0x1] =	stream.indirect.gather [hbm4b:s7+s8], $0x40, s23, s8, $0xb8;
	[tilespmem:$0x8D00] =	vst v63  }
0x1ad: {  	_ =	swait.ge [sflag:s11], $0x2000  }
0x1ae: {  	[sflag:s11] =	ssyncset.done $0x0  }
0x1af: {  	s17 =	rddreg [dreg:$0x13];
	[sflag:s11] =	ssyncadd.s32 $0xFFFFE000  }
0x1b0: {  	[hbm4b:s17+s2] =	stream.linear.scatter [tilespmem:s3], [sflag:$0x6], $0x2000, $0x38;
	[tilespmem:$0x8D00] =	vst v63  }
0x1b1: {  	_ =	swait.ge [sflag:s6], $0x2000  }
0x1b2: {  	[sflag:s6] =	ssyncset.done $0x0  }
0x1b3: {  	[sflag:s6] =	ssyncadd.s32 $0xFFFFE000  }
0x1b4: {  	[tilespmem:s3], [sflag:$0x2] =	stream.indirect.gather [hbm4b:s7+s8], $0x40, s22, s8, $0xb8;
	[tilespmem:$0x8D00] =	vst v63  }
0x1b5: {  	_ =	swait.ge [sflag:s15], $0x2000  }
0x1b6: {  	[sflag:s15] =	ssyncset.done $0x0  }
0x1b7: {  	s17 =	rddreg [dreg:$0x14];
	[sflag:s15] =	ssyncadd.s32 $0xFFFFE000  }
0x1b8: {  	[hbm4b:s17+s2] =	stream.linear.scatter [tilespmem:s12], [sflag:$0x7], $0x2000, $0x38;
	[tilespmem:$0x8D00] =	vst v63  }
0x1b9: {  	_ =	swait.ge [sflag:s13], $0x2000  }
0x1ba: {  	[sflag:s13] =	ssyncset.done $0x0  }
0x1bb: {  	[sflag:s13] =	ssyncadd.s32 $0xFFFFE000  }
0x1bc: {  	[tilespmem:s12], [sflag:$0x3] =	stream.indirect.gather [hbm4b:s7+s8], $0x40, s21, s8, $0xb8;
	[tilespmem:$0x8D00] =	vst v63  }
0x1bd: {  	_ =	swait.ge [sflag:s16], $0x2000  }
0x1be: {  	[sflag:s16] =	ssyncset.done $0x0  }
0x1bf: {  	s17 =	rddreg [dreg:$0x15];
	[sflag:s16] =	ssyncadd.s32 $0xFFFFE000  }
0x1c0: {  	[hbm4b:s17+s2] =	stream.linear.scatter [tilespmem:s10], [sflag:$0x8], $0x2000, $0x38;
	[tilespmem:$0x8D00] =	vst v63  }
0x1c1: {  	_ =	swait.ge [sflag:s14], $0x2000  }
0x1c2: {  	[sflag:s14] =	ssyncset.done $0x0  }
0x1c3: {  	[sflag:s14] =	ssyncadd.s32 $0xFFFFE000  }
0x1c4: {  	[tilespmem:s10], [sflag:$0x4] =	stream.indirect.gather [hbm4b:s7+s8], $0x40, s20, s8, $0xb8;
	[tilespmem:$0x8D00] =	vst v63  }
0x1c5: {  	_ =	swait.ge [sflag:s9], $0x2000  }
0x1c6: {  	[sflag:s9] =	ssyncset.done $0x0  }
0x1c7: {  	s17 =	rddreg [dreg:$0x16];
	[sflag:s9] =	ssyncadd.s32 $0xFFFFE000  }
0x1c8: {  	[hbm4b:s17+s2] =	stream.linear.scatter [tilespmem:s4], [sflag:$0x5], $0x2000, $0x38;
	[tilespmem:$0x8D00] =	vst v63  }
0x1c9: {  	_ =	swait.ge [sflag:s5], $0x2000  }
0x1ca: {  	[sflag:s5] =	ssyncset.done $0x0  }
0x1cb: {  	[sflag:s5] =	ssyncadd.s32 $0xFFFFE000  }
0x1cc: {  	[tilespmem:s4], [sflag:$0x1] =	stream.indirect.gather [hbm4b:s7+s8], $0x40, s19, s8, $0xb8;
	[tilespmem:$0x8D00] =	vst v63  }
0x1cd: {  	_ =	swait.ge [sflag:s11], $0x2000  }
0x1ce: {  	[sflag:s11] =	ssyncset.done $0x0  }
0x1cf: {  	s17 =	rddreg [dreg:$0x17];
	[sflag:s11] =	ssyncadd.s32 $0xFFFFE000  }
0x1d0: {  	[hbm4b:s17+s2] =	stream.linear.scatter [tilespmem:s3], [sflag:$0x6], $0x2000, $0x38;
	[tilespmem:$0x8D00] =	vst v63  }
0x1d1: {  	_ =	swait.ge [sflag:s6], $0x2000  }
0x1d2: {  	[sflag:s6] =	ssyncset.done $0x0  }
0x1d3: {  	[sflag:s6] =	ssyncadd.s32 $0xFFFFE000  }
0x1d4: {  	[tilespmem:s3], [sflag:$0x2] =	stream.indirect.gather [hbm4b:s7+s8], $0x40, s18, s8, $0xb8;
	[tilespmem:$0x8D00] =	vst v63  }
0x1d5: {  	_ =	swait.ge [sflag:s15], $0x2000  }
0x1d6: {  	[sflag:s15] =	ssyncset.done $0x0  }
0x1d7: {  	s17 =	rddreg [dreg:$0x18];
	[sflag:s15] =	ssyncadd.s32 $0xFFFFE000  }
0x1d8: {  	[hbm4b:s17+s2] =	stream.linear.scatter [tilespmem:s12], [sflag:$0x7], $0x2000, $0x38;
	[tilespmem:$0x8D00] =	vst v63  }
0x1d9: {  	_ =	swait.ge [sflag:s16], $0x2000  }
0x1da: {  	[sflag:s16] =	ssyncset.done $0x0  }
0x1db: {  	s17 =	rddreg [dreg:$0x19];
	[sflag:s16] =	ssyncadd.s32 $0xFFFFE000  }
0x1dc: {  	[hbm4b:s17+s2] =	stream.linear.scatter [tilespmem:s10], [sflag:$0x8], $0x2000, $0x38;
	[tilespmem:$0x8D00] =	vst v63  }
0x1dd: {  	_ =	swait.ge [sflag:s9], $0x2000  }
0x1de: {  	[sflag:s9] =	ssyncset.done $0x0  }
0x1df: {  	s17 =	rddreg [dreg:$0x1a];
	[sflag:s9] =	ssyncadd.s32 $0xFFFFE000  }
0x1e0: {  	[hbm4b:s17+s2] =	stream.linear.scatter [tilespmem:s4], [sflag:$0x5], $0x2000, $0x38;
	[tilespmem:$0x8D00] =	vst v63  }
0x1e1: {  	_ =	swait.ge [sflag:s11], $0x2000  }
0x1e2: {  	[sflag:s11] =	ssyncset.done $0x0  }
0x1e3: {  	s17 =	rddreg [dreg:$0x1b];
	[sflag:s11] =	ssyncadd.s32 $0xFFFFE000  }
0x1e4: {  	[hbm4b:s17+s2] =	stream.linear.scatter [tilespmem:s3], [sflag:$0x6], $0x2000, $0x38;
	[tilespmem:$0x8D00] =	vst v63  }
0x1e5: {  	_ =	swait.ge [sflag:s13], $0x2000  }
0x1e6: {  	[sflag:s13] =	ssyncset.done $0x0  }
0x1e7: {  	[sflag:s13] =	ssyncadd.s32 $0xFFFFE000  }
0x1e8: {  	_ =	swait.ge [sflag:s14], $0x2000  }
0x1e9: {  	[sflag:s14] =	ssyncset.done $0x0  }
0x1ea: {  	p1 =	sne.s32 s1, $0x1;
	[sflag:s14] =	ssyncadd.s32 $0xFFFFE000  }
.Ltmp2:
0x1eb: {  	_ =	swait.ge [sflag:s5], $0x2000;
	(pc) =	sbr.rel @p1 .LBB2_4-.Ltmp2, $4  }
0x1ec: {  	[sflag:s5] =	ssyncset.done $0x0  }
0x1ed: {  	[sflag:s5] =	ssyncadd.s32 $0xFFFFE000  }
0x1ee: {  	_ =	swait.ge [sflag:s6], $0x2000  }
0x1ef: {  	s1 =	sadd.s32 $0xFFFFFFFF, s1;
	s0 =	rddreg [dreg:$0x2];
	[sflag:s6] =	ssyncset.done $0x0  }
0x1f0: {  	s18 =	simm.s32 $0x700;
	s29 =	simm.s32 $0x780;
	s28 =	simm.s32 $0x800  }
0x1f1: {  	s26 =	simm.s32 $0x880;
	s25 =	simm.s32 $0x900;
	s24 =	simm.s32 $0x980  }
0x1f2: {  	s23 =	simm.s32 $0xA00;
	s22 =	simm.s32 $0xA80;
	s21 =	simm.s32 $0xB00  }
0x1f3: {  	s20 =	simm.s32 $0xB80;
	s19 =	simm.s32 $0xC00;
	s17 =	stileid.u32  }
.LBB2_6:
0x1f4: {  	[sflag:s6] =	ssyncadd.s32 @p0 $0xFFFFE000  }
0x1f5: {  	[tilespmem:s2], [sflag:$0x9] =	stream.linear.gather [hbm4b:s0+s2], $0xD00, $0x38;
	[tilespmem:$0x8D00] =	vst v63  }
0x1f6: {  	_ =	swait.ge [sflag:s31], $0xD00  }
0x1f7: {  	[sflag:s31] =	ssyncset.done $0x0  }
0x1f8: {  	[sflag:s31] =	ssyncadd.s32 $0xFFFFF300  }
0x1f9: {  	[tilespmem:s4], [sflag:$0x1] =	stream.indirect.gather [hbm4b:s7+s8], $0x40, s2, s8, $0xb8;
	[tilespmem:$0x8D00] =	vst v63  }
0x1fa: {  	_ = 	snop  }
0x1fb: {  	[tilespmem:s3], [sflag:$0x2] =	stream.indirect.gather [hbm4b:s7+s8], $0x40, s8, s8, $0xb8;
	[tilespmem:$0x8D00] =	vst v63  }
0x1fc: {  	s31 =	rddreg [dreg:$0x1c]  }
0x1fd: {  	[tilespmem:s12], [sflag:$0x3] =	stream.indirect.gather [hbm4b:s7+s8], $0x40, s31, s8, $0xb8;
	[tilespmem:$0x8D00] =	vst v63  }
0x1fe: {  	s1 =	rddreg [dreg:$0x1d]  }
0x1ff: {  	[tilespmem:s10], [sflag:$0x4] =	stream.indirect.gather [hbm4b:s7+s8], $0x40, s1, s8, $0xb8;
	[tilespmem:$0x8D00] =	vst v63  }
0x200: {  	_ =	swait.ge [sflag:s9], $0x2000  }
0x201: {  	[sflag:s9] =	ssyncset.done $0x0  }
0x202: {  	[sflag:s9] =	ssyncadd.s32 $0xFFFFE000  }
0x203: {  	[hbm4b:s30+s2] =	stream.linear.scatter [tilespmem:s4], [sflag:$0x5], $0x2000, $0x38;
	[tilespmem:$0x8D00] =	vst v63  }
0x204: {  	_ =	swait.ge [sflag:s5], $0x2000  }
0x205: {  	[sflag:s5] =	ssyncset.done $0x0  }
0x206: {  	s30 =	rddreg [dreg:$0x1e];
	[sflag:s5] =	ssyncadd.s32 $0xFFFFE000  }
0x207: {  	[tilespmem:s4], [sflag:$0x1] =	stream.indirect.gather [hbm4b:s7+s8], $0x40, s30, s8, $0xb8;
	[tilespmem:$0x8D00] =	vst v63  }
0x208: {  	_ =	swait.ge [sflag:s11], $0x2000  }
0x209: {  	[sflag:s11] =	ssyncset.done $0x0  }
0x20a: {  	s31 =	rddreg [dreg:$0x3];
	[sflag:s11] =	ssyncadd.s32 $0xFFFFE000  }
0x20b: {  	[hbm4b:s31+s2] =	stream.linear.scatter [tilespmem:s3], [sflag:$0x6], $0x2000, $0x38;
	[tilespmem:$0x8D00] =	vst v63  }
0x20c: {  	_ =	swait.ge [sflag:s6], $0x2000  }
0x20d: {  	[sflag:s6] =	ssyncset.done $0x0  }
0x20e: {  	s1 =	rddreg [dreg:$0x1f];
	[sflag:s6] =	ssyncadd.s32 $0xFFFFE000  }
0x20f: {  	[tilespmem:s3], [sflag:$0x2] =	stream.indirect.gather [hbm4b:s7+s8], $0x40, s1, s8, $0xb8;
	[tilespmem:$0x8D00] =	vst v63  }
0x210: {  	_ =	swait.ge [sflag:s15], $0x2000  }
0x211: {  	[sflag:s15] =	ssyncset.done $0x0  }
0x212: {  	s30 =	rddreg [dreg:$0x4];
	[sflag:s15] =	ssyncadd.s32 $0xFFFFE000  }
0x213: {  	[hbm4b:s30+s2] =	stream.linear.scatter [tilespmem:s12], [sflag:$0x7], $0x2000, $0x38;
	[tilespmem:$0x8D00] =	vst v63  }
0x214: {  	_ =	swait.ge [sflag:s13], $0x2000  }
0x215: {  	s31 =	sld [smem:$0x7F6]  }
0x216: {  	[sflag:s13] =	ssyncset.done $0x0  }
0x217: {  	[sflag:s13] =	ssyncadd.s32 $0xFFFFE000  }
0x218: {  	[tilespmem:s12], [sflag:$0x3] =	stream.indirect.gather [hbm4b:s7+s8], $0x40, s31, s8, $0xb8;
	[tilespmem:$0x8D00] =	vst v63  }
0x219: {  	_ =	swait.ge [sflag:s16], $0x2000  }
0x21a: {  	[sflag:s16] =	ssyncset.done $0x0  }
0x21b: {  	s1 =	rddreg [dreg:$0x5];
	[sflag:s16] =	ssyncadd.s32 $0xFFFFE000  }
0x21c: {  	[hbm4b:s1+s2] =	stream.linear.scatter [tilespmem:s10], [sflag:$0x8], $0x2000, $0x38;
	[tilespmem:$0x8D00] =	vst v63  }
0x21d: {  	_ =	swait.ge [sflag:s14], $0x2000  }
0x21e: {  	s30 =	sld [smem:$0x7F7]  }
0x21f: {  	[sflag:s14] =	ssyncset.done $0x0  }
0x220: {  	[sflag:s14] =	ssyncadd.s32 $0xFFFFE000  }
0x221: {  	[tilespmem:s10], [sflag:$0x4] =	stream.indirect.gather [hbm4b:s7+s8], $0x40, s30, s8, $0xb8;
	[tilespmem:$0x8D00] =	vst v63  }
0x222: {  	_ =	swait.ge [sflag:s9], $0x2000  }
0x223: {  	[sflag:s9] =	ssyncset.done $0x0  }
0x224: {  	s31 =	rddreg [dreg:$0x6];
	[sflag:s9] =	ssyncadd.s32 $0xFFFFE000  }
0x225: {  	[hbm4b:s31+s2] =	stream.linear.scatter [tilespmem:s4], [sflag:$0x5], $0x2000, $0x38;
	[tilespmem:$0x8D00] =	vst v63  }
0x226: {  	_ =	swait.ge [sflag:s5], $0x2000  }
0x227: {  	s1 =	sld [smem:$0x7F8]  }
0x228: {  	[sflag:s5] =	ssyncset.done $0x0  }
0x229: {  	[sflag:s5] =	ssyncadd.s32 $0xFFFFE000  }
0x22a: {  	[tilespmem:s4], [sflag:$0x1] =	stream.indirect.gather [hbm4b:s7+s8], $0x40, s1, s8, $0xb8;
	[tilespmem:$0x8D00] =	vst v63  }
0x22b: {  	_ =	swait.ge [sflag:s11], $0x2000  }
0x22c: {  	[sflag:s11] =	ssyncset.done $0x0  }
0x22d: {  	s30 =	rddreg [dreg:$0x7];
	[sflag:s11] =	ssyncadd.s32 $0xFFFFE000  }
0x22e: {  	[hbm4b:s30+s2] =	stream.linear.scatter [tilespmem:s3], [sflag:$0x6], $0x2000, $0x38;
	[tilespmem:$0x8D00] =	vst v63  }
0x22f: {  	_ =	swait.ge [sflag:s6], $0x2000  }
0x230: {  	s31 =	sld [smem:$0x7F9]  }
0x231: {  	[sflag:s6] =	ssyncset.done $0x0  }
0x232: {  	[sflag:s6] =	ssyncadd.s32 $0xFFFFE000  }
0x233: {  	[tilespmem:s3], [sflag:$0x2] =	stream.indirect.gather [hbm4b:s7+s8], $0x40, s31, s8, $0xb8;
	[tilespmem:$0x8D00] =	vst v63  }
0x234: {  	_ =	swait.ge [sflag:s15], $0x2000  }
0x235: {  	[sflag:s15] =	ssyncset.done $0x0  }
0x236: {  	s1 =	rddreg [dreg:$0x8];
	[sflag:s15] =	ssyncadd.s32 $0xFFFFE000  }
0x237: {  	[hbm4b:s1+s2] =	stream.linear.scatter [tilespmem:s12], [sflag:$0x7], $0x2000, $0x38;
	[tilespmem:$0x8D00] =	vst v63  }
0x238: {  	_ =	swait.ge [sflag:s13], $0x2000  }
0x239: {  	s30 =	sld [smem:$0x7FA]  }
0x23a: {  	[sflag:s13] =	ssyncset.done $0x0  }
0x23b: {  	[sflag:s13] =	ssyncadd.s32 $0xFFFFE000  }
0x23c: {  	[tilespmem:s12], [sflag:$0x3] =	stream.indirect.gather [hbm4b:s7+s8], $0x40, s30, s8, $0xb8;
	[tilespmem:$0x8D00] =	vst v63  }
0x23d: {  	_ =	swait.ge [sflag:s16], $0x2000  }
0x23e: {  	[sflag:s16] =	ssyncset.done $0x0  }
0x23f: {  	s31 =	rddreg [dreg:$0x9];
	[sflag:s16] =	ssyncadd.s32 $0xFFFFE000  }
0x240: {  	[hbm4b:s31+s2] =	stream.linear.scatter [tilespmem:s10], [sflag:$0x8], $0x2000, $0x38;
	[tilespmem:$0x8D00] =	vst v63  }
0x241: {  	_ =	swait.ge [sflag:s14], $0x2000  }
0x242: {  	s1 =	sld [smem:$0x7FB]  }
0x243: {  	[sflag:s14] =	ssyncset.done $0x0  }
0x244: {  	[sflag:s14] =	ssyncadd.s32 $0xFFFFE000  }
0x245: {  	[tilespmem:s10], [sflag:$0x4] =	stream.indirect.gather [hbm4b:s7+s8], $0x40, s1, s8, $0xb8;
	[tilespmem:$0x8D00] =	vst v63  }
0x246: {  	_ =	swait.ge [sflag:s9], $0x2000  }
0x247: {  	[sflag:s9] =	ssyncset.done $0x0  }
0x248: {  	s30 =	rddreg [dreg:$0xa];
	[sflag:s9] =	ssyncadd.s32 $0xFFFFE000  }
0x249: {  	[hbm4b:s30+s2] =	stream.linear.scatter [tilespmem:s4], [sflag:$0x5], $0x2000, $0x38;
	[tilespmem:$0x8D00] =	vst v63  }
0x24a: {  	_ =	swait.ge [sflag:s5], $0x2000  }
0x24b: {  	s31 =	sld [smem:$0x7FC]  }
0x24c: {  	[sflag:s5] =	ssyncset.done $0x0  }
0x24d: {  	[sflag:s5] =	ssyncadd.s32 $0xFFFFE000  }
0x24e: {  	[tilespmem:s4], [sflag:$0x1] =	stream.indirect.gather [hbm4b:s7+s8], $0x40, s31, s8, $0xb8;
	[tilespmem:$0x8D00] =	vst v63  }
0x24f: {  	_ =	swait.ge [sflag:s11], $0x2000  }
0x250: {  	[sflag:s11] =	ssyncset.done $0x0  }
0x251: {  	s1 =	rddreg [dreg:$0xb];
	[sflag:s11] =	ssyncadd.s32 $0xFFFFE000  }
0x252: {  	[hbm4b:s1+s2] =	stream.linear.scatter [tilespmem:s3], [sflag:$0x6], $0x2000, $0x38;
	[tilespmem:$0x8D00] =	vst v63  }
0x253: {  	_ =	swait.ge [sflag:s6], $0x2000  }
0x254: {  	s30 =	sld [smem:$0x7FD]  }
0x255: {  	[sflag:s6] =	ssyncset.done $0x0  }
0x256: {  	[sflag:s6] =	ssyncadd.s32 $0xFFFFE000  }
0x257: {  	[tilespmem:s3], [sflag:$0x2] =	stream.indirect.gather [hbm4b:s7+s8], $0x40, s30, s8, $0xb8;
	[tilespmem:$0x8D00] =	vst v63  }
0x258: {  	_ =	swait.ge [sflag:s15], $0x2000  }
0x259: {  	[sflag:s15] =	ssyncset.done $0x0  }
0x25a: {  	s31 =	rddreg [dreg:$0xc];
	[sflag:s15] =	ssyncadd.s32 $0xFFFFE000  }
0x25b: {  	[hbm4b:s31+s2] =	stream.linear.scatter [tilespmem:s12], [sflag:$0x7], $0x2000, $0x38;
	[tilespmem:$0x8D00] =	vst v63  }
0x25c: {  	_ =	swait.ge [sflag:s13], $0x2000  }
0x25d: {  	[sflag:s13] =	ssyncset.done $0x0  }
0x25e: {  	[sflag:s13] =	ssyncadd.s32 $0xFFFFE000  }
0x25f: {  	[tilespmem:s12], [sflag:$0x3] =	stream.indirect.gather [hbm4b:s7+s8], $0x40, s18, s8, $0xb8;
	[tilespmem:$0x8D00] =	vst v63  }
0x260: {  	_ =	swait.ge [sflag:s16], $0x2000  }
0x261: {  	[sflag:s16] =	ssyncset.done $0x0  }
0x262: {  	s1 =	rddreg [dreg:$0xd];
	[sflag:s16] =	ssyncadd.s32 $0xFFFFE000  }
0x263: {  	[hbm4b:s1+s2] =	stream.linear.scatter [tilespmem:s10], [sflag:$0x8], $0x2000, $0x38;
	[tilespmem:$0x8D00] =	vst v63  }
0x264: {  	_ =	swait.ge [sflag:s14], $0x2000  }
0x265: {  	[sflag:s14] =	ssyncset.done $0x0  }
0x266: {  	[sflag:s14] =	ssyncadd.s32 $0xFFFFE000  }
0x267: {  	[tilespmem:s10], [sflag:$0x4] =	stream.indirect.gather [hbm4b:s7+s8], $0x40, s29, s8, $0xb8;
	[tilespmem:$0x8D00] =	vst v63  }
0x268: {  	_ =	swait.ge [sflag:s9], $0x2000  }
0x269: {  	[sflag:s9] =	ssyncset.done $0x0  }
0x26a: {  	s18 =	rddreg [dreg:$0xe];
	[sflag:s9] =	ssyncadd.s32 $0xFFFFE000  }
0x26b: {  	[hbm4b:s18+s2] =	stream.linear.scatter [tilespmem:s4], [sflag:$0x5], $0x2000, $0x38;
	[tilespmem:$0x8D00] =	vst v63  }
0x26c: {  	_ =	swait.ge [sflag:s5], $0x2000  }
0x26d: {  	[sflag:s5] =	ssyncset.done $0x0  }
0x26e: {  	[sflag:s5] =	ssyncadd.s32 $0xFFFFE000  }
0x26f: {  	[tilespmem:s4], [sflag:$0x1] =	stream.indirect.gather [hbm4b:s7+s8], $0x40, s28, s8, $0xb8;
	[tilespmem:$0x8D00] =	vst v63  }
0x270: {  	_ =	swait.ge [sflag:s11], $0x2000  }
0x271: {  	[sflag:s11] =	ssyncset.done $0x0  }
0x272: {  	s29 =	rddreg [dreg:$0xf];
	[sflag:s11] =	ssyncadd.s32 $0xFFFFE000  }
0x273: {  	[hbm4b:s29+s2] =	stream.linear.scatter [tilespmem:s3], [sflag:$0x6], $0x2000, $0x38;
	[tilespmem:$0x8D00] =	vst v63  }
0x274: {  	_ =	swait.ge [sflag:s6], $0x2000  }
0x275: {  	[sflag:s6] =	ssyncset.done $0x0  }
0x276: {  	[sflag:s6] =	ssyncadd.s32 $0xFFFFE000  }
0x277: {  	[tilespmem:s3], [sflag:$0x2] =	stream.indirect.gather [hbm4b:s7+s8], $0x40, s26, s8, $0xb8;
	[tilespmem:$0x8D00] =	vst v63  }
0x278: {  	_ =	swait.ge [sflag:s15], $0x2000  }
0x279: {  	[sflag:s15] =	ssyncset.done $0x0  }
0x27a: {  	s30 =	rddreg [dreg:$0x10];
	[sflag:s15] =	ssyncadd.s32 $0xFFFFE000  }
0x27b: {  	[hbm4b:s30+s2] =	stream.linear.scatter [tilespmem:s12], [sflag:$0x7], $0x2000, $0x38;
	[tilespmem:$0x8D00] =	vst v63  }
0x27c: {  	_ =	swait.ge [sflag:s13], $0x2000  }
0x27d: {  	[sflag:s13] =	ssyncset.done $0x0  }
0x27e: {  	[sflag:s13] =	ssyncadd.s32 $0xFFFFE000  }
0x27f: {  	[tilespmem:s12], [sflag:$0x3] =	stream.indirect.gather [hbm4b:s7+s8], $0x40, s25, s8, $0xb8;
	[tilespmem:$0x8D00] =	vst v63  }
0x280: {  	_ =	swait.ge [sflag:s16], $0x2000  }
0x281: {  	[sflag:s16] =	ssyncset.done $0x0  }
0x282: {  	s31 =	rddreg [dreg:$0x11];
	[sflag:s16] =	ssyncadd.s32 $0xFFFFE000  }
0x283: {  	[hbm4b:s31+s2] =	stream.linear.scatter [tilespmem:s10], [sflag:$0x8], $0x2000, $0x38;
	[tilespmem:$0x8D00] =	vst v63  }
0x284: {  	_ =	swait.ge [sflag:s14], $0x2000  }
0x285: {  	[sflag:s14] =	ssyncset.done $0x0  }
0x286: {  	[sflag:s14] =	ssyncadd.s32 $0xFFFFE000  }
0x287: {  	[tilespmem:s10], [sflag:$0x4] =	stream.indirect.gather [hbm4b:s7+s8], $0x40, s24, s8, $0xb8;
	[tilespmem:$0x8D00] =	vst v63  }
0x288: {  	_ =	swait.ge [sflag:s9], $0x2000  }
0x289: {  	[sflag:s9] =	ssyncset.done $0x0  }
0x28a: {  	s1 =	rddreg [dreg:$0x12];
	[sflag:s9] =	ssyncadd.s32 $0xFFFFE000  }
0x28b: {  	[hbm4b:s1+s2] =	stream.linear.scatter [tilespmem:s4], [sflag:$0x5], $0x2000, $0x38;
	[tilespmem:$0x8D00] =	vst v63  }
0x28c: {  	_ =	swait.ge [sflag:s5], $0x2000  }
0x28d: {  	[sflag:s5] =	ssyncset.done $0x0  }
0x28e: {  	[sflag:s5] =	ssyncadd.s32 $0xFFFFE000  }
0x28f: {  	[tilespmem:s4], [sflag:$0x1] =	stream.indirect.gather [hbm4b:s7+s8], $0x40, s23, s8, $0xb8;
	[tilespmem:$0x8D00] =	vst v63  }
0x290: {  	_ =	swait.ge [sflag:s11], $0x2000  }
0x291: {  	[sflag:s11] =	ssyncset.done $0x0  }
0x292: {  	s18 =	rddreg [dreg:$0x13];
	[sflag:s11] =	ssyncadd.s32 $0xFFFFE000  }
0x293: {  	[hbm4b:s18+s2] =	stream.linear.scatter [tilespmem:s3], [sflag:$0x6], $0x2000, $0x38;
	[tilespmem:$0x8D00] =	vst v63  }
0x294: {  	_ =	swait.ge [sflag:s6], $0x2000  }
0x295: {  	[sflag:s6] =	ssyncset.done $0x0  }
0x296: {  	[sflag:s6] =	ssyncadd.s32 $0xFFFFE000  }
0x297: {  	[tilespmem:s3], [sflag:$0x2] =	stream.indirect.gather [hbm4b:s7+s8], $0x40, s22, s8, $0xb8;
	[tilespmem:$0x8D00] =	vst v63  }
0x298: {  	_ =	swait.ge [sflag:s15], $0x2000  }
0x299: {  	[sflag:s15] =	ssyncset.done $0x0  }
0x29a: {  	s22 =	rddreg [dreg:$0x14];
	[sflag:s15] =	ssyncadd.s32 $0xFFFFE000  }
0x29b: {  	[hbm4b:s22+s2] =	stream.linear.scatter [tilespmem:s12], [sflag:$0x7], $0x2000, $0x38;
	[tilespmem:$0x8D00] =	vst v63  }
0x29c: {  	_ =	swait.ge [sflag:s13], $0x2000  }
0x29d: {  	[sflag:s13] =	ssyncset.done $0x0  }
0x29e: {  	[sflag:s13] =	ssyncadd.s32 $0xFFFFE000  }
0x29f: {  	[tilespmem:s12], [sflag:$0x3] =	stream.indirect.gather [hbm4b:s7+s8], $0x40, s21, s8, $0xb8;
	[tilespmem:$0x8D00] =	vst v63  }
0x2a0: {  	_ =	swait.ge [sflag:s16], $0x2000  }
0x2a1: {  	[sflag:s16] =	ssyncset.done $0x0  }
0x2a2: {  	s23 =	rddreg [dreg:$0x15];
	[sflag:s16] =	ssyncadd.s32 $0xFFFFE000  }
0x2a3: {  	[hbm4b:s23+s2] =	stream.linear.scatter [tilespmem:s10], [sflag:$0x8], $0x2000, $0x38;
	[tilespmem:$0x8D00] =	vst v63  }
0x2a4: {  	_ =	swait.ge [sflag:s14], $0x2000  }
0x2a5: {  	[sflag:s14] =	ssyncset.done $0x0  }
0x2a6: {  	[sflag:s14] =	ssyncadd.s32 $0xFFFFE000  }
0x2a7: {  	[tilespmem:s10], [sflag:$0x4] =	stream.indirect.gather [hbm4b:s7+s8], $0x40, s20, s8, $0xb8;
	[tilespmem:$0x8D00] =	vst v63  }
0x2a8: {  	_ =	swait.ge [sflag:s9], $0x2000  }
0x2a9: {  	[sflag:s9] =	ssyncset.done $0x0  }
0x2aa: {  	s24 =	rddreg [dreg:$0x16];
	[sflag:s9] =	ssyncadd.s32 $0xFFFFE000  }
0x2ab: {  	[hbm4b:s24+s2] =	stream.linear.scatter [tilespmem:s4], [sflag:$0x5], $0x2000, $0x38;
	[tilespmem:$0x8D00] =	vst v63  }
0x2ac: {  	_ =	swait.ge [sflag:s5], $0x2000  }
0x2ad: {  	[sflag:s5] =	ssyncset.done $0x0  }
0x2ae: {  	[sflag:s5] =	ssyncadd.s32 $0xFFFFE000  }
0x2af: {  	[tilespmem:s4], [sflag:$0x1] =	stream.indirect.gather [hbm4b:s7+s8], $0x40, s19, s8, $0xb8;
	[tilespmem:$0x8D00] =	vst v63  }
0x2b0: {  	_ =	swait.ge [sflag:s11], $0x2000  }
0x2b1: {  	[sflag:s11] =	ssyncset.done $0x0  }
0x2b2: {  	s25 =	rddreg [dreg:$0x17];
	[sflag:s11] =	ssyncadd.s32 $0xFFFFE000  }
0x2b3: {  	[hbm4b:s25+s2] =	stream.linear.scatter [tilespmem:s3], [sflag:$0x6], $0x2000, $0x38;
	[tilespmem:$0x8D00] =	vst v63  }
0x2b4: {  	_ =	swait.ge [sflag:s6], $0x2000  }
0x2b5: {  	[sflag:s6] =	ssyncset.done $0x0  }
0x2b6: {  	s26 =	simm.s32 $0xC80;
	[sflag:s6] =	ssyncadd.s32 $0xFFFFE000  }
0x2b7: {  	[tilespmem:s3], [sflag:$0x2] =	stream.indirect.gather [hbm4b:s7+s8], $0x40, s26, s8, $0xb8;
	[tilespmem:$0x8D00] =	vst v63  }
0x2b8: {  	_ =	swait.ge [sflag:s15], $0x2000  }
0x2b9: {  	[sflag:s15] =	ssyncset.done $0x0  }
0x2ba: {  	s28 =	rddreg [dreg:$0x18];
	[sflag:s15] =	ssyncadd.s32 $0xFFFFE000  }
0x2bb: {  	[hbm4b:s28+s2] =	stream.linear.scatter [tilespmem:s12], [sflag:$0x7], $0x2000, $0x38;
	[tilespmem:$0x8D00] =	vst v63  }
0x2bc: {  	_ =	swait.ge [sflag:s16], $0x2000  }
0x2bd: {  	[sflag:s16] =	ssyncset.done $0x0  }
0x2be: {  	s29 =	rddreg [dreg:$0x19];
	[sflag:s16] =	ssyncadd.s32 $0xFFFFE000  }
0x2bf: {  	[hbm4b:s29+s2] =	stream.linear.scatter [tilespmem:s10], [sflag:$0x8], $0x2000, $0x38;
	[tilespmem:$0x8D00] =	vst v63  }
0x2c0: {  	_ =	swait.ge [sflag:s9], $0x2000  }
0x2c1: {  	[sflag:s9] =	ssyncset.done $0x0  }
0x2c2: {  	s30 =	rddreg [dreg:$0x1a];
	[sflag:s9] =	ssyncadd.s32 $0xFFFFE000  }
0x2c3: {  	[hbm4b:s30+s2] =	stream.linear.scatter [tilespmem:s4], [sflag:$0x5], $0x2000, $0x38;
	[tilespmem:$0x8D00] =	vst v63  }
0x2c4: {  	_ =	swait.ge [sflag:s11], $0x2000  }
0x2c5: {  	[sflag:s11] =	ssyncset.done $0x0  }
0x2c6: {  	s31 =	rddreg [dreg:$0x1b];
	[sflag:s11] =	ssyncadd.s32 $0xFFFFE000  }
0x2c7: {  	[hbm4b:s31+s2] =	stream.linear.scatter [tilespmem:s3], [sflag:$0x6], $0x2000, $0x38;
	[tilespmem:$0x8D00] =	vst v63  }
0x2c8: {  	_ =	swait.ge [sflag:s13], $0x2000  }
0x2c9: {  	[sflag:s13] =	ssyncset.done $0x0  }
0x2ca: {  	[sflag:s13] =	ssyncadd.s32 $0xFFFFE000  }
0x2cb: {  	_ =	swait.ge [sflag:s14], $0x2000  }
0x2cc: {  	[sflag:s14] =	ssyncset.done $0x0  }
0x2cd: {  	[sflag:s14] =	ssyncadd.s32 $0xFFFFE000  }
0x2ce: {  	_ =	swait.ge [sflag:s5], $0x2000  }
0x2cf: {  	[sflag:s5] =	ssyncset.done $0x0  }
0x2d0: {  	[sflag:s5] =	ssyncadd.s32 $0xFFFFE000  }
0x2d1: {  	_ =	swait.ge [sflag:s6], $0x2000  }
0x2d2: {  	[sflag:s6] =	ssyncset.done $0x0  }
0x2d3: {  	[sflag:s6] =	ssyncadd.s32 $0xFFFFE000  }
0x2d4: {  	_ =	sfence.sel $0x180000  }
0x2d5: {  	[bflag:$0x0] =	sbarrier.arrive $0xFFFF  }
0x2d6: {  	_ =	strace $0x90000047  }
0x2d7: {  	[bflag:$0x2] =	sbarrier.arrive $0xFFFF  }
0x2d8: {  	p0 =	sne.s32 s17, $0x0;
	s0 =	rddreg [dreg:$0x1]  }
0x2d9: {  	s0 =	sadd.s32 @!p0 $0x100000, s0  }
0x2da: {  	[sflag:s0] =	ssyncadd.tile.s32 @!p0 $0x1;
	_ =	shalt  }
.LBB2_1:
.Ltmp3:
0x2db: {  	(pc) =	sbr.rel .LBB2_6-.Ltmp3, $4  }
0x2dc: {  	s18 =	simm.s32 $0x700;
	s29 =	simm.s32 $0x780  }
0x2dd: {  	s28 =	simm.s32 $0x800;
	s26 =	simm.s32 $0x880;
	s25 =	simm.s32 $0x900  }
0x2de: {  	s24 =	simm.s32 $0x980;
	s23 =	simm.s32 $0xA00;
	s22 =	simm.s32 $0xA80  }
0x2df: {  	s21 =	simm.s32 $0xB00;
	s20 =	simm.s32 $0xB80;
	s19 =	simm.s32 $0xC00  }
.LBB2_3:
.Ltmp4:
0x2e0: {  	(pc) =	sbr.rel .LBB2_6-.Ltmp4, $4  }
0x2e1: {  	s18 =	simm.s32 $0x700;
	s29 =	simm.s32 $0x780;
	s28 =	simm.s32 $0x800  }
0x2e2: {  	s26 =	simm.s32 $0x880;
	s25 =	simm.s32 $0x900;
	s24 =	simm.s32 $0x980  }
0x2e3: {  	s23 =	simm.s32 $0xA00;
	s22 =	simm.s32 $0xA80;
	s21 =	simm.s32 $0xB00  }
0x2e4: {  	s20 =	simm.s32 $0xB80;
	s19 =	simm.s32 $0xC00;
	s17 =	stileid.u32  }
.Lfunc_end2:
_tile_overlayer_lowered:
.L_overlay_start_2:
0x2e5: {  	(tag) =	ssettag $0x2  }
0x2e6: {  	s0 =	rddreg [dreg:$0x0];
	s2 =	stileid.u32  }
0x2e7: {  	s1 =	rddreg [dreg:$0x1];
	p0 =	sne.s32 s2, $0x0  }
0x2e8: {  	s3 =	rddreg [dreg:$0x2];
	[bflag:$0x3] =	sbarrier.arrive $0xFFFF;
	s2 =	simm.s32 @!p0 $0x1C09  }
0x2e9: {  	[timem:s3], [sflag:s2] =	dma.local @!p0 [hbm:s0], s1  }
0x2ea: {  	s0 =	simm.s32 @!p0 $0x9  }
0x2eb: {  	_ =	swait.ge @!p0 [sflag:s0], s1  }
0x2ec: {  	s1 =	ssub.s32 @!p0 $0x0, s1;
	[sflag:s0] =	ssyncset.done @!p0 $0x0  }
0x2ed: {  	[sflag:s0] =	ssyncadd.s32 @!p0 s1  }
0x2ee: {  	[bflag:$0x3] =	sbarrier.arrive $0xFFFF  }
0x2ef: {  	_ =	shalt  }

</sc_bundles>
